<compile_context>
chip_gen: v7x
topology: tpu7x:2x2x1
jax: 0.10.2.dev20260603
libtpu: 0.0.44.dev20260713+nightly
codegen_flags: <defaults>
</compile_context>

<pallas_src>
import functools

import jax
import jax.numpy as jnp
from jax import lax
from jax.experimental import pallas as pl
from jax.experimental.pallas import tpu as pltpu
from jax.experimental.pallas import tpu_sc as plsc

N = 10000
NP = 10240
D = 128
E = 320000
NUM_TILES = 32
CHUNK = 125
CHUNKS_PER_TILE = 80
EDGES_PER_TILE = CHUNK * CHUNKS_PER_TILE
ROWS_PER_TILE = NP // 16
ROWS_PER_BLOCK = 1024
GRID = NP // ROWS_PER_BLOCK
GROUP = 16
NUM_GROUPS = CHUNKS_PER_TILE // GROUP


_MESH = plsc.VectorSubcoreMesh(core_axis_name="c", subcore_axis_name="s")


@functools.partial(
    pl.kernel,
    out_type=jax.ShapeDtypeStruct((2, NP), jnp.float32),
    mesh=_MESH,
    scratch_types=[
        pltpu.VMEM_SHARED((NP,), jnp.float32),
        pltpu.VMEM((CHUNKS_PER_TILE, CHUNK), jnp.int32),
        pltpu.VMEM((CHUNK,), jnp.float32),
        pltpu.VMEM((ROWS_PER_TILE,), jnp.float32),
    ],
)
def _sc_degree(ei_hbm, out_hbm, deg_sh, dst_v, ones_v, zero_v):
    c = lax.axis_index("c")
    s = lax.axis_index("s")
    wid = c * 16 + s

    zvec = jnp.zeros((16,), jnp.float32)
    ovec = jnp.ones((16,), jnp.float32)

    def fill(i, carry):
        zero_v[pl.ds(i * 16, 16)] = zvec
        return carry

    lax.fori_loop(0, ROWS_PER_TILE // 16, fill, 0)
    for k in range(CHUNK // 16):
        ones_v[pl.ds(k * 16, 16)] = ovec
    ones_v[pl.ds(CHUNK - 16, 16)] = ovec

    pltpu.sync_copy(zero_v, deg_sh.at[pl.ds(s * ROWS_PER_TILE, ROWS_PER_TILE)])
    pltpu.sync_copy(
        ei_hbm.at[1, pl.ds(wid * CHUNKS_PER_TILE, CHUNKS_PER_TILE)], dst_v)
    plsc.subcore_barrier()

    def body(j, carry):
        pltpu.sync_copy(ones_v, deg_sh.at[dst_v.at[j]], add=True)
        return carry

    lax.fori_loop(0, CHUNKS_PER_TILE, body, 0)
    plsc.subcore_barrier()

    @pl.when(s == 0)
    def _flush():
        pltpu.sync_copy(deg_sh, out_hbm.at[c])


@functools.partial(
    pl.kernel,
    out_type=jax.ShapeDtypeStruct((2, NP, D), jnp.float32),
    mesh=_MESH,
    scratch_types=[
        pltpu.VMEM_SHARED((NP, D), jnp.float32),
        pltpu.VMEM((2, GROUP, CHUNK), jnp.int32),
        pltpu.VMEM((2, GROUP, CHUNK), jnp.int32),
        pltpu.VMEM((CHUNK, D), jnp.float32),
        pltpu.VMEM((CHUNK, D), jnp.float32),
        pltpu.SemaphoreType.DMA,
        pltpu.SemaphoreType.DMA,
    ],
)
def _sc_scatter(hp_hbm, ei_hbm, out_hbm,
                acc_sh, src_v, dst_v, buf_a, buf_b, sem_a, sem_b):
    c = lax.axis_index("c")
    s = lax.axis_index("s")
    wid = c * 16 + s
    base = wid * CHUNKS_PER_TILE

    pltpu.sync_copy(ei_hbm.at[0, pl.ds(base, GROUP)], src_v.at[0])
    pltpu.sync_copy(ei_hbm.at[1, pl.ds(base, GROUP)], dst_v.at[0])

    pltpu.async_copy(hp_hbm.at[src_v.at[0, 0]], buf_a, sem_a)

    zvec = jnp.zeros((16,), jnp.float32)

    def zfill(i, carry):
        for k in range(D // 16):
            buf_b[i, pl.ds(k * 16, 16)] = zvec
        return carry

    lax.fori_loop(0, CHUNK, zfill, 0)
    row0 = s * ROWS_PER_TILE
    for r in range(ROWS_PER_TILE // CHUNK):
        pltpu.sync_copy(buf_b, acc_sh.at[pl.ds(row0 + r * CHUNK, CHUNK)])
    rem = ROWS_PER_TILE % CHUNK
    if rem:
        pltpu.sync_copy(buf_b.at[pl.ds(0, rem)],
                        acc_sh.at[pl.ds(row0 + ROWS_PER_TILE - rem, rem)])

    pltpu.async_copy(hp_hbm.at[src_v.at[0, 1]], buf_b, sem_b)
    plsc.subcore_barrier()

    def step(j, buf, sem):
        g = j // GROUP
        k = j % GROUP
        slot = g % 2

        @pl.when(jnp.logical_and(k == 0, g + 1 < NUM_GROUPS))
        def _prefetch_group():
            nxt = g + 1
            pltpu.sync_copy(ei_hbm.at[0, pl.ds(base + nxt * GROUP, GROUP)],
                            src_v.at[nxt % 2])
            pltpu.sync_copy(ei_hbm.at[1, pl.ds(base + nxt * GROUP, GROUP)],
                            dst_v.at[nxt % 2])

        pltpu.make_async_copy(hp_hbm.at[src_v.at[slot, k]], buf, sem).wait()
        pltpu.sync_copy(buf, acc_sh.at[dst_v.at[slot, k]], add=True)

        @pl.when(j + 2 < CHUNKS_PER_TILE)
        def _next():
            jn = j + 2
            pltpu.async_copy(
                hp_hbm.at[src_v.at[(jn // GROUP) % 2, jn % GROUP]], buf, sem)

    def body(i, carry):
        step(2 * i, buf_a, sem_a)
        step(2 * i + 1, buf_b, sem_b)
        return carry

    lax.fori_loop(0, CHUNKS_PER_TILE // 2, body, 0)
    plsc.subcore_barrier()

    @pl.when(s == 0)
    def _flush():
        pltpu.sync_copy(acc_sh, out_hbm.at[c])


def _dinv_col(deg_blk):
    deg = deg_blk[0] + deg_blk[1] + 1.0
    dinv = lax.rsqrt(deg)
    r_sub = lax.broadcasted_iota(jnp.int32, (ROWS_PER_BLOCK, 8), 0) // 128
    k_sub = lax.broadcasted_iota(jnp.int32, (ROWS_PER_BLOCK, 8), 1)
    onehot = (r_sub == k_sub).astype(jnp.float32)
    rows = jnp.dot(onehot, dinv, preferred_element_type=jnp.float32)
    r_lane = lax.broadcasted_iota(jnp.int32, (ROWS_PER_BLOCK, 128), 0) % 128
    m_lane = lax.broadcasted_iota(jnp.int32, (ROWS_PER_BLOCK, 128), 1)
    sel = (r_lane == m_lane).astype(jnp.float32)
    return jnp.sum(rows * sel, axis=1, keepdims=True)


def _tc1_body(x_ref, w_ref, deg_ref, hp_ref):
    h = jnp.dot(x_ref[...], w_ref[...], preferred_element_type=jnp.float32)
    hp_ref[...] = h * _dinv_col(deg_ref[...])


def _tc2_body(acc_ref, hp_ref, deg_ref, w_ref, b_ref, hp2_ref):
    dinv = _dinv_col(deg_ref[...])
    out1 = (acc_ref[0] + acc_ref[1] + hp_ref[...]) * dinv + b_ref[...]
    h2 = jnp.dot(out1, w_ref[...], preferred_element_type=jnp.float32)
    hp2_ref[...] = h2 * dinv


def _tc3_body(acc_ref, hp_ref, deg_ref, b_ref, out_ref):
    dinv = _dinv_col(deg_ref[...])
    out_ref[...] = (acc_ref[0] + acc_ref[1] + hp_ref[...]) * dinv + b_ref[...]


_row_spec = pl.BlockSpec((ROWS_PER_BLOCK, D), lambda i: (i, 0))
_w_spec = pl.BlockSpec((D, D), lambda i: (0, 0))
_b_spec = pl.BlockSpec((1, D), lambda i: (0, 0))
_deg_spec = pl.BlockSpec((2, 8, D), lambda i: (0, i, 0))
_acc_spec = pl.BlockSpec((2, ROWS_PER_BLOCK, D), lambda i: (0, i, 0))

_tc1 = pl.pallas_call(
    _tc1_body,
    grid=(GRID,),
    in_specs=[_row_spec, _w_spec, _deg_spec],
    out_specs=_row_spec,
    out_shape=jax.ShapeDtypeStruct((NP, D), jnp.float32),
)

_tc2 = pl.pallas_call(
    _tc2_body,
    grid=(GRID,),
    in_specs=[_acc_spec, _row_spec, _deg_spec, _w_spec, _b_spec],
    out_specs=_row_spec,
    out_shape=jax.ShapeDtypeStruct((NP, D), jnp.float32),
)

_tc3 = pl.pallas_call(
    _tc3_body,
    grid=(GRID,),
    in_specs=[_acc_spec, _row_spec, _deg_spec, _b_spec],
    out_specs=_row_spec,
    out_shape=jax.ShapeDtypeStruct((N, D), jnp.float32),
)


def kernel(x, edge_index, W1, b1, W2, b2):
    ei = edge_index.astype(jnp.int32).reshape(
        2, NUM_TILES * CHUNKS_PER_TILE, CHUNK)
    b1r = b1.reshape(1, D)
    b2r = b2.reshape(1, D)

    deg2 = _sc_degree(ei).reshape(2, NP // 128, 128)

    hp1 = _tc1(x, W1, deg2)
    acc1 = _sc_scatter(hp1, ei)
    hp2 = _tc2(acc1, hp1, deg2, W2, b1r)
    acc2 = _sc_scatter(hp2, ei)
    return _tc3(acc2, hp2, deg2, b2r)

# --- scband reference (transcript-rebuilt; emitter-appended) ---
"""Pipeline reference for scband-gcn-17703855194320 (READ-ONLY COPY).

The authoritative reference and input builder live on the scoring server;
editing this copy changes nothing except your own understanding.
"""

import jax, jax.numpy as jnp
import numpy as np

N = 10000
E = 320000
D = 128
H = 128


def gcn_conv(x, edge_index, W, b):
    # Faithful PyG GCNConv: add self-loops, symmetric deg normalization,
    # linear transform, gather messages, scatter-add to dst, add bias.
    n = x.shape[0]
    src = edge_index[0]
    dst = edge_index[1]
    loop = jnp.arange(n, dtype=src.dtype)
    src = jnp.concatenate([src, loop])
    dst = jnp.concatenate([dst, loop])
    deg = jnp.zeros((n,), dtype=x.dtype).at[dst].add(1.0)
    deg_inv_sqrt = jnp.where(deg > 0, deg ** -0.5, 0.0)
    norm = deg_inv_sqrt[src] * deg_inv_sqrt[dst]
    h = x @ W
    msg = h[src] * norm[:, None]
    out = jnp.zeros((n, h.shape[1]), dtype=x.dtype).at[dst].add(msg)
    return out + b


def setup_inputs(seed: int = 0) -> dict:
    key = jax.random.key(seed)
    k1, k2, k3, k4, k5, k6 = jax.random.split(key, 6)
    x = jax.random.normal(k1, (N, D), dtype=jnp.float32)
    edge_index = jax.random.randint(k2, (2, E), 0, N).astype(jnp.int64)
    W1 = jax.random.normal(k3, (D, H), dtype=jnp.float32) / jnp.sqrt(D)
    b1 = jnp.zeros((H,), dtype=jnp.float32)
    W2 = jax.random.normal(k4, (H, H), dtype=jnp.float32) / jnp.sqrt(H)
    b2 = jnp.zeros((H,), dtype=jnp.float32)
    return {"x": x, "edge_index": edge_index, "W1": W1, "b1": b1, "W2": W2, "b2": b2}


def reference(x, edge_index, W1, b1, W2, b2):
    # GCN.forward: two stacked GCNConv layers (dropout=0, batch_norm=False,
    # activation is constructed but never applied in forward).
    h = gcn_conv(x, edge_index, W1, b1)
    h = gcn_conv(h, edge_index, W2, b2)
    return h

if __name__ == "__main__":
    import jax
    _d = setup_inputs()
    print(jax.jit(kernel)(*tuple(_d.values())))

</pallas_src>

<mosaic_0001>
#map = affine_map<(d0, d1) -> (0, 0, 0)>
#map1 = affine_map<(d0, d1) -> (0, 0)>
module attributes {stable_mosaic.version = 14 : i64} {
  func.func @_sc_degree(%arg0: i32, %arg1: i32, %arg2: memref<2x2560x125xi32, #tpu.memory_space<hbm>>, %arg3: memref<2x10240xf32, #tpu.memory_space<hbm>>, %arg4: memref<10240xf32, #tpu.memory_space<vmem_shared>>, %arg5: memref<80x125xi32, #tpu.memory_space<vmem>>, %arg6: memref<125xf32, #tpu.memory_space<vmem>>, %arg7: memref<640xf32, #tpu.memory_space<vmem>>) attributes {dimension_semantics = [#tpu.dimension_semantics<core_parallel>, #tpu.dimension_semantics<subcore_parallel>], iteration_bounds = array<i64: 2, 16>, scalar_prefetch = 0 : i64, scratch_operands = 4 : i64, tpu.core_type = #tpu.core_type<sc_vector_subcore>, window_params = [{transform_indices = #map}, {transform_indices = #map1}]} {
    %mul3A = arith.constant 16 : i32
    %mul3A_0 = arith.muli %arg0, %mul3A : i32
    %add3A = arith.addi %mul3A_0, %arg1 : i32
    %broadcast_in_dim3A = arith.constant 0.000000e+00 : f32
    %broadcast_in_dim3A_1 = vector.broadcast %broadcast_in_dim3A : f32 to vector<16xf32>
    %broadcast_in_dim3A_2 = arith.constant 1.000000e+00 : f32
    %broadcast_in_dim3A_3 = vector.broadcast %broadcast_in_dim3A_2 : f32 to vector<16xf32>
    %scan3A = arith.constant 0 : i32
    %scan3A_4 = arith.constant 0 : i32
    %scan3A_5 = arith.constant 40 : i32
    %scan3A_6 = arith.addi %scan3A_4, %scan3A_5 : i32
    %scan3A_7 = arith.constant 1 : i32
    scf.for %scan3A_53 = %scan3A_4 to %scan3A_6 step %scan3A_7  : i32 {
      %mul3A_54 = arith.constant 16 : i32
      %mul3A_55 = arith.muli %scan3A_53, %mul3A_54 : i32
      %swap3A_56 = arith.index_cast %mul3A_55 : i32 to index
      %swap3A_57 = tpu.vector_load %arg7[%swap3A_56] {strides = array<i32>} : memref<640xf32, #tpu.memory_space<vmem>>, vector<16xf32>,
      %swap3A_58 = vector.shape_cast %swap3A_57 : vector<16xf32> to vector<16xf32>
      %swap3A_59 = vector.shape_cast %broadcast_in_dim3A_1 : vector<16xf32> to vector<16xf32>
      tpu.vector_store %arg7[%swap3A_56], %swap3A_59 {strides = array<i32>} : memref<640xf32, #tpu.memory_space<vmem>>, vector<16xf32>,
    }
    %scan3A_8 = arith.constant 40 : i32
    %swap3A = arith.constant 0 : index
    %swap3A_9 = tpu.vector_load %arg6[%swap3A] {strides = array<i32>} : memref<125xf32, #tpu.memory_space<vmem>>, vector<16xf32>,
    %swap3A_10 = vector.shape_cast %swap3A_9 : vector<16xf32> to vector<16xf32>
    %swap3A_11 = vector.shape_cast %broadcast_in_dim3A_3 : vector<16xf32> to vector<16xf32>
    tpu.vector_store %arg6[%swap3A], %swap3A_11 {strides = array<i32>} : memref<125xf32, #tpu.memory_space<vmem>>, vector<16xf32>,
    %swap3A_12 = arith.constant 16 : index
    %swap3A_13 = tpu.vector_load %arg6[%swap3A_12] {strides = array<i32>} : memref<125xf32, #tpu.memory_space<vmem>>, vector<16xf32>,
    %swap3A_14 = vector.shape_cast %swap3A_13 : vector<16xf32> to vector<16xf32>
    %swap3A_15 = vector.shape_cast %broadcast_in_dim3A_3 : vector<16xf32> to vector<16xf32>
    tpu.vector_store %arg6[%swap3A_12], %swap3A_15 {strides = array<i32>} : memref<125xf32, #tpu.memory_space<vmem>>, vector<16xf32>,
    %swap3A_16 = arith.constant 32 : index
    %swap3A_17 = tpu.vector_load %arg6[%swap3A_16] {strides = array<i32>} : memref<125xf32, #tpu.memory_space<vmem>>, vector<16xf32>,
    %swap3A_18 = vector.shape_cast %swap3A_17 : vector<16xf32> to vector<16xf32>
    %swap3A_19 = vector.shape_cast %broadcast_in_dim3A_3 : vector<16xf32> to vector<16xf32>
    tpu.vector_store %arg6[%swap3A_16], %swap3A_19 {strides = array<i32>} : memref<125xf32, #tpu.memory_space<vmem>>, vector<16xf32>,
    %swap3A_20 = arith.constant 48 : index
    %swap3A_21 = tpu.vector_load %arg6[%swap3A_20] {strides = array<i32>} : memref<125xf32, #tpu.memory_space<vmem>>, vector<16xf32>,
    %swap3A_22 = vector.shape_cast %swap3A_21 : vector<16xf32> to vector<16xf32>
    %swap3A_23 = vector.shape_cast %broadcast_in_dim3A_3 : vector<16xf32> to vector<16xf32>
    tpu.vector_store %arg6[%swap3A_20], %swap3A_23 {strides = array<i32>} : memref<125xf32, #tpu.memory_space<vmem>>, vector<16xf32>,
    %swap3A_24 = arith.constant 64 : index
    %swap3A_25 = tpu.vector_load %arg6[%swap3A_24] {strides = array<i32>} : memref<125xf32, #tpu.memory_space<vmem>>, vector<16xf32>,
    %swap3A_26 = vector.shape_cast %swap3A_25 : vector<16xf32> to vector<16xf32>
    %swap3A_27 = vector.shape_cast %broadcast_in_dim3A_3 : vector<16xf32> to vector<16xf32>
    tpu.vector_store %arg6[%swap3A_24], %swap3A_27 {strides = array<i32>} : memref<125xf32, #tpu.memory_space<vmem>>, vector<16xf32>,
    %swap3A_28 = arith.constant 80 : index
    %swap3A_29 = tpu.vector_load %arg6[%swap3A_28] {strides = array<i32>} : memref<125xf32, #tpu.memory_space<vmem>>, vector<16xf32>,
    %swap3A_30 = vector.shape_cast %swap3A_29 : vector<16xf32> to vector<16xf32>
    %swap3A_31 = vector.shape_cast %broadcast_in_dim3A_3 : vector<16xf32> to vector<16xf32>
    tpu.vector_store %arg6[%swap3A_28], %swap3A_31 {strides = array<i32>} : memref<125xf32, #tpu.memory_space<vmem>>, vector<16xf32>,
    %swap3A_32 = arith.constant 96 : index
    %swap3A_33 = tpu.vector_load %arg6[%swap3A_32] {strides = array<i32>} : memref<125xf32, #tpu.memory_space<vmem>>, vector<16xf32>,
    %swap3A_34 = vector.shape_cast %swap3A_33 : vector<16xf32> to vector<16xf32>
    %swap3A_35 = vector.shape_cast %broadcast_in_dim3A_3 : vector<16xf32> to vector<16xf32>
    tpu.vector_store %arg6[%swap3A_32], %swap3A_35 {strides = array<i32>} : memref<125xf32, #tpu.memory_space<vmem>>, vector<16xf32>,
    %swap3A_36 = arith.constant 109 : index
    %swap3A_37 = tpu.vector_load %arg6[%swap3A_36] {strides = array<i32>} : memref<125xf32, #tpu.memory_space<vmem>>, vector<16xf32>,
    %swap3A_38 = vector.shape_cast %swap3A_37 : vector<16xf32> to vector<16xf32>
    %swap3A_39 = vector.shape_cast %broadcast_in_dim3A_3 : vector<16xf32> to vector<16xf32>
    tpu.vector_store %arg6[%swap3A_36], %swap3A_39 {strides = array<i32>} : memref<125xf32, #tpu.memory_space<vmem>>, vector<16xf32>,
    %mul3A_40 = arith.constant 640 : i32
    %mul3A_41 = arith.muli %arg1, %mul3A_40 : i32
    "tpu.region"() ({
      %run_scoped3A_53 = tpu.sem_alloc : memref<!tpu.dma_semaphore, #tpu.memory_space<semaphore_mem>>
      %dma_start3A = tpu.memref_slice %arg4[%mul3A_41] : memref<10240xf32, #tpu.memory_space<vmem_shared>> -> memref<640xf32, #tpu.memory_space<vmem_shared>>
      %dma_start3A_54 = tpu.memref_slice %arg4[%mul3A_41] : memref<10240xf32, #tpu.memory_space<vmem_shared>> -> memref<640xf32, #tpu.memory_space<vmem_shared>>
      tpu.enqueue_dma source(%arg7 : memref<640xf32, #tpu.memory_space<vmem>>) target(%dma_start3A_54 : memref<640xf32, #tpu.memory_space<vmem_shared>>) target_semaphore(%run_scoped3A_53 : memref<!tpu.dma_semaphore, #tpu.memory_space<semaphore_mem>>)
      %dma_wait3A = tpu.memref_slice %arg4[%mul3A_41] : memref<10240xf32, #tpu.memory_space<vmem_shared>> -> memref<640xf32, #tpu.memory_space<vmem_shared>>
      %dma_wait3A_55 = tpu.memref_slice %arg4[%mul3A_41] : memref<10240xf32, #tpu.memory_space<vmem_shared>> -> memref<640xf32, #tpu.memory_space<vmem_shared>>
      tpu.wait_dma2 semaphore(%run_scoped3A_53 : memref<!tpu.dma_semaphore, #tpu.memory_space<semaphore_mem>>) src(%arg7 : memref<640xf32, #tpu.memory_space<vmem>>) dst(%dma_wait3A_55 : memref<640xf32, #tpu.memory_space<vmem_shared>>)
      tpu.yield
    }) : () -> ()
    %mul3A_42 = arith.constant 80 : i32
    %mul3A_43 = arith.muli %add3A, %mul3A_42 : i32
    %run_scoped3A = arith.constant 1 : i32
    "tpu.region"() ({
      %run_scoped3A_53 = tpu.sem_alloc : memref<!tpu.dma_semaphore, #tpu.memory_space<semaphore_mem>>
      %dma_start3A = arith.constant 0 : i32
      %dma_start3A_54 = tpu.memref_slice %arg2[%run_scoped3A, %mul3A_43, %dma_start3A] : memref<2x2560x125xi32, #tpu.memory_space<hbm>> -> memref<1x80x125xi32, #tpu.memory_space<hbm>>
      %dma_start3A_55 = tpu.memref_squeeze %dma_start3A_54 : memref<1x80x125xi32, #tpu.memory_space<hbm>> -> memref<80x125xi32, #tpu.memory_space<hbm>>
      %dma_start3A_56 = arith.constant 0 : i32
      %dma_start3A_57 = tpu.memref_slice %arg2[%run_scoped3A, %mul3A_43, %dma_start3A_56] : memref<2x2560x125xi32, #tpu.memory_space<hbm>> -> memref<1x80x125xi32, #tpu.memory_space<hbm>>
      %dma_start3A_58 = tpu.memref_squeeze %dma_start3A_57 : memref<1x80x125xi32, #tpu.memory_space<hbm>> -> memref<80x125xi32, #tpu.memory_space<hbm>>
      tpu.enqueue_dma source(%dma_start3A_58 : memref<80x125xi32, #tpu.memory_space<hbm>>) target(%arg5 : memref<80x125xi32, #tpu.memory_space<vmem>>) target_semaphore(%run_scoped3A_53 : memref<!tpu.dma_semaphore, #tpu.memory_space<semaphore_mem>>)
      %dma_wait3A = arith.constant 0 : i32
      %dma_wait3A_59 = tpu.memref_slice %arg2[%run_scoped3A, %mul3A_43, %dma_wait3A] : memref<2x2560x125xi32, #tpu.memory_space<hbm>> -> memref<1x80x125xi32, #tpu.memory_space<hbm>>
      %dma_wait3A_60 = tpu.memref_squeeze %dma_wait3A_59 : memref<1x80x125xi32, #tpu.memory_space<hbm>> -> memref<80x125xi32, #tpu.memory_space<hbm>>
      %dma_wait3A_61 = arith.constant 0 : i32
      %dma_wait3A_62 = tpu.memref_slice %arg2[%run_scoped3A, %mul3A_43, %dma_wait3A_61] : memref<2x2560x125xi32, #tpu.memory_space<hbm>> -> memref<1x80x125xi32, #tpu.memory_space<hbm>>
      %dma_wait3A_63 = tpu.memref_squeeze %dma_wait3A_62 : memref<1x80x125xi32, #tpu.memory_space<hbm>> -> memref<80x125xi32, #tpu.memory_space<hbm>>
      tpu.wait_dma2 semaphore(%run_scoped3A_53 : memref<!tpu.dma_semaphore, #tpu.memory_space<semaphore_mem>>) src(%dma_wait3A_63 : memref<80x125xi32, #tpu.memory_space<hbm>>) dst(%arg5 : memref<80x125xi32, #tpu.memory_space<vmem>>)
      tpu.yield
    }) : () -> ()
    %barrier3A = arith.constant 0 : index
    tpu.barrier barrier_id(%barrier3A)
    %scan3A_44 = arith.constant 0 : i32
    %scan3A_45 = arith.constant 0 : i32
    %scan3A_46 = arith.constant 80 : i32
    %scan3A_47 = arith.addi %scan3A_45, %scan3A_46 : i32
    %scan3A_48 = arith.constant 1 : i32
    scf.for %scan3A_53 = %scan3A_45 to %scan3A_47 step %scan3A_48  : i32 {
      "tpu.region"() ({
        %run_scoped3A_54 = tpu.sem_alloc : memref<!tpu.dma_semaphore, #tpu.memory_space<semaphore_mem>>
        %dma_start3A = arith.constant 0 : i32
        %dma_start3A_55 = tpu.memref_slice %arg5[%scan3A_53, %dma_start3A] : memref<80x125xi32, #tpu.memory_space<vmem>> -> memref<1x125xi32, #tpu.memory_space<vmem>>
        %dma_start3A_56 = tpu.memref_squeeze %dma_start3A_55 : memref<1x125xi32, #tpu.memory_space<vmem>> -> memref<125xi32, #tpu.memory_space<vmem>>
        %dma_start3A_57 = arith.constant 0 : i32
        %dma_start3A_58 = tpu.memref_slice %arg4[%dma_start3A_57] : memref<10240xf32, #tpu.memory_space<vmem_shared>> -> memref<10240xf32, #tpu.memory_space<vmem_shared>>
        tpu.enqueue_indirect_dma source(%arg6 : memref<125xf32, #tpu.memory_space<vmem>>) target(%dma_start3A_58 : memref<10240xf32, #tpu.memory_space<vmem_shared>>) offsets(%dma_start3A_56 : memref<125xi32, #tpu.memory_space<vmem>>) semaphore(%run_scoped3A_54 : memref<!tpu.dma_semaphore, #tpu.memory_space<semaphore_mem>>) {add = true}
        %dma_wait3A = arith.constant 0 : i32
        %dma_wait3A_59 = tpu.memref_slice %arg5[%scan3A_53, %dma_wait3A] : memref<80x125xi32, #tpu.memory_space<vmem>> -> memref<1x125xi32, #tpu.memory_space<vmem>>
        %dma_wait3A_60 = tpu.memref_squeeze %dma_wait3A_59 : memref<1x125xi32, #tpu.memory_space<vmem>> -> memref<125xi32, #tpu.memory_space<vmem>>
        %dma_wait3A_61 = arith.constant 0 : i32
        %dma_wait3A_62 = tpu.memref_slice %arg4[%dma_wait3A_61] : memref<10240xf32, #tpu.memory_space<vmem_shared>> -> memref<10240xf32, #tpu.memory_space<vmem_shared>>
        tpu.wait_indirect_dma semaphore(%run_scoped3A_54 : memref<!tpu.dma_semaphore, #tpu.memory_space<semaphore_mem>>) src(%arg6 : memref<125xf32, #tpu.memory_space<vmem>>) dst(%dma_wait3A_62 : memref<10240xf32, #tpu.memory_space<vmem_shared>>)
        tpu.yield
      }) : () -> ()
    }
    %scan3A_49 = arith.constant 80 : i32
    %barrier3A_50 = arith.constant 0 : index
    tpu.barrier barrier_id(%barrier3A_50)
    %eq3A = arith.constant 0 : i32
    %eq3A_51 = arith.cmpi eq, %arg1, %eq3A : i32
    %convert_element_type3A = arith.extui %eq3A_51 : i1 to i32
    %cond3A = arith.constant 0 : i32
    %cond3A_52 = arith.cmpi ne, %convert_element_type3A, %cond3A : i32
    scf.if %cond3A_52 {
      "tpu.region"() ({
        %run_scoped3A_53 = tpu.sem_alloc : memref<!tpu.dma_semaphore, #tpu.memory_space<semaphore_mem>>
        %dma_start3A = arith.constant 0 : i32
        %dma_start3A_54 = tpu.memref_slice %arg3[%arg0, %dma_start3A] : memref<2x10240xf32, #tpu.memory_space<hbm>> -> memref<1x10240xf32, #tpu.memory_space<hbm>>
        %dma_start3A_55 = tpu.memref_squeeze %dma_start3A_54 : memref<1x10240xf32, #tpu.memory_space<hbm>> -> memref<10240xf32, #tpu.memory_space<hbm>>
        tpu.enqueue_dma source(%arg4 : memref<10240xf32, #tpu.memory_space<vmem_shared>>) target(%dma_start3A_55 : memref<10240xf32, #tpu.memory_space<hbm>>) target_semaphore(%run_scoped3A_53 : memref<!tpu.dma_semaphore, #tpu.memory_space<semaphore_mem>>)
        %dma_wait3A = arith.constant 0 : i32
        %dma_wait3A_56 = tpu.memref_slice %arg3[%arg0, %dma_wait3A] : memref<2x10240xf32, #tpu.memory_space<hbm>> -> memref<1x10240xf32, #tpu.memory_space<hbm>>
        %dma_wait3A_57 = tpu.memref_squeeze %dma_wait3A_56 : memref<1x10240xf32, #tpu.memory_space<hbm>> -> memref<10240xf32, #tpu.memory_space<hbm>>
        tpu.wait_dma2 semaphore(%run_scoped3A_53 : memref<!tpu.dma_semaphore, #tpu.memory_space<semaphore_mem>>) src(%arg4 : memref<10240xf32, #tpu.memory_space<vmem_shared>>) dst(%dma_wait3A_57 : memref<10240xf32, #tpu.memory_space<hbm>>)
        tpu.yield
      }) : () -> ()
    } else {
    }
    return
  }
}

#map = affine_map<(d0, d1) -> (0, 0)>
#map1 = affine_map<(d0, d1) -> (0, 0, 0)>
module attributes {stable_mosaic.version = 14 : i64} {
  func.func @_sc_scatter(%arg0: i32, %arg1: i32, %arg2: memref<10240x128xf32, #tpu.memory_space<hbm>>, %arg3: memref<2x2560x125xi32, #tpu.memory_space<hbm>>, %arg4: memref<2x10240x128xf32, #tpu.memory_space<hbm>>, %arg5: memref<10240x128xf32, #tpu.memory_space<vmem_shared>>, %arg6: memref<2x16x125xi32, #tpu.memory_space<vmem>>, %arg7: memref<2x16x125xi32, #tpu.memory_space<vmem>>, %arg8: memref<125x128xf32, #tpu.memory_space<vmem>>, %arg9: memref<125x128xf32, #tpu.memory_space<vmem>>, %arg10: memref<!tpu.dma_semaphore, #tpu.memory_space<semaphore_mem>>, %arg11: memref<!tpu.dma_semaphore, #tpu.memory_space<semaphore_mem>>) attributes {dimension_semantics = [#tpu.dimension_semantics<core_parallel>, #tpu.dimension_semantics<subcore_parallel>], iteration_bounds = array<i64: 2, 16>, scalar_prefetch = 0 : i64, scratch_operands = 7 : i64, tpu.core_type = #tpu.core_type<sc_vector_subcore>, window_params = [{transform_indices = #map}, {transform_indices = #map1}, {transform_indices = #map1}]} {
    %mul3A = arith.constant 16 : i32
    %mul3A_0 = arith.muli %arg0, %mul3A : i32
    %add3A = arith.addi %mul3A_0, %arg1 : i32
    %mul3A_1 = arith.constant 80 : i32
    %mul3A_2 = arith.muli %add3A, %mul3A_1 : i32
    %run_scoped3A = arith.constant 0 : i32
    %run_scoped3A_3 = arith.constant 0 : i32
    "tpu.region"() ({
      %run_scoped3A_51 = tpu.sem_alloc : memref<!tpu.dma_semaphore, #tpu.memory_space<semaphore_mem>>
      %dma_start3A_52 = arith.constant 0 : i32
      %dma_start3A_53 = arith.constant 0 : i32
      %dma_start3A_54 = tpu.memref_slice %arg6[%run_scoped3A_3, %dma_start3A_52, %dma_start3A_53] : memref<2x16x125xi32, #tpu.memory_space<vmem>> -> memref<1x16x125xi32, #tpu.memory_space<vmem>>
      %dma_start3A_55 = tpu.memref_squeeze %dma_start3A_54 : memref<1x16x125xi32, #tpu.memory_space<vmem>> -> memref<16x125xi32, #tpu.memory_space<vmem>>
      %dma_start3A_56 = arith.constant 0 : i32
      %dma_start3A_57 = tpu.memref_slice %arg3[%run_scoped3A, %mul3A_2, %dma_start3A_56] : memref<2x2560x125xi32, #tpu.memory_space<hbm>> -> memref<1x16x125xi32, #tpu.memory_space<hbm>>
      %dma_start3A_58 = tpu.memref_squeeze %dma_start3A_57 : memref<1x16x125xi32, #tpu.memory_space<hbm>> -> memref<16x125xi32, #tpu.memory_space<hbm>>
      %dma_start3A_59 = arith.constant 0 : i32
      %dma_start3A_60 = arith.constant 0 : i32
      %dma_start3A_61 = tpu.memref_slice %arg6[%run_scoped3A_3, %dma_start3A_59, %dma_start3A_60] : memref<2x16x125xi32, #tpu.memory_space<vmem>> -> memref<1x16x125xi32, #tpu.memory_space<vmem>>
      %dma_start3A_62 = tpu.memref_squeeze %dma_start3A_61 : memref<1x16x125xi32, #tpu.memory_space<vmem>> -> memref<16x125xi32, #tpu.memory_space<vmem>>
      %dma_start3A_63 = arith.constant 0 : i32
      %dma_start3A_64 = tpu.memref_slice %arg3[%run_scoped3A, %mul3A_2, %dma_start3A_63] : memref<2x2560x125xi32, #tpu.memory_space<hbm>> -> memref<1x16x125xi32, #tpu.memory_space<hbm>>
      %dma_start3A_65 = tpu.memref_squeeze %dma_start3A_64 : memref<1x16x125xi32, #tpu.memory_space<hbm>> -> memref<16x125xi32, #tpu.memory_space<hbm>>
      tpu.enqueue_dma source(%dma_start3A_65 : memref<16x125xi32, #tpu.memory_space<hbm>>) target(%dma_start3A_62 : memref<16x125xi32, #tpu.memory_space<vmem>>) target_semaphore(%run_scoped3A_51 : memref<!tpu.dma_semaphore, #tpu.memory_space<semaphore_mem>>)
      %dma_wait3A = arith.constant 0 : i32
      %dma_wait3A_66 = arith.constant 0 : i32
      %dma_wait3A_67 = tpu.memref_slice %arg6[%run_scoped3A_3, %dma_wait3A, %dma_wait3A_66] : memref<2x16x125xi32, #tpu.memory_space<vmem>> -> memref<1x16x125xi32, #tpu.memory_space<vmem>>
      %dma_wait3A_68 = tpu.memref_squeeze %dma_wait3A_67 : memref<1x16x125xi32, #tpu.memory_space<vmem>> -> memref<16x125xi32, #tpu.memory_space<vmem>>
      %dma_wait3A_69 = arith.constant 0 : i32
      %dma_wait3A_70 = tpu.memref_slice %arg3[%run_scoped3A, %mul3A_2, %dma_wait3A_69] : memref<2x2560x125xi32, #tpu.memory_space<hbm>> -> memref<1x16x125xi32, #tpu.memory_space<hbm>>
      %dma_wait3A_71 = tpu.memref_squeeze %dma_wait3A_70 : memref<1x16x125xi32, #tpu.memory_space<hbm>> -> memref<16x125xi32, #tpu.memory_space<hbm>>
      %dma_wait3A_72 = arith.constant 0 : i32
      %dma_wait3A_73 = arith.constant 0 : i32
      %dma_wait3A_74 = tpu.memref_slice %arg6[%run_scoped3A_3, %dma_wait3A_72, %dma_wait3A_73] : memref<2x16x125xi32, #tpu.memory_space<vmem>> -> memref<1x16x125xi32, #tpu.memory_space<vmem>>
      %dma_wait3A_75 = tpu.memref_squeeze %dma_wait3A_74 : memref<1x16x125xi32, #tpu.memory_space<vmem>> -> memref<16x125xi32, #tpu.memory_space<vmem>>
      %dma_wait3A_76 = arith.constant 0 : i32
      %dma_wait3A_77 = tpu.memref_slice %arg3[%run_scoped3A, %mul3A_2, %dma_wait3A_76] : memref<2x2560x125xi32, #tpu.memory_space<hbm>> -> memref<1x16x125xi32, #tpu.memory_space<hbm>>
      %dma_wait3A_78 = tpu.memref_squeeze %dma_wait3A_77 : memref<1x16x125xi32, #tpu.memory_space<hbm>> -> memref<16x125xi32, #tpu.memory_space<hbm>>
      tpu.wait_dma2 semaphore(%run_scoped3A_51 : memref<!tpu.dma_semaphore, #tpu.memory_space<semaphore_mem>>) src(%dma_wait3A_78 : memref<16x125xi32, #tpu.memory_space<hbm>>) dst(%dma_wait3A_75 : memref<16x125xi32, #tpu.memory_space<vmem>>)
      tpu.yield
    }) : () -> ()
    %run_scoped3A_4 = arith.constant 1 : i32
    %run_scoped3A_5 = arith.constant 0 : i32
    "tpu.region"() ({
      %run_scoped3A_51 = tpu.sem_alloc : memref<!tpu.dma_semaphore, #tpu.memory_space<semaphore_mem>>
      %dma_start3A_52 = arith.constant 0 : i32
      %dma_start3A_53 = arith.constant 0 : i32
      %dma_start3A_54 = tpu.memref_slice %arg7[%run_scoped3A_5, %dma_start3A_52, %dma_start3A_53] : memref<2x16x125xi32, #tpu.memory_space<vmem>> -> memref<1x16x125xi32, #tpu.memory_space<vmem>>
      %dma_start3A_55 = tpu.memref_squeeze %dma_start3A_54 : memref<1x16x125xi32, #tpu.memory_space<vmem>> -> memref<16x125xi32, #tpu.memory_space<vmem>>
      %dma_start3A_56 = arith.constant 0 : i32
      %dma_start3A_57 = tpu.memref_slice %arg3[%run_scoped3A_4, %mul3A_2, %dma_start3A_56] : memref<2x2560x125xi32, #tpu.memory_space<hbm>> -> memref<1x16x125xi32, #tpu.memory_space<hbm>>
      %dma_start3A_58 = tpu.memref_squeeze %dma_start3A_57 : memref<1x16x125xi32, #tpu.memory_space<hbm>> -> memref<16x125xi32, #tpu.memory_space<hbm>>
      %dma_start3A_59 = arith.constant 0 : i32
      %dma_start3A_60 = arith.constant 0 : i32
      %dma_start3A_61 = tpu.memref_slice %arg7[%run_scoped3A_5, %dma_start3A_59, %dma_start3A_60] : memref<2x16x125xi32, #tpu.memory_space<vmem>> -> memref<1x16x125xi32, #tpu.memory_space<vmem>>
      %dma_start3A_62 = tpu.memref_squeeze %dma_start3A_61 : memref<1x16x125xi32, #tpu.memory_space<vmem>> -> memref<16x125xi32, #tpu.memory_space<vmem>>
      %dma_start3A_63 = arith.constant 0 : i32
      %dma_start3A_64 = tpu.memref_slice %arg3[%run_scoped3A_4, %mul3A_2, %dma_start3A_63] : memref<2x2560x125xi32, #tpu.memory_space<hbm>> -> memref<1x16x125xi32, #tpu.memory_space<hbm>>
      %dma_start3A_65 = tpu.memref_squeeze %dma_start3A_64 : memref<1x16x125xi32, #tpu.memory_space<hbm>> -> memref<16x125xi32, #tpu.memory_space<hbm>>
      tpu.enqueue_dma source(%dma_start3A_65 : memref<16x125xi32, #tpu.memory_space<hbm>>) target(%dma_start3A_62 : memref<16x125xi32, #tpu.memory_space<vmem>>) target_semaphore(%run_scoped3A_51 : memref<!tpu.dma_semaphore, #tpu.memory_space<semaphore_mem>>)
      %dma_wait3A = arith.constant 0 : i32
      %dma_wait3A_66 = arith.constant 0 : i32
      %dma_wait3A_67 = tpu.memref_slice %arg7[%run_scoped3A_5, %dma_wait3A, %dma_wait3A_66] : memref<2x16x125xi32, #tpu.memory_space<vmem>> -> memref<1x16x125xi32, #tpu.memory_space<vmem>>
      %dma_wait3A_68 = tpu.memref_squeeze %dma_wait3A_67 : memref<1x16x125xi32, #tpu.memory_space<vmem>> -> memref<16x125xi32, #tpu.memory_space<vmem>>
      %dma_wait3A_69 = arith.constant 0 : i32
      %dma_wait3A_70 = tpu.memref_slice %arg3[%run_scoped3A_4, %mul3A_2, %dma_wait3A_69] : memref<2x2560x125xi32, #tpu.memory_space<hbm>> -> memref<1x16x125xi32, #tpu.memory_space<hbm>>
      %dma_wait3A_71 = tpu.memref_squeeze %dma_wait3A_70 : memref<1x16x125xi32, #tpu.memory_space<hbm>> -> memref<16x125xi32, #tpu.memory_space<hbm>>
      %dma_wait3A_72 = arith.constant 0 : i32
      %dma_wait3A_73 = arith.constant 0 : i32
      %dma_wait3A_74 = tpu.memref_slice %arg7[%run_scoped3A_5, %dma_wait3A_72, %dma_wait3A_73] : memref<2x16x125xi32, #tpu.memory_space<vmem>> -> memref<1x16x125xi32, #tpu.memory_space<vmem>>
      %dma_wait3A_75 = tpu.memref_squeeze %dma_wait3A_74 : memref<1x16x125xi32, #tpu.memory_space<vmem>> -> memref<16x125xi32, #tpu.memory_space<vmem>>
      %dma_wait3A_76 = arith.constant 0 : i32
      %dma_wait3A_77 = tpu.memref_slice %arg3[%run_scoped3A_4, %mul3A_2, %dma_wait3A_76] : memref<2x2560x125xi32, #tpu.memory_space<hbm>> -> memref<1x16x125xi32, #tpu.memory_space<hbm>>
      %dma_wait3A_78 = tpu.memref_squeeze %dma_wait3A_77 : memref<1x16x125xi32, #tpu.memory_space<hbm>> -> memref<16x125xi32, #tpu.memory_space<hbm>>
      tpu.wait_dma2 semaphore(%run_scoped3A_51 : memref<!tpu.dma_semaphore, #tpu.memory_space<semaphore_mem>>) src(%dma_wait3A_78 : memref<16x125xi32, #tpu.memory_space<hbm>>) dst(%dma_wait3A_75 : memref<16x125xi32, #tpu.memory_space<vmem>>)
      tpu.yield
    }) : () -> ()
    %dma_start3A = arith.constant 0 : i32
    %dma_start3A_6 = arith.constant 0 : i32
    %dma_start3A_7 = arith.constant 0 : i32
    %dma_start3A_8 = tpu.memref_slice %arg6[%dma_start3A, %dma_start3A_6, %dma_start3A_7] : memref<2x16x125xi32, #tpu.memory_space<vmem>> -> memref<1x1x125xi32, #tpu.memory_space<vmem>>
    %dma_start3A_9 = tpu.memref_squeeze %dma_start3A_8 : memref<1x1x125xi32, #tpu.memory_space<vmem>> -> memref<125xi32, #tpu.memory_space<vmem>>
    %dma_start3A_10 = arith.constant 0 : i32
    %dma_start3A_11 = arith.constant 0 : i32
    %dma_start3A_12 = tpu.memref_slice %arg2[%dma_start3A_10, %dma_start3A_11] : memref<10240x128xf32, #tpu.memory_space<hbm>> -> memref<10240x128xf32, #tpu.memory_space<hbm>>
    tpu.enqueue_indirect_dma source(%dma_start3A_12 : memref<10240x128xf32, #tpu.memory_space<hbm>>) target(%arg8 : memref<125x128xf32, #tpu.memory_space<vmem>>) offsets(%dma_start3A_9 : memref<125xi32, #tpu.memory_space<vmem>>) semaphore(%arg10 : memref<!tpu.dma_semaphore, #tpu.memory_space<semaphore_mem>>)
    %broadcast_in_dim3A = arith.constant 0.000000e+00 : f32
    %broadcast_in_dim3A_13 = vector.broadcast %broadcast_in_dim3A : f32 to vector<16xf32>
    %scan3A = arith.constant 0 : i32
    %scan3A_14 = arith.constant 0 : i32
    %scan3A_15 = arith.constant 125 : i32
    %scan3A_16 = arith.addi %scan3A_14, %scan3A_15 : i32
    %scan3A_17 = arith.constant 1 : i32
    scf.for %scan3A_51 = %scan3A_14 to %scan3A_16 step %scan3A_17  : i32 {
      %swap3A = arith.index_cast %scan3A_51 : i32 to index
      %swap3A_52 = arith.constant 0 : index
      %swap3A_53 = tpu.vector_load %arg9[%swap3A, %swap3A_52] {strides = array<i32>} : memref<125x128xf32, #tpu.memory_space<vmem>>, vector<1x16xf32>,
      %swap3A_54 = vector.shape_cast %swap3A_53 : vector<1x16xf32> to vector<16xf32>
      %swap3A_55 = vector.shape_cast %broadcast_in_dim3A_13 : vector<16xf32> to vector<1x16xf32>
      tpu.vector_store %arg9[%swap3A, %swap3A_52], %swap3A_55 {strides = array<i32>} : memref<125x128xf32, #tpu.memory_space<vmem>>, vector<1x16xf32>,
      %swap3A_56 = arith.index_cast %scan3A_51 : i32 to index
      %swap3A_57 = arith.constant 16 : index
      %swap3A_58 = tpu.vector_load %arg9[%swap3A_56, %swap3A_57] {strides = array<i32>} : memref<125x128xf32, #tpu.memory_space<vmem>>, vector<1x16xf32>,
      %swap3A_59 = vector.shape_cast %swap3A_58 : vector<1x16xf32> to vector<16xf32>
      %swap3A_60 = vector.shape_cast %broadcast_in_dim3A_13 : vector<16xf32> to vector<1x16xf32>
      tpu.vector_store %arg9[%swap3A_56, %swap3A_57], %swap3A_60 {strides = array<i32>} : memref<125x128xf32, #tpu.memory_space<vmem>>, vector<1x16xf32>,
      %swap3A_61 = arith.index_cast %scan3A_51 : i32 to index
      %swap3A_62 = arith.constant 32 : index
      %swap3A_63 = tpu.vector_load %arg9[%swap3A_61, %swap3A_62] {strides = array<i32>} : memref<125x128xf32, #tpu.memory_space<vmem>>, vector<1x16xf32>,
      %swap3A_64 = vector.shape_cast %swap3A_63 : vector<1x16xf32> to vector<16xf32>
      %swap3A_65 = vector.shape_cast %broadcast_in_dim3A_13 : vector<16xf32> to vector<1x16xf32>
      tpu.vector_store %arg9[%swap3A_61, %swap3A_62], %swap3A_65 {strides = array<i32>} : memref<125x128xf32, #tpu.memory_space<vmem>>, vector<1x16xf32>,
      %swap3A_66 = arith.index_cast %scan3A_51 : i32 to index
      %swap3A_67 = arith.constant 48 : index
      %swap3A_68 = tpu.vector_load %arg9[%swap3A_66, %swap3A_67] {strides = array<i32>} : memref<125x128xf32, #tpu.memory_space<vmem>>, vector<1x16xf32>,
      %swap3A_69 = vector.shape_cast %swap3A_68 : vector<1x16xf32> to vector<16xf32>
      %swap3A_70 = vector.shape_cast %broadcast_in_dim3A_13 : vector<16xf32> to vector<1x16xf32>
      tpu.vector_store %arg9[%swap3A_66, %swap3A_67], %swap3A_70 {strides = array<i32>} : memref<125x128xf32, #tpu.memory_space<vmem>>, vector<1x16xf32>,
      %swap3A_71 = arith.index_cast %scan3A_51 : i32 to index
      %swap3A_72 = arith.constant 64 : index
      %swap3A_73 = tpu.vector_load %arg9[%swap3A_71, %swap3A_72] {strides = array<i32>} : memref<125x128xf32, #tpu.memory_space<vmem>>, vector<1x16xf32>,
      %swap3A_74 = vector.shape_cast %swap3A_73 : vector<1x16xf32> to vector<16xf32>
      %swap3A_75 = vector.shape_cast %broadcast_in_dim3A_13 : vector<16xf32> to vector<1x16xf32>
      tpu.vector_store %arg9[%swap3A_71, %swap3A_72], %swap3A_75 {strides = array<i32>} : memref<125x128xf32, #tpu.memory_space<vmem>>, vector<1x16xf32>,
      %swap3A_76 = arith.index_cast %scan3A_51 : i32 to index
      %swap3A_77 = arith.constant 80 : index
      %swap3A_78 = tpu.vector_load %arg9[%swap3A_76, %swap3A_77] {strides = array<i32>} : memref<125x128xf32, #tpu.memory_space<vmem>>, vector<1x16xf32>,
      %swap3A_79 = vector.shape_cast %swap3A_78 : vector<1x16xf32> to vector<16xf32>
      %swap3A_80 = vector.shape_cast %broadcast_in_dim3A_13 : vector<16xf32> to vector<1x16xf32>
      tpu.vector_store %arg9[%swap3A_76, %swap3A_77], %swap3A_80 {strides = array<i32>} : memref<125x128xf32, #tpu.memory_space<vmem>>, vector<1x16xf32>,
      %swap3A_81 = arith.index_cast %scan3A_51 : i32 to index
      %swap3A_82 = arith.constant 96 : index
      %swap3A_83 = tpu.vector_load %arg9[%swap3A_81, %swap3A_82] {strides = array<i32>} : memref<125x128xf32, #tpu.memory_space<vmem>>, vector<1x16xf32>,
      %swap3A_84 = vector.shape_cast %swap3A_83 : vector<1x16xf32> to vector<16xf32>
      %swap3A_85 = vector.shape_cast %broadcast_in_dim3A_13 : vector<16xf32> to vector<1x16xf32>
      tpu.vector_store %arg9[%swap3A_81, %swap3A_82], %swap3A_85 {strides = array<i32>} : memref<125x128xf32, #tpu.memory_space<vmem>>, vector<1x16xf32>,
      %swap3A_86 = arith.index_cast %scan3A_51 : i32 to index
      %swap3A_87 = arith.constant 112 : index
      %swap3A_88 = tpu.vector_load %arg9[%swap3A_86, %swap3A_87] {strides = array<i32>} : memref<125x128xf32, #tpu.memory_space<vmem>>, vector<1x16xf32>,
      %swap3A_89 = vector.shape_cast %swap3A_88 : vector<1x16xf32> to vector<16xf32>
      %swap3A_90 = vector.shape_cast %broadcast_in_dim3A_13 : vector<16xf32> to vector<1x16xf32>
      tpu.vector_store %arg9[%swap3A_86, %swap3A_87], %swap3A_90 {strides = array<i32>} : memref<125x128xf32, #tpu.memory_space<vmem>>, vector<1x16xf32>,
    }
    %scan3A_18 = arith.constant 125 : i32
    %mul3A_19 = arith.constant 640 : i32
    %mul3A_20 = arith.muli %arg1, %mul3A_19 : i32
    %add3A_21 = arith.constant 0 : i32
    %add3A_22 = arith.addi %mul3A_20, %add3A_21 : i32
    "tpu.region"() ({
      %run_scoped3A_51 = tpu.sem_alloc : memref<!tpu.dma_semaphore, #tpu.memory_space<semaphore_mem>>
      %dma_start3A_52 = arith.constant 0 : i32
      %dma_start3A_53 = tpu.memref_slice %arg5[%add3A_22, %dma_start3A_52] : memref<10240x128xf32, #tpu.memory_space<vmem_shared>> -> memref<125x128xf32, #tpu.memory_space<vmem_shared>>
      %dma_start3A_54 = arith.constant 0 : i32
      %dma_start3A_55 = tpu.memref_slice %arg5[%add3A_22, %dma_start3A_54] : memref<10240x128xf32, #tpu.memory_space<vmem_shared>> -> memref<125x128xf32, #tpu.memory_space<vmem_shared>>
      tpu.enqueue_dma source(%arg9 : memref<125x128xf32, #tpu.memory_space<vmem>>) target(%dma_start3A_55 : memref<125x128xf32, #tpu.memory_space<vmem_shared>>) target_semaphore(%run_scoped3A_51 : memref<!tpu.dma_semaphore, #tpu.memory_space<semaphore_mem>>)
      %dma_wait3A = arith.constant 0 : i32
      %dma_wait3A_56 = tpu.memref_slice %arg5[%add3A_22, %dma_wait3A] : memref<10240x128xf32, #tpu.memory_space<vmem_shared>> -> memref<125x128xf32, #tpu.memory_space<vmem_shared>>
      %dma_wait3A_57 = arith.constant 0 : i32
      %dma_wait3A_58 = tpu.memref_slice %arg5[%add3A_22, %dma_wait3A_57] : memref<10240x128xf32, #tpu.memory_space<vmem_shared>> -> memref<125x128xf32, #tpu.memory_space<vmem_shared>>
      tpu.wait_dma2 semaphore(%run_scoped3A_51 : memref<!tpu.dma_semaphore, #tpu.memory_space<semaphore_mem>>) src(%arg9 : memref<125x128xf32, #tpu.memory_space<vmem>>) dst(%dma_wait3A_58 : memref<125x128xf32, #tpu.memory_space<vmem_shared>>)
      tpu.yield
    }) : () -> ()
    %add3A_23 = arith.constant 125 : i32
    %add3A_24 = arith.addi %mul3A_20, %add3A_23 : i32
    "tpu.region"() ({
      %run_scoped3A_51 = tpu.sem_alloc : memref<!tpu.dma_semaphore, #tpu.memory_space<semaphore_mem>>
      %dma_start3A_52 = arith.constant 0 : i32
      %dma_start3A_53 = tpu.memref_slice %arg5[%add3A_24, %dma_start3A_52] : memref<10240x128xf32, #tpu.memory_space<vmem_shared>> -> memref<125x128xf32, #tpu.memory_space<vmem_shared>>
      %dma_start3A_54 = arith.constant 0 : i32
      %dma_start3A_55 = tpu.memref_slice %arg5[%add3A_24, %dma_start3A_54] : memref<10240x128xf32, #tpu.memory_space<vmem_shared>> -> memref<125x128xf32, #tpu.memory_space<vmem_shared>>
      tpu.enqueue_dma source(%arg9 : memref<125x128xf32, #tpu.memory_space<vmem>>) target(%dma_start3A_55 : memref<125x128xf32, #tpu.memory_space<vmem_shared>>) target_semaphore(%run_scoped3A_51 : memref<!tpu.dma_semaphore, #tpu.memory_space<semaphore_mem>>)
      %dma_wait3A = arith.constant 0 : i32
      %dma_wait3A_56 = tpu.memref_slice %arg5[%add3A_24, %dma_wait3A] : memref<10240x128xf32, #tpu.memory_space<vmem_shared>> -> memref<125x128xf32, #tpu.memory_space<vmem_shared>>
      %dma_wait3A_57 = arith.constant 0 : i32
      %dma_wait3A_58 = tpu.memref_slice %arg5[%add3A_24, %dma_wait3A_57] : memref<10240x128xf32, #tpu.memory_space<vmem_shared>> -> memref<125x128xf32, #tpu.memory_space<vmem_shared>>
      tpu.wait_dma2 semaphore(%run_scoped3A_51 : memref<!tpu.dma_semaphore, #tpu.memory_space<semaphore_mem>>) src(%arg9 : memref<125x128xf32, #tpu.memory_space<vmem>>) dst(%dma_wait3A_58 : memref<125x128xf32, #tpu.memory_space<vmem_shared>>)
      tpu.yield
    }) : () -> ()
    %add3A_25 = arith.constant 250 : i32
    %add3A_26 = arith.addi %mul3A_20, %add3A_25 : i32
    "tpu.region"() ({
      %run_scoped3A_51 = tpu.sem_alloc : memref<!tpu.dma_semaphore, #tpu.memory_space<semaphore_mem>>
      %dma_start3A_52 = arith.constant 0 : i32
      %dma_start3A_53 = tpu.memref_slice %arg5[%add3A_26, %dma_start3A_52] : memref<10240x128xf32, #tpu.memory_space<vmem_shared>> -> memref<125x128xf32, #tpu.memory_space<vmem_shared>>
      %dma_start3A_54 = arith.constant 0 : i32
      %dma_start3A_55 = tpu.memref_slice %arg5[%add3A_26, %dma_start3A_54] : memref<10240x128xf32, #tpu.memory_space<vmem_shared>> -> memref<125x128xf32, #tpu.memory_space<vmem_shared>>
      tpu.enqueue_dma source(%arg9 : memref<125x128xf32, #tpu.memory_space<vmem>>) target(%dma_start3A_55 : memref<125x128xf32, #tpu.memory_space<vmem_shared>>) target_semaphore(%run_scoped3A_51 : memref<!tpu.dma_semaphore, #tpu.memory_space<semaphore_mem>>)
      %dma_wait3A = arith.constant 0 : i32
      %dma_wait3A_56 = tpu.memref_slice %arg5[%add3A_26, %dma_wait3A] : memref<10240x128xf32, #tpu.memory_space<vmem_shared>> -> memref<125x128xf32, #tpu.memory_space<vmem_shared>>
      %dma_wait3A_57 = arith.constant 0 : i32
      %dma_wait3A_58 = tpu.memref_slice %arg5[%add3A_26, %dma_wait3A_57] : memref<10240x128xf32, #tpu.memory_space<vmem_shared>> -> memref<125x128xf32, #tpu.memory_space<vmem_shared>>
      tpu.wait_dma2 semaphore(%run_scoped3A_51 : memref<!tpu.dma_semaphore, #tpu.memory_space<semaphore_mem>>) src(%arg9 : memref<125x128xf32, #tpu.memory_space<vmem>>) dst(%dma_wait3A_58 : memref<125x128xf32, #tpu.memory_space<vmem_shared>>)
      tpu.yield
    }) : () -> ()
    %add3A_27 = arith.constant 375 : i32
    %add3A_28 = arith.addi %mul3A_20, %add3A_27 : i32
    "tpu.region"() ({
      %run_scoped3A_51 = tpu.sem_alloc : memref<!tpu.dma_semaphore, #tpu.memory_space<semaphore_mem>>
      %dma_start3A_52 = arith.constant 0 : i32
      %dma_start3A_53 = tpu.memref_slice %arg5[%add3A_28, %dma_start3A_52] : memref<10240x128xf32, #tpu.memory_space<vmem_shared>> -> memref<125x128xf32, #tpu.memory_space<vmem_shared>>
      %dma_start3A_54 = arith.constant 0 : i32
      %dma_start3A_55 = tpu.memref_slice %arg5[%add3A_28, %dma_start3A_54] : memref<10240x128xf32, #tpu.memory_space<vmem_shared>> -> memref<125x128xf32, #tpu.memory_space<vmem_shared>>
      tpu.enqueue_dma source(%arg9 : memref<125x128xf32, #tpu.memory_space<vmem>>) target(%dma_start3A_55 : memref<125x128xf32, #tpu.memory_space<vmem_shared>>) target_semaphore(%run_scoped3A_51 : memref<!tpu.dma_semaphore, #tpu.memory_space<semaphore_mem>>)
      %dma_wait3A = arith.constant 0 : i32
      %dma_wait3A_56 = tpu.memref_slice %arg5[%add3A_28, %dma_wait3A] : memref<10240x128xf32, #tpu.memory_space<vmem_shared>> -> memref<125x128xf32, #tpu.memory_space<vmem_shared>>
      %dma_wait3A_57 = arith.constant 0 : i32
      %dma_wait3A_58 = tpu.memref_slice %arg5[%add3A_28, %dma_wait3A_57] : memref<10240x128xf32, #tpu.memory_space<vmem_shared>> -> memref<125x128xf32, #tpu.memory_space<vmem_shared>>
      tpu.wait_dma2 semaphore(%run_scoped3A_51 : memref<!tpu.dma_semaphore, #tpu.memory_space<semaphore_mem>>) src(%arg9 : memref<125x128xf32, #tpu.memory_space<vmem>>) dst(%dma_wait3A_58 : memref<125x128xf32, #tpu.memory_space<vmem_shared>>)
      tpu.yield
    }) : () -> ()
    %add3A_29 = arith.constant 500 : i32
    %add3A_30 = arith.addi %mul3A_20, %add3A_29 : i32
    "tpu.region"() ({
      %run_scoped3A_51 = tpu.sem_alloc : memref<!tpu.dma_semaphore, #tpu.memory_space<semaphore_mem>>
      %dma_start3A_52 = arith.constant 0 : i32
      %dma_start3A_53 = tpu.memref_slice %arg5[%add3A_30, %dma_start3A_52] : memref<10240x128xf32, #tpu.memory_space<vmem_shared>> -> memref<125x128xf32, #tpu.memory_space<vmem_shared>>
      %dma_start3A_54 = arith.constant 0 : i32
      %dma_start3A_55 = tpu.memref_slice %arg5[%add3A_30, %dma_start3A_54] : memref<10240x128xf32, #tpu.memory_space<vmem_shared>> -> memref<125x128xf32, #tpu.memory_space<vmem_shared>>
      tpu.enqueue_dma source(%arg9 : memref<125x128xf32, #tpu.memory_space<vmem>>) target(%dma_start3A_55 : memref<125x128xf32, #tpu.memory_space<vmem_shared>>) target_semaphore(%run_scoped3A_51 : memref<!tpu.dma_semaphore, #tpu.memory_space<semaphore_mem>>)
      %dma_wait3A = arith.constant 0 : i32
      %dma_wait3A_56 = tpu.memref_slice %arg5[%add3A_30, %dma_wait3A] : memref<10240x128xf32, #tpu.memory_space<vmem_shared>> -> memref<125x128xf32, #tpu.memory_space<vmem_shared>>
      %dma_wait3A_57 = arith.constant 0 : i32
      %dma_wait3A_58 = tpu.memref_slice %arg5[%add3A_30, %dma_wait3A_57] : memref<10240x128xf32, #tpu.memory_space<vmem_shared>> -> memref<125x128xf32, #tpu.memory_space<vmem_shared>>
      tpu.wait_dma2 semaphore(%run_scoped3A_51 : memref<!tpu.dma_semaphore, #tpu.memory_space<semaphore_mem>>) src(%arg9 : memref<125x128xf32, #tpu.memory_space<vmem>>) dst(%dma_wait3A_58 : memref<125x128xf32, #tpu.memory_space<vmem_shared>>)
      tpu.yield
    }) : () -> ()
    %add3A_31 = arith.constant 640 : i32
    %add3A_32 = arith.addi %mul3A_20, %add3A_31 : i32
    %sub3A = arith.constant 15 : i32
    %sub3A_33 = arith.subi %add3A_32, %sub3A : i32
    "tpu.region"() ({
      %run_scoped3A_51 = tpu.sem_alloc : memref<!tpu.dma_semaphore, #tpu.memory_space<semaphore_mem>>
      %dma_start3A_52 = arith.constant 0 : i32
      %dma_start3A_53 = arith.constant 0 : i32
      %dma_start3A_54 = tpu.memref_slice %arg9[%dma_start3A_52, %dma_start3A_53] : memref<125x128xf32, #tpu.memory_space<vmem>> -> memref<15x128xf32, #tpu.memory_space<vmem>>
      %dma_start3A_55 = arith.constant 0 : i32
      %dma_start3A_56 = tpu.memref_slice %arg5[%sub3A_33, %dma_start3A_55] : memref<10240x128xf32, #tpu.memory_space<vmem_shared>> -> memref<15x128xf32, #tpu.memory_space<vmem_shared>>
      %dma_start3A_57 = arith.constant 0 : i32
      %dma_start3A_58 = tpu.memref_slice %arg5[%sub3A_33, %dma_start3A_57] : memref<10240x128xf32, #tpu.memory_space<vmem_shared>> -> memref<15x128xf32, #tpu.memory_space<vmem_shared>>
      %dma_start3A_59 = arith.constant 0 : i32
      %dma_start3A_60 = arith.constant 0 : i32
      %dma_start3A_61 = tpu.memref_slice %arg9[%dma_start3A_59, %dma_start3A_60] : memref<125x128xf32, #tpu.memory_space<vmem>> -> memref<15x128xf32, #tpu.memory_space<vmem>>
      tpu.enqueue_dma source(%dma_start3A_61 : memref<15x128xf32, #tpu.memory_space<vmem>>) target(%dma_start3A_58 : memref<15x128xf32, #tpu.memory_space<vmem_shared>>) target_semaphore(%run_scoped3A_51 : memref<!tpu.dma_semaphore, #tpu.memory_space<semaphore_mem>>)
      %dma_wait3A = arith.constant 0 : i32
      %dma_wait3A_62 = arith.constant 0 : i32
      %dma_wait3A_63 = tpu.memref_slice %arg9[%dma_wait3A, %dma_wait3A_62] : memref<125x128xf32, #tpu.memory_space<vmem>> -> memref<15x128xf32, #tpu.memory_space<vmem>>
      %dma_wait3A_64 = arith.constant 0 : i32
      %dma_wait3A_65 = tpu.memref_slice %arg5[%sub3A_33, %dma_wait3A_64] : memref<10240x128xf32, #tpu.memory_space<vmem_shared>> -> memref<15x128xf32, #tpu.memory_space<vmem_shared>>
      %dma_wait3A_66 = arith.constant 0 : i32
      %dma_wait3A_67 = tpu.memref_slice %arg5[%sub3A_33, %dma_wait3A_66] : memref<10240x128xf32, #tpu.memory_space<vmem_shared>> -> memref<15x128xf32, #tpu.memory_space<vmem_shared>>
      %dma_wait3A_68 = arith.constant 0 : i32
      %dma_wait3A_69 = arith.constant 0 : i32
      %dma_wait3A_70 = tpu.memref_slice %arg9[%dma_wait3A_68, %dma_wait3A_69] : memref<125x128xf32, #tpu.memory_space<vmem>> -> memref<15x128xf32, #tpu.memory_space<vmem>>
      tpu.wait_dma2 semaphore(%run_scoped3A_51 : memref<!tpu.dma_semaphore, #tpu.memory_space<semaphore_mem>>) src(%dma_wait3A_70 : memref<15x128xf32, #tpu.memory_space<vmem>>) dst(%dma_wait3A_67 : memref<15x128xf32, #tpu.memory_space<vmem_shared>>)
      tpu.yield
    }) : () -> ()
    %dma_start3A_34 = arith.constant 0 : i32
    %dma_start3A_35 = arith.constant 1 : i32
    %dma_start3A_36 = arith.constant 0 : i32
    %dma_start3A_37 = tpu.memref_slice %arg6[%dma_start3A_34, %dma_start3A_35, %dma_start3A_36] : memref<2x16x125xi32, #tpu.memory_space<vmem>> -> memref<1x1x125xi32, #tpu.memory_space<vmem>>
    %dma_start3A_38 = tpu.memref_squeeze %dma_start3A_37 : memref<1x1x125xi32, #tpu.memory_space<vmem>> -> memref<125xi32, #tpu.memory_space<vmem>>
    %dma_start3A_39 = arith.constant 0 : i32
    %dma_start3A_40 = arith.constant 0 : i32
    %dma_start3A_41 = tpu.memref_slice %arg2[%dma_start3A_39, %dma_start3A_40] : memref<10240x128xf32, #tpu.memory_space<hbm>> -> memref<10240x128xf32, #tpu.memory_space<hbm>>
    tpu.enqueue_indirect_dma source(%dma_start3A_41 : memref<10240x128xf32, #tpu.memory_space<hbm>>) target(%arg9 : memref<125x128xf32, #tpu.memory_space<vmem>>) offsets(%dma_start3A_38 : memref<125xi32, #tpu.memory_space<vmem>>) semaphore(%arg11 : memref<!tpu.dma_semaphore, #tpu.memory_space<semaphore_mem>>)
    %barrier3A = arith.constant 0 : index
    tpu.barrier barrier_id(%barrier3A)
    %scan3A_42 = arith.constant 0 : i32
    %scan3A_43 = arith.constant 0 : i32
    %scan3A_44 = arith.constant 40 : i32
    %scan3A_45 = arith.addi %scan3A_43, %scan3A_44 : i32
    %scan3A_46 = arith.constant 1 : i32
    scf.for %scan3A_51 = %scan3A_43 to %scan3A_45 step %scan3A_46  : i32 {
      %mul3A_52 = arith.constant 2 : i32
      %mul3A_53 = arith.muli %mul3A_52, %scan3A_51 : i32
      %jit3A = arith.constant 16 : i32
      %div3A = arith.divsi %mul3A_53, %jit3A : i32
      %sign3A = arith.constant 0 : i32
      %sign3A_54 = arith.cmpi sgt, %mul3A_53, %sign3A : i32
      %sign3A_55 = arith.extui %sign3A_54 : i1 to i32
      %sign3A_56 = arith.constant 0 : i32
      %sign3A_57 = arith.cmpi slt, %mul3A_53, %sign3A_56 : i32
      %sign3A_58 = arith.extui %sign3A_57 : i1 to i32
      %sign3A_59 = arith.subi %sign3A_55, %sign3A_58 : i32
      %sign3A_60 = arith.constant 0 : i32
      %sign3A_61 = arith.cmpi sgt, %jit3A, %sign3A_60 : i32
      %sign3A_62 = arith.extui %sign3A_61 : i1 to i32
      %sign3A_63 = arith.constant 0 : i32
      %sign3A_64 = arith.cmpi slt, %jit3A, %sign3A_63 : i32
      %sign3A_65 = arith.extui %sign3A_64 : i1 to i32
      %sign3A_66 = arith.subi %sign3A_62, %sign3A_65 : i32
      %ne3A = arith.cmpi ne, %sign3A_59, %sign3A_66 : i32
      %rem3A = arith.remsi %mul3A_53, %jit3A : i32
      %ne3A_67 = arith.constant 0 : i32
      %ne3A_68 = arith.cmpi ne, %rem3A, %ne3A_67 : i32
      %and3A = arith.andi %ne3A, %ne3A_68 : i1
      %sub3A_69 = arith.constant 1 : i32
      %sub3A_70 = arith.subi %div3A, %sub3A_69 : i32
      %select_n3A = arith.select %and3A, %sub3A_70, %div3A : i32
      %jit3A_71 = arith.constant 16 : i32
      %eq3A_72 = arith.constant 0 : i32
      %eq3A_73 = arith.cmpi eq, %jit3A_71, %eq3A_72 : i32
      %jit3A_74 = arith.constant 1 : i32
      %select_n3A_75 = arith.select %eq3A_73, %jit3A_74, %jit3A_71 : i32
      %rem3A_76 = arith.remsi %mul3A_53, %select_n3A_75 : i32
      %ne3A_77 = arith.constant 0 : i32
      %ne3A_78 = arith.cmpi ne, %rem3A_76, %ne3A_77 : i32
      %lt3A = arith.constant 0 : i32
      %lt3A_79 = arith.cmpi slt, %rem3A_76, %lt3A : i32
      %lt3A_80 = arith.constant 0 : i32
      %lt3A_81 = arith.cmpi slt, %select_n3A_75, %lt3A_80 : i32
      %ne3A_82 = arith.xori %lt3A_79, %lt3A_81 : i1
      %and3A_83 = arith.andi %ne3A_82, %ne3A_78 : i1
      %add3A_84 = arith.addi %rem3A_76, %select_n3A_75 : i32
      %select_n3A_85 = arith.select %and3A_83, %add3A_84, %rem3A_76 : i32
      %jit3A_86 = arith.constant 2 : i32
      %eq3A_87 = arith.constant 0 : i32
      %eq3A_88 = arith.cmpi eq, %jit3A_86, %eq3A_87 : i32
      %jit3A_89 = arith.constant 1 : i32
      %select_n3A_90 = arith.select %eq3A_88, %jit3A_89, %jit3A_86 : i32
      %rem3A_91 = arith.remsi %select_n3A, %select_n3A_90 : i32
      %ne3A_92 = arith.constant 0 : i32
      %ne3A_93 = arith.cmpi ne, %rem3A_91, %ne3A_92 : i32
      %lt3A_94 = arith.constant 0 : i32
      %lt3A_95 = arith.cmpi slt, %rem3A_91, %lt3A_94 : i32
      %lt3A_96 = arith.constant 0 : i32
      %lt3A_97 = arith.cmpi slt, %select_n3A_90, %lt3A_96 : i32
      %ne3A_98 = arith.xori %lt3A_95, %lt3A_97 : i1
      %and3A_99 = arith.andi %ne3A_98, %ne3A_93 : i1
      %add3A_100 = arith.addi %rem3A_91, %select_n3A_90 : i32
      %select_n3A_101 = arith.select %and3A_99, %add3A_100, %rem3A_91 : i32
      %eq3A_102 = arith.constant 0 : i32
      %eq3A_103 = arith.cmpi eq, %select_n3A_85, %eq3A_102 : i32
      %add3A_104 = arith.constant 1 : i32
      %add3A_105 = arith.addi %select_n3A, %add3A_104 : i32
      %lt3A_106 = arith.constant 5 : i32
      %lt3A_107 = arith.cmpi slt, %add3A_105, %lt3A_106 : i32
      %and3A_108 = arith.andi %eq3A_103, %lt3A_107 : i1
      %convert_element_type3A_109 = arith.extui %and3A_108 : i1 to i32
      %cond3A_110 = arith.constant 0 : i32
      %cond3A_111 = arith.cmpi ne, %convert_element_type3A_109, %cond3A_110 : i32
      scf.if %cond3A_111 {
        %add3A_207 = arith.constant 1 : i32
        %add3A_208 = arith.addi %select_n3A, %add3A_207 : i32
        %mul3A_209 = arith.constant 16 : i32
        %mul3A_210 = arith.muli %add3A_208, %mul3A_209 : i32
        %add3A_211 = arith.addi %mul3A_2, %mul3A_210 : i32
        %jit3A_212 = arith.constant 2 : i32
        %eq3A_213 = arith.constant 0 : i32
        %eq3A_214 = arith.cmpi eq, %jit3A_212, %eq3A_213 : i32
        %jit3A_215 = arith.constant 1 : i32
        %select_n3A_216 = arith.select %eq3A_214, %jit3A_215, %jit3A_212 : i32
        %rem3A_217 = arith.remsi %add3A_208, %select_n3A_216 : i32
        %ne3A_218 = arith.constant 0 : i32
        %ne3A_219 = arith.cmpi ne, %rem3A_217, %ne3A_218 : i32
        %lt3A_220 = arith.constant 0 : i32
        %lt3A_221 = arith.cmpi slt, %rem3A_217, %lt3A_220 : i32
        %lt3A_222 = arith.constant 0 : i32
        %lt3A_223 = arith.cmpi slt, %select_n3A_216, %lt3A_222 : i32
        %ne3A_224 = arith.xori %lt3A_221, %lt3A_223 : i1
        %and3A_225 = arith.andi %ne3A_224, %ne3A_219 : i1
        %add3A_226 = arith.addi %rem3A_217, %select_n3A_216 : i32
        %select_n3A_227 = arith.select %and3A_225, %add3A_226, %rem3A_217 : i32
        %run_scoped3A_228 = arith.constant 0 : i32
        "tpu.region"() ({
          %run_scoped3A_249 = tpu.sem_alloc : memref<!tpu.dma_semaphore, #tpu.memory_space<semaphore_mem>>
          %dma_start3A_250 = arith.constant 0 : i32
          %dma_start3A_251 = arith.constant 0 : i32
          %dma_start3A_252 = tpu.memref_slice %arg6[%select_n3A_227, %dma_start3A_250, %dma_start3A_251] : memref<2x16x125xi32, #tpu.memory_space<vmem>> -> memref<1x16x125xi32, #tpu.memory_space<vmem>>
          %dma_start3A_253 = tpu.memref_squeeze %dma_start3A_252 : memref<1x16x125xi32, #tpu.memory_space<vmem>> -> memref<16x125xi32, #tpu.memory_space<vmem>>
          %dma_start3A_254 = arith.constant 0 : i32
          %dma_start3A_255 = tpu.memref_slice %arg3[%run_scoped3A_228, %add3A_211, %dma_start3A_254] : memref<2x2560x125xi32, #tpu.memory_space<hbm>> -> memref<1x16x125xi32, #tpu.memory_space<hbm>>
          %dma_start3A_256 = tpu.memref_squeeze %dma_start3A_255 : memref<1x16x125xi32, #tpu.memory_space<hbm>> -> memref<16x125xi32, #tpu.memory_space<hbm>>
          %dma_start3A_257 = arith.constant 0 : i32
          %dma_start3A_258 = arith.constant 0 : i32
          %dma_start3A_259 = tpu.memref_slice %arg6[%select_n3A_227, %dma_start3A_257, %dma_start3A_258] : memref<2x16x125xi32, #tpu.memory_space<vmem>> -> memref<1x16x125xi32, #tpu.memory_space<vmem>>
          %dma_start3A_260 = tpu.memref_squeeze %dma_start3A_259 : memref<1x16x125xi32, #tpu.memory_space<vmem>> -> memref<16x125xi32, #tpu.memory_space<vmem>>
          %dma_start3A_261 = arith.constant 0 : i32
          %dma_start3A_262 = tpu.memref_slice %arg3[%run_scoped3A_228, %add3A_211, %dma_start3A_261] : memref<2x2560x125xi32, #tpu.memory_space<hbm>> -> memref<1x16x125xi32, #tpu.memory_space<hbm>>
          %dma_start3A_263 = tpu.memref_squeeze %dma_start3A_262 : memref<1x16x125xi32, #tpu.memory_space<hbm>> -> memref<16x125xi32, #tpu.memory_space<hbm>>
          tpu.enqueue_dma source(%dma_start3A_263 : memref<16x125xi32, #tpu.memory_space<hbm>>) target(%dma_start3A_260 : memref<16x125xi32, #tpu.memory_space<vmem>>) target_semaphore(%run_scoped3A_249 : memref<!tpu.dma_semaphore, #tpu.memory_space<semaphore_mem>>)
          %dma_wait3A_264 = arith.constant 0 : i32
          %dma_wait3A_265 = arith.constant 0 : i32
          %dma_wait3A_266 = tpu.memref_slice %arg6[%select_n3A_227, %dma_wait3A_264, %dma_wait3A_265] : memref<2x16x125xi32, #tpu.memory_space<vmem>> -> memref<1x16x125xi32, #tpu.memory_space<vmem>>
          %dma_wait3A_267 = tpu.memref_squeeze %dma_wait3A_266 : memref<1x16x125xi32, #tpu.memory_space<vmem>> -> memref<16x125xi32, #tpu.memory_space<vmem>>
          %dma_wait3A_268 = arith.constant 0 : i32
          %dma_wait3A_269 = tpu.memref_slice %arg3[%run_scoped3A_228, %add3A_211, %dma_wait3A_268] : memref<2x2560x125xi32, #tpu.memory_space<hbm>> -> memref<1x16x125xi32, #tpu.memory_space<hbm>>
          %dma_wait3A_270 = tpu.memref_squeeze %dma_wait3A_269 : memref<1x16x125xi32, #tpu.memory_space<hbm>> -> memref<16x125xi32, #tpu.memory_space<hbm>>
          %dma_wait3A_271 = arith.constant 0 : i32
          %dma_wait3A_272 = arith.constant 0 : i32
          %dma_wait3A_273 = tpu.memref_slice %arg6[%select_n3A_227, %dma_wait3A_271, %dma_wait3A_272] : memref<2x16x125xi32, #tpu.memory_space<vmem>> -> memref<1x16x125xi32, #tpu.memory_space<vmem>>
          %dma_wait3A_274 = tpu.memref_squeeze %dma_wait3A_273 : memref<1x16x125xi32, #tpu.memory_space<vmem>> -> memref<16x125xi32, #tpu.memory_space<vmem>>
          %dma_wait3A_275 = arith.constant 0 : i32
          %dma_wait3A_276 = tpu.memref_slice %arg3[%run_scoped3A_228, %add3A_211, %dma_wait3A_275] : memref<2x2560x125xi32, #tpu.memory_space<hbm>> -> memref<1x16x125xi32, #tpu.memory_space<hbm>>
          %dma_wait3A_277 = tpu.memref_squeeze %dma_wait3A_276 : memref<1x16x125xi32, #tpu.memory_space<hbm>> -> memref<16x125xi32, #tpu.memory_space<hbm>>
          tpu.wait_dma2 semaphore(%run_scoped3A_249 : memref<!tpu.dma_semaphore, #tpu.memory_space<semaphore_mem>>) src(%dma_wait3A_277 : memref<16x125xi32, #tpu.memory_space<hbm>>) dst(%dma_wait3A_274 : memref<16x125xi32, #tpu.memory_space<vmem>>)
          tpu.yield
        }) : () -> ()
        %mul3A_229 = arith.constant 16 : i32
        %mul3A_230 = arith.muli %add3A_208, %mul3A_229 : i32
        %add3A_231 = arith.addi %mul3A_2, %mul3A_230 : i32
        %jit3A_232 = arith.constant 2 : i32
        %eq3A_233 = arith.constant 0 : i32
        %eq3A_234 = arith.cmpi eq, %jit3A_232, %eq3A_233 : i32
        %jit3A_235 = arith.constant 1 : i32
        %select_n3A_236 = arith.select %eq3A_234, %jit3A_235, %jit3A_232 : i32
        %rem3A_237 = arith.remsi %add3A_208, %select_n3A_236 : i32
        %ne3A_238 = arith.constant 0 : i32
        %ne3A_239 = arith.cmpi ne, %rem3A_237, %ne3A_238 : i32
        %lt3A_240 = arith.constant 0 : i32
        %lt3A_241 = arith.cmpi slt, %rem3A_237, %lt3A_240 : i32
        %lt3A_242 = arith.constant 0 : i32
        %lt3A_243 = arith.cmpi slt, %select_n3A_236, %lt3A_242 : i32
        %ne3A_244 = arith.xori %lt3A_241, %lt3A_243 : i1
        %and3A_245 = arith.andi %ne3A_244, %ne3A_239 : i1
        %add3A_246 = arith.addi %rem3A_237, %select_n3A_236 : i32
        %select_n3A_247 = arith.select %and3A_245, %add3A_246, %rem3A_237 : i32
        %run_scoped3A_248 = arith.constant 1 : i32
        "tpu.region"() ({
          %run_scoped3A_249 = tpu.sem_alloc : memref<!tpu.dma_semaphore, #tpu.memory_space<semaphore_mem>>
          %dma_start3A_250 = arith.constant 0 : i32
          %dma_start3A_251 = arith.constant 0 : i32
          %dma_start3A_252 = tpu.memref_slice %arg7[%select_n3A_247, %dma_start3A_250, %dma_start3A_251] : memref<2x16x125xi32, #tpu.memory_space<vmem>> -> memref<1x16x125xi32, #tpu.memory_space<vmem>>
          %dma_start3A_253 = tpu.memref_squeeze %dma_start3A_252 : memref<1x16x125xi32, #tpu.memory_space<vmem>> -> memref<16x125xi32, #tpu.memory_space<vmem>>
          %dma_start3A_254 = arith.constant 0 : i32
          %dma_start3A_255 = tpu.memref_slice %arg3[%run_scoped3A_248, %add3A_231, %dma_start3A_254] : memref<2x2560x125xi32, #tpu.memory_space<hbm>> -> memref<1x16x125xi32, #tpu.memory_space<hbm>>
          %dma_start3A_256 = tpu.memref_squeeze %dma_start3A_255 : memref<1x16x125xi32, #tpu.memory_space<hbm>> -> memref<16x125xi32, #tpu.memory_space<hbm>>
          %dma_start3A_257 = arith.constant 0 : i32
          %dma_start3A_258 = arith.constant 0 : i32
          %dma_start3A_259 = tpu.memref_slice %arg7[%select_n3A_247, %dma_start3A_257, %dma_start3A_258] : memref<2x16x125xi32, #tpu.memory_space<vmem>> -> memref<1x16x125xi32, #tpu.memory_space<vmem>>
          %dma_start3A_260 = tpu.memref_squeeze %dma_start3A_259 : memref<1x16x125xi32, #tpu.memory_space<vmem>> -> memref<16x125xi32, #tpu.memory_space<vmem>>
          %dma_start3A_261 = arith.constant 0 : i32
          %dma_start3A_262 = tpu.memref_slice %arg3[%run_scoped3A_248, %add3A_231, %dma_start3A_261] : memref<2x2560x125xi32, #tpu.memory_space<hbm>> -> memref<1x16x125xi32, #tpu.memory_space<hbm>>
          %dma_start3A_263 = tpu.memref_squeeze %dma_start3A_262 : memref<1x16x125xi32, #tpu.memory_space<hbm>> -> memref<16x125xi32, #tpu.memory_space<hbm>>
          tpu.enqueue_dma source(%dma_start3A_263 : memref<16x125xi32, #tpu.memory_space<hbm>>) target(%dma_start3A_260 : memref<16x125xi32, #tpu.memory_space<vmem>>) target_semaphore(%run_scoped3A_249 : memref<!tpu.dma_semaphore, #tpu.memory_space<semaphore_mem>>)
          %dma_wait3A_264 = arith.constant 0 : i32
          %dma_wait3A_265 = arith.constant 0 : i32
          %dma_wait3A_266 = tpu.memref_slice %arg7[%select_n3A_247, %dma_wait3A_264, %dma_wait3A_265] : memref<2x16x125xi32, #tpu.memory_space<vmem>> -> memref<1x16x125xi32, #tpu.memory_space<vmem>>
          %dma_wait3A_267 = tpu.memref_squeeze %dma_wait3A_266 : memref<1x16x125xi32, #tpu.memory_space<vmem>> -> memref<16x125xi32, #tpu.memory_space<vmem>>
          %dma_wait3A_268 = arith.constant 0 : i32
          %dma_wait3A_269 = tpu.memref_slice %arg3[%run_scoped3A_248, %add3A_231, %dma_wait3A_268] : memref<2x2560x125xi32, #tpu.memory_space<hbm>> -> memref<1x16x125xi32, #tpu.memory_space<hbm>>
          %dma_wait3A_270 = tpu.memref_squeeze %dma_wait3A_269 : memref<1x16x125xi32, #tpu.memory_space<hbm>> -> memref<16x125xi32, #tpu.memory_space<hbm>>
          %dma_wait3A_271 = arith.constant 0 : i32
          %dma_wait3A_272 = arith.constant 0 : i32
          %dma_wait3A_273 = tpu.memref_slice %arg7[%select_n3A_247, %dma_wait3A_271, %dma_wait3A_272] : memref<2x16x125xi32, #tpu.memory_space<vmem>> -> memref<1x16x125xi32, #tpu.memory_space<vmem>>
          %dma_wait3A_274 = tpu.memref_squeeze %dma_wait3A_273 : memref<1x16x125xi32, #tpu.memory_space<vmem>> -> memref<16x125xi32, #tpu.memory_space<vmem>>
          %dma_wait3A_275 = arith.constant 0 : i32
          %dma_wait3A_276 = tpu.memref_slice %arg3[%run_scoped3A_248, %add3A_231, %dma_wait3A_275] : memref<2x2560x125xi32, #tpu.memory_space<hbm>> -> memref<1x16x125xi32, #tpu.memory_space<hbm>>
          %dma_wait3A_277 = tpu.memref_squeeze %dma_wait3A_276 : memref<1x16x125xi32, #tpu.memory_space<hbm>> -> memref<16x125xi32, #tpu.memory_space<hbm>>
          tpu.wait_dma2 semaphore(%run_scoped3A_249 : memref<!tpu.dma_semaphore, #tpu.memory_space<semaphore_mem>>) src(%dma_wait3A_277 : memref<16x125xi32, #tpu.memory_space<hbm>>) dst(%dma_wait3A_274 : memref<16x125xi32, #tpu.memory_space<vmem>>)
          tpu.yield
        }) : () -> ()
      } else {
      }
      %dma_wait3A = arith.constant 0 : i32
      %dma_wait3A_112 = tpu.memref_slice %arg6[%select_n3A_101, %select_n3A_85, %dma_wait3A] : memref<2x16x125xi32, #tpu.memory_space<vmem>> -> memref<1x1x125xi32, #tpu.memory_space<vmem>>
      %dma_wait3A_113 = tpu.memref_squeeze %dma_wait3A_112 : memref<1x1x125xi32, #tpu.memory_space<vmem>> -> memref<125xi32, #tpu.memory_space<vmem>>
      %dma_wait3A_114 = arith.constant 0 : i32
      %dma_wait3A_115 = arith.constant 0 : i32
      %dma_wait3A_116 = tpu.memref_slice %arg2[%dma_wait3A_114, %dma_wait3A_115] : memref<10240x128xf32, #tpu.memory_space<hbm>> -> memref<10240x128xf32, #tpu.memory_space<hbm>>
      tpu.wait_indirect_dma semaphore(%arg10 : memref<!tpu.dma_semaphore, #tpu.memory_space<semaphore_mem>>) src(%dma_wait3A_116 : memref<10240x128xf32, #tpu.memory_space<hbm>>) dst(%arg8 : memref<125x128xf32, #tpu.memory_space<vmem>>)
      "tpu.region"() ({
        %run_scoped3A_207 = tpu.sem_alloc : memref<!tpu.dma_semaphore, #tpu.memory_space<semaphore_mem>>
        %dma_start3A_208 = arith.constant 0 : i32
        %dma_start3A_209 = tpu.memref_slice %arg7[%select_n3A_101, %select_n3A_85, %dma_start3A_208] : memref<2x16x125xi32, #tpu.memory_space<vmem>> -> memref<1x1x125xi32, #tpu.memory_space<vmem>>
        %dma_start3A_210 = tpu.memref_squeeze %dma_start3A_209 : memref<1x1x125xi32, #tpu.memory_space<vmem>> -> memref<125xi32, #tpu.memory_space<vmem>>
        %dma_start3A_211 = arith.constant 0 : i32
        %dma_start3A_212 = arith.constant 0 : i32
        %dma_start3A_213 = tpu.memref_slice %arg5[%dma_start3A_211, %dma_start3A_212] : memref<10240x128xf32, #tpu.memory_space<vmem_shared>> -> memref<10240x128xf32, #tpu.memory_space<vmem_shared>>
        tpu.enqueue_indirect_dma source(%arg8 : memref<125x128xf32, #tpu.memory_space<vmem>>) target(%dma_start3A_213 : memref<10240x128xf32, #tpu.memory_space<vmem_shared>>) offsets(%dma_start3A_210 : memref<125xi32, #tpu.memory_space<vmem>>) semaphore(%run_scoped3A_207 : memref<!tpu.dma_semaphore, #tpu.memory_space<semaphore_mem>>) {add = true}
        %dma_wait3A_214 = arith.constant 0 : i32
        %dma_wait3A_215 = tpu.memref_slice %arg7[%select_n3A_101, %select_n3A_85, %dma_wait3A_214] : memref<2x16x125xi32, #tpu.memory_space<vmem>> -> memref<1x1x125xi32, #tpu.memory_space<vmem>>
        %dma_wait3A_216 = tpu.memref_squeeze %dma_wait3A_215 : memref<1x1x125xi32, #tpu.memory_space<vmem>> -> memref<125xi32, #tpu.memory_space<vmem>>
        %dma_wait3A_217 = arith.constant 0 : i32
        %dma_wait3A_218 = arith.constant 0 : i32
        %dma_wait3A_219 = tpu.memref_slice %arg5[%dma_wait3A_217, %dma_wait3A_218] : memref<10240x128xf32, #tpu.memory_space<vmem_shared>> -> memref<10240x128xf32, #tpu.memory_space<vmem_shared>>
        tpu.wait_indirect_dma semaphore(%run_scoped3A_207 : memref<!tpu.dma_semaphore, #tpu.memory_space<semaphore_mem>>) src(%arg8 : memref<125x128xf32, #tpu.memory_space<vmem>>) dst(%dma_wait3A_219 : memref<10240x128xf32, #tpu.memory_space<vmem_shared>>)
        tpu.yield
      }) : () -> ()
      %add3A_117 = arith.constant 2 : i32
      %add3A_118 = arith.addi %mul3A_53, %add3A_117 : i32
      %lt3A_119 = arith.constant 80 : i32
      %lt3A_120 = arith.cmpi slt, %add3A_118, %lt3A_119 : i32
      %convert_element_type3A_121 = arith.extui %lt3A_120 : i1 to i32
      %cond3A_122 = arith.constant 0 : i32
      %cond3A_123 = arith.cmpi ne, %convert_element_type3A_121, %cond3A_122 : i32
      scf.if %cond3A_123 {
        %add3A_207 = arith.constant 2 : i32
        %add3A_208 = arith.addi %mul3A_53, %add3A_207 : i32
        %jit3A_209 = arith.constant 16 : i32
        %div3A_210 = arith.divsi %add3A_208, %jit3A_209 : i32
        %sign3A_211 = arith.constant 0 : i32
        %sign3A_212 = arith.cmpi sgt, %add3A_208, %sign3A_211 : i32
        %sign3A_213 = arith.extui %sign3A_212 : i1 to i32
        %sign3A_214 = arith.constant 0 : i32
        %sign3A_215 = arith.cmpi slt, %add3A_208, %sign3A_214 : i32
        %sign3A_216 = arith.extui %sign3A_215 : i1 to i32
        %sign3A_217 = arith.subi %sign3A_213, %sign3A_216 : i32
        %sign3A_218 = arith.constant 0 : i32
        %sign3A_219 = arith.cmpi sgt, %jit3A_209, %sign3A_218 : i32
        %sign3A_220 = arith.extui %sign3A_219 : i1 to i32
        %sign3A_221 = arith.constant 0 : i32
        %sign3A_222 = arith.cmpi slt, %jit3A_209, %sign3A_221 : i32
        %sign3A_223 = arith.extui %sign3A_222 : i1 to i32
        %sign3A_224 = arith.subi %sign3A_220, %sign3A_223 : i32
        %ne3A_225 = arith.cmpi ne, %sign3A_217, %sign3A_224 : i32
        %rem3A_226 = arith.remsi %add3A_208, %jit3A_209 : i32
        %ne3A_227 = arith.constant 0 : i32
        %ne3A_228 = arith.cmpi ne, %rem3A_226, %ne3A_227 : i32
        %and3A_229 = arith.andi %ne3A_225, %ne3A_228 : i1
        %sub3A_230 = arith.constant 1 : i32
        %sub3A_231 = arith.subi %div3A_210, %sub3A_230 : i32
        %select_n3A_232 = arith.select %and3A_229, %sub3A_231, %div3A_210 : i32
        %jit3A_233 = arith.constant 2 : i32
        %eq3A_234 = arith.constant 0 : i32
        %eq3A_235 = arith.cmpi eq, %jit3A_233, %eq3A_234 : i32
        %jit3A_236 = arith.constant 1 : i32
        %select_n3A_237 = arith.select %eq3A_235, %jit3A_236, %jit3A_233 : i32
        %rem3A_238 = arith.remsi %select_n3A_232, %select_n3A_237 : i32
        %ne3A_239 = arith.constant 0 : i32
        %ne3A_240 = arith.cmpi ne, %rem3A_238, %ne3A_239 : i32
        %lt3A_241 = arith.constant 0 : i32
        %lt3A_242 = arith.cmpi slt, %rem3A_238, %lt3A_241 : i32
        %lt3A_243 = arith.constant 0 : i32
        %lt3A_244 = arith.cmpi slt, %select_n3A_237, %lt3A_243 : i32
        %ne3A_245 = arith.xori %lt3A_242, %lt3A_244 : i1
        %and3A_246 = arith.andi %ne3A_245, %ne3A_240 : i1
        %add3A_247 = arith.addi %rem3A_238, %select_n3A_237 : i32
        %select_n3A_248 = arith.select %and3A_246, %add3A_247, %rem3A_238 : i32
        %jit3A_249 = arith.constant 16 : i32
        %eq3A_250 = arith.constant 0 : i32
        %eq3A_251 = arith.cmpi eq, %jit3A_249, %eq3A_250 : i32
        %jit3A_252 = arith.constant 1 : i32
        %select_n3A_253 = arith.select %eq3A_251, %jit3A_252, %jit3A_249 : i32
        %rem3A_254 = arith.remsi %add3A_208, %select_n3A_253 : i32
        %ne3A_255 = arith.constant 0 : i32
        %ne3A_256 = arith.cmpi ne, %rem3A_254, %ne3A_255 : i32
        %lt3A_257 = arith.constant 0 : i32
        %lt3A_258 = arith.cmpi slt, %rem3A_254, %lt3A_257 : i32
        %lt3A_259 = arith.constant 0 : i32
        %lt3A_260 = arith.cmpi slt, %select_n3A_253, %lt3A_259 : i32
        %ne3A_261 = arith.xori %lt3A_258, %lt3A_260 : i1
        %and3A_262 = arith.andi %ne3A_261, %ne3A_256 : i1
        %add3A_263 = arith.addi %rem3A_254, %select_n3A_253 : i32
        %select_n3A_264 = arith.select %and3A_262, %add3A_263, %rem3A_254 : i32
        %dma_start3A_265 = arith.constant 0 : i32
        %dma_start3A_266 = tpu.memref_slice %arg6[%select_n3A_248, %select_n3A_264, %dma_start3A_265] : memref<2x16x125xi32, #tpu.memory_space<vmem>> -> memref<1x1x125xi32, #tpu.memory_space<vmem>>
        %dma_start3A_267 = tpu.memref_squeeze %dma_start3A_266 : memref<1x1x125xi32, #tpu.memory_space<vmem>> -> memref<125xi32, #tpu.memory_space<vmem>>
        %dma_start3A_268 = arith.constant 0 : i32
        %dma_start3A_269 = arith.constant 0 : i32
        %dma_start3A_270 = tpu.memref_slice %arg2[%dma_start3A_268, %dma_start3A_269] : memref<10240x128xf32, #tpu.memory_space<hbm>> -> memref<10240x128xf32, #tpu.memory_space<hbm>>
        tpu.enqueue_indirect_dma source(%dma_start3A_270 : memref<10240x128xf32, #tpu.memory_space<hbm>>) target(%arg8 : memref<125x128xf32, #tpu.memory_space<vmem>>) offsets(%dma_start3A_267 : memref<125xi32, #tpu.memory_space<vmem>>) semaphore(%arg10 : memref<!tpu.dma_semaphore, #tpu.memory_space<semaphore_mem>>)
      } else {
      }
      %mul3A_124 = arith.constant 2 : i32
      %mul3A_125 = arith.muli %mul3A_124, %scan3A_51 : i32
      %add3A_126 = arith.constant 1 : i32
      %add3A_127 = arith.addi %mul3A_125, %add3A_126 : i32
      %jit3A_128 = arith.constant 16 : i32
      %div3A_129 = arith.divsi %add3A_127, %jit3A_128 : i32
      %sign3A_130 = arith.constant 0 : i32
      %sign3A_131 = arith.cmpi sgt, %add3A_127, %sign3A_130 : i32
      %sign3A_132 = arith.extui %sign3A_131 : i1 to i32
      %sign3A_133 = arith.constant 0 : i32
      %sign3A_134 = arith.cmpi slt, %add3A_127, %sign3A_133 : i32
      %sign3A_135 = arith.extui %sign3A_134 : i1 to i32
      %sign3A_136 = arith.subi %sign3A_132, %sign3A_135 : i32
      %sign3A_137 = arith.constant 0 : i32
      %sign3A_138 = arith.cmpi sgt, %jit3A_128, %sign3A_137 : i32
      %sign3A_139 = arith.extui %sign3A_138 : i1 to i32
      %sign3A_140 = arith.constant 0 : i32
      %sign3A_141 = arith.cmpi slt, %jit3A_128, %sign3A_140 : i32
      %sign3A_142 = arith.extui %sign3A_141 : i1 to i32
      %sign3A_143 = arith.subi %sign3A_139, %sign3A_142 : i32
      %ne3A_144 = arith.cmpi ne, %sign3A_136, %sign3A_143 : i32
      %rem3A_145 = arith.remsi %add3A_127, %jit3A_128 : i32
      %ne3A_146 = arith.constant 0 : i32
      %ne3A_147 = arith.cmpi ne, %rem3A_145, %ne3A_146 : i32
      %and3A_148 = arith.andi %ne3A_144, %ne3A_147 : i1
      %sub3A_149 = arith.constant 1 : i32
      %sub3A_150 = arith.subi %div3A_129, %sub3A_149 : i32
      %select_n3A_151 = arith.select %and3A_148, %sub3A_150, %div3A_129 : i32
      %jit3A_152 = arith.constant 16 : i32
      %eq3A_153 = arith.constant 0 : i32
      %eq3A_154 = arith.cmpi eq, %jit3A_152, %eq3A_153 : i32
      %jit3A_155 = arith.constant 1 : i32
      %select_n3A_156 = arith.select %eq3A_154, %jit3A_155, %jit3A_152 : i32
      %rem3A_157 = arith.remsi %add3A_127, %select_n3A_156 : i32
      %ne3A_158 = arith.constant 0 : i32
      %ne3A_159 = arith.cmpi ne, %rem3A_157, %ne3A_158 : i32
      %lt3A_160 = arith.constant 0 : i32
      %lt3A_161 = arith.cmpi slt, %rem3A_157, %lt3A_160 : i32
      %lt3A_162 = arith.constant 0 : i32
      %lt3A_163 = arith.cmpi slt, %select_n3A_156, %lt3A_162 : i32
      %ne3A_164 = arith.xori %lt3A_161, %lt3A_163 : i1
      %and3A_165 = arith.andi %ne3A_164, %ne3A_159 : i1
      %add3A_166 = arith.addi %rem3A_157, %select_n3A_156 : i32
      %select_n3A_167 = arith.select %and3A_165, %add3A_166, %rem3A_157 : i32
      %jit3A_168 = arith.constant 2 : i32
      %eq3A_169 = arith.constant 0 : i32
      %eq3A_170 = arith.cmpi eq, %jit3A_168, %eq3A_169 : i32
      %jit3A_171 = arith.constant 1 : i32
      %select_n3A_172 = arith.select %eq3A_170, %jit3A_171, %jit3A_168 : i32
      %rem3A_173 = arith.remsi %select_n3A_151, %select_n3A_172 : i32
      %ne3A_174 = arith.constant 0 : i32
      %ne3A_175 = arith.cmpi ne, %rem3A_173, %ne3A_174 : i32
      %lt3A_176 = arith.constant 0 : i32
      %lt3A_177 = arith.cmpi slt, %rem3A_173, %lt3A_176 : i32
      %lt3A_178 = arith.constant 0 : i32
      %lt3A_179 = arith.cmpi slt, %select_n3A_172, %lt3A_178 : i32
      %ne3A_180 = arith.xori %lt3A_177, %lt3A_179 : i1
      %and3A_181 = arith.andi %ne3A_180, %ne3A_175 : i1
      %add3A_182 = arith.addi %rem3A_173, %select_n3A_172 : i32
      %select_n3A_183 = arith.select %and3A_181, %add3A_182, %rem3A_173 : i32
      %eq3A_184 = arith.constant 0 : i32
      %eq3A_185 = arith.cmpi eq, %select_n3A_167, %eq3A_184 : i32
      %add3A_186 = arith.constant 1 : i32
      %add3A_187 = arith.addi %select_n3A_151, %add3A_186 : i32
      %lt3A_188 = arith.constant 5 : i32
      %lt3A_189 = arith.cmpi slt, %add3A_187, %lt3A_188 : i32
      %and3A_190 = arith.andi %eq3A_185, %lt3A_189 : i1
      %convert_element_type3A_191 = arith.extui %and3A_190 : i1 to i32
      %cond3A_192 = arith.constant 0 : i32
      %cond3A_193 = arith.cmpi ne, %convert_element_type3A_191, %cond3A_192 : i32
      scf.if %cond3A_193 {
        %add3A_207 = arith.constant 1 : i32
        %add3A_208 = arith.addi %select_n3A_151, %add3A_207 : i32
        %mul3A_209 = arith.constant 16 : i32
        %mul3A_210 = arith.muli %add3A_208, %mul3A_209 : i32
        %add3A_211 = arith.addi %mul3A_2, %mul3A_210 : i32
        %jit3A_212 = arith.constant 2 : i32
        %eq3A_213 = arith.constant 0 : i32
        %eq3A_214 = arith.cmpi eq, %jit3A_212, %eq3A_213 : i32
        %jit3A_215 = arith.constant 1 : i32
        %select_n3A_216 = arith.select %eq3A_214, %jit3A_215, %jit3A_212 : i32
        %rem3A_217 = arith.remsi %add3A_208, %select_n3A_216 : i32
        %ne3A_218 = arith.constant 0 : i32
        %ne3A_219 = arith.cmpi ne, %rem3A_217, %ne3A_218 : i32
        %lt3A_220 = arith.constant 0 : i32
        %lt3A_221 = arith.cmpi slt, %rem3A_217, %lt3A_220 : i32
        %lt3A_222 = arith.constant 0 : i32
        %lt3A_223 = arith.cmpi slt, %select_n3A_216, %lt3A_222 : i32
        %ne3A_224 = arith.xori %lt3A_221, %lt3A_223 : i1
        %and3A_225 = arith.andi %ne3A_224, %ne3A_219 : i1
        %add3A_226 = arith.addi %rem3A_217, %select_n3A_216 : i32
        %select_n3A_227 = arith.select %and3A_225, %add3A_226, %rem3A_217 : i32
        %run_scoped3A_228 = arith.constant 0 : i32
        "tpu.region"() ({
          %run_scoped3A_249 = tpu.sem_alloc : memref<!tpu.dma_semaphore, #tpu.memory_space<semaphore_mem>>
          %dma_start3A_250 = arith.constant 0 : i32
          %dma_start3A_251 = arith.constant 0 : i32
          %dma_start3A_252 = tpu.memref_slice %arg6[%select_n3A_227, %dma_start3A_250, %dma_start3A_251] : memref<2x16x125xi32, #tpu.memory_space<vmem>> -> memref<1x16x125xi32, #tpu.memory_space<vmem>>
          %dma_start3A_253 = tpu.memref_squeeze %dma_start3A_252 : memref<1x16x125xi32, #tpu.memory_space<vmem>> -> memref<16x125xi32, #tpu.memory_space<vmem>>
          %dma_start3A_254 = arith.constant 0 : i32
          %dma_start3A_255 = tpu.memref_slice %arg3[%run_scoped3A_228, %add3A_211, %dma_start3A_254] : memref<2x2560x125xi32, #tpu.memory_space<hbm>> -> memref<1x16x125xi32, #tpu.memory_space<hbm>>
          %dma_start3A_256 = tpu.memref_squeeze %dma_start3A_255 : memref<1x16x125xi32, #tpu.memory_space<hbm>> -> memref<16x125xi32, #tpu.memory_space<hbm>>
          %dma_start3A_257 = arith.constant 0 : i32
          %dma_start3A_258 = arith.constant 0 : i32
          %dma_start3A_259 = tpu.memref_slice %arg6[%select_n3A_227, %dma_start3A_257, %dma_start3A_258] : memref<2x16x125xi32, #tpu.memory_space<vmem>> -> memref<1x16x125xi32, #tpu.memory_space<vmem>>
          %dma_start3A_260 = tpu.memref_squeeze %dma_start3A_259 : memref<1x16x125xi32, #tpu.memory_space<vmem>> -> memref<16x125xi32, #tpu.memory_space<vmem>>
          %dma_start3A_261 = arith.constant 0 : i32
          %dma_start3A_262 = tpu.memref_slice %arg3[%run_scoped3A_228, %add3A_211, %dma_start3A_261] : memref<2x2560x125xi32, #tpu.memory_space<hbm>> -> memref<1x16x125xi32, #tpu.memory_space<hbm>>
          %dma_start3A_263 = tpu.memref_squeeze %dma_start3A_262 : memref<1x16x125xi32, #tpu.memory_space<hbm>> -> memref<16x125xi32, #tpu.memory_space<hbm>>
          tpu.enqueue_dma source(%dma_start3A_263 : memref<16x125xi32, #tpu.memory_space<hbm>>) target(%dma_start3A_260 : memref<16x125xi32, #tpu.memory_space<vmem>>) target_semaphore(%run_scoped3A_249 : memref<!tpu.dma_semaphore, #tpu.memory_space<semaphore_mem>>)
          %dma_wait3A_264 = arith.constant 0 : i32
          %dma_wait3A_265 = arith.constant 0 : i32
          %dma_wait3A_266 = tpu.memref_slice %arg6[%select_n3A_227, %dma_wait3A_264, %dma_wait3A_265] : memref<2x16x125xi32, #tpu.memory_space<vmem>> -> memref<1x16x125xi32, #tpu.memory_space<vmem>>
          %dma_wait3A_267 = tpu.memref_squeeze %dma_wait3A_266 : memref<1x16x125xi32, #tpu.memory_space<vmem>> -> memref<16x125xi32, #tpu.memory_space<vmem>>
          %dma_wait3A_268 = arith.constant 0 : i32
          %dma_wait3A_269 = tpu.memref_slice %arg3[%run_scoped3A_228, %add3A_211, %dma_wait3A_268] : memref<2x2560x125xi32, #tpu.memory_space<hbm>> -> memref<1x16x125xi32, #tpu.memory_space<hbm>>
          %dma_wait3A_270 = tpu.memref_squeeze %dma_wait3A_269 : memref<1x16x125xi32, #tpu.memory_space<hbm>> -> memref<16x125xi32, #tpu.memory_space<hbm>>
          %dma_wait3A_271 = arith.constant 0 : i32
          %dma_wait3A_272 = arith.constant 0 : i32
          %dma_wait3A_273 = tpu.memref_slice %arg6[%select_n3A_227, %dma_wait3A_271, %dma_wait3A_272] : memref<2x16x125xi32, #tpu.memory_space<vmem>> -> memref<1x16x125xi32, #tpu.memory_space<vmem>>
          %dma_wait3A_274 = tpu.memref_squeeze %dma_wait3A_273 : memref<1x16x125xi32, #tpu.memory_space<vmem>> -> memref<16x125xi32, #tpu.memory_space<vmem>>
          %dma_wait3A_275 = arith.constant 0 : i32
          %dma_wait3A_276 = tpu.memref_slice %arg3[%run_scoped3A_228, %add3A_211, %dma_wait3A_275] : memref<2x2560x125xi32, #tpu.memory_space<hbm>> -> memref<1x16x125xi32, #tpu.memory_space<hbm>>
          %dma_wait3A_277 = tpu.memref_squeeze %dma_wait3A_276 : memref<1x16x125xi32, #tpu.memory_space<hbm>> -> memref<16x125xi32, #tpu.memory_space<hbm>>
          tpu.wait_dma2 semaphore(%run_scoped3A_249 : memref<!tpu.dma_semaphore, #tpu.memory_space<semaphore_mem>>) src(%dma_wait3A_277 : memref<16x125xi32, #tpu.memory_space<hbm>>) dst(%dma_wait3A_274 : memref<16x125xi32, #tpu.memory_space<vmem>>)
          tpu.yield
        }) : () -> ()
        %mul3A_229 = arith.constant 16 : i32
        %mul3A_230 = arith.muli %add3A_208, %mul3A_229 : i32
        %add3A_231 = arith.addi %mul3A_2, %mul3A_230 : i32
        %jit3A_232 = arith.constant 2 : i32
        %eq3A_233 = arith.constant 0 : i32
        %eq3A_234 = arith.cmpi eq, %jit3A_232, %eq3A_233 : i32
        %jit3A_235 = arith.constant 1 : i32
        %select_n3A_236 = arith.select %eq3A_234, %jit3A_235, %jit3A_232 : i32
        %rem3A_237 = arith.remsi %add3A_208, %select_n3A_236 : i32
        %ne3A_238 = arith.constant 0 : i32
        %ne3A_239 = arith.cmpi ne, %rem3A_237, %ne3A_238 : i32
        %lt3A_240 = arith.constant 0 : i32
        %lt3A_241 = arith.cmpi slt, %rem3A_237, %lt3A_240 : i32
        %lt3A_242 = arith.constant 0 : i32
        %lt3A_243 = arith.cmpi slt, %select_n3A_236, %lt3A_242 : i32
        %ne3A_244 = arith.xori %lt3A_241, %lt3A_243 : i1
        %and3A_245 = arith.andi %ne3A_244, %ne3A_239 : i1
        %add3A_246 = arith.addi %rem3A_237, %select_n3A_236 : i32
        %select_n3A_247 = arith.select %and3A_245, %add3A_246, %rem3A_237 : i32
        %run_scoped3A_248 = arith.constant 1 : i32
        "tpu.region"() ({
          %run_scoped3A_249 = tpu.sem_alloc : memref<!tpu.dma_semaphore, #tpu.memory_space<semaphore_mem>>
          %dma_start3A_250 = arith.constant 0 : i32
          %dma_start3A_251 = arith.constant 0 : i32
          %dma_start3A_252 = tpu.memref_slice %arg7[%select_n3A_247, %dma_start3A_250, %dma_start3A_251] : memref<2x16x125xi32, #tpu.memory_space<vmem>> -> memref<1x16x125xi32, #tpu.memory_space<vmem>>
          %dma_start3A_253 = tpu.memref_squeeze %dma_start3A_252 : memref<1x16x125xi32, #tpu.memory_space<vmem>> -> memref<16x125xi32, #tpu.memory_space<vmem>>
          %dma_start3A_254 = arith.constant 0 : i32
          %dma_start3A_255 = tpu.memref_slice %arg3[%run_scoped3A_248, %add3A_231, %dma_start3A_254] : memref<2x2560x125xi32, #tpu.memory_space<hbm>> -> memref<1x16x125xi32, #tpu.memory_space<hbm>>
          %dma_start3A_256 = tpu.memref_squeeze %dma_start3A_255 : memref<1x16x125xi32, #tpu.memory_space<hbm>> -> memref<16x125xi32, #tpu.memory_space<hbm>>
          %dma_start3A_257 = arith.constant 0 : i32
          %dma_start3A_258 = arith.constant 0 : i32
          %dma_start3A_259 = tpu.memref_slice %arg7[%select_n3A_247, %dma_start3A_257, %dma_start3A_258] : memref<2x16x125xi32, #tpu.memory_space<vmem>> -> memref<1x16x125xi32, #tpu.memory_space<vmem>>
          %dma_start3A_260 = tpu.memref_squeeze %dma_start3A_259 : memref<1x16x125xi32, #tpu.memory_space<vmem>> -> memref<16x125xi32, #tpu.memory_space<vmem>>
          %dma_start3A_261 = arith.constant 0 : i32
          %dma_start3A_262 = tpu.memref_slice %arg3[%run_scoped3A_248, %add3A_231, %dma_start3A_261] : memref<2x2560x125xi32, #tpu.memory_space<hbm>> -> memref<1x16x125xi32, #tpu.memory_space<hbm>>
          %dma_start3A_263 = tpu.memref_squeeze %dma_start3A_262 : memref<1x16x125xi32, #tpu.memory_space<hbm>> -> memref<16x125xi32, #tpu.memory_space<hbm>>
          tpu.enqueue_dma source(%dma_start3A_263 : memref<16x125xi32, #tpu.memory_space<hbm>>) target(%dma_start3A_260 : memref<16x125xi32, #tpu.memory_space<vmem>>) target_semaphore(%run_scoped3A_249 : memref<!tpu.dma_semaphore, #tpu.memory_space<semaphore_mem>>)
          %dma_wait3A_264 = arith.constant 0 : i32
          %dma_wait3A_265 = arith.constant 0 : i32
          %dma_wait3A_266 = tpu.memref_slice %arg7[%select_n3A_247, %dma_wait3A_264, %dma_wait3A_265] : memref<2x16x125xi32, #tpu.memory_space<vmem>> -> memref<1x16x125xi32, #tpu.memory_space<vmem>>
          %dma_wait3A_267 = tpu.memref_squeeze %dma_wait3A_266 : memref<1x16x125xi32, #tpu.memory_space<vmem>> -> memref<16x125xi32, #tpu.memory_space<vmem>>
          %dma_wait3A_268 = arith.constant 0 : i32
          %dma_wait3A_269 = tpu.memref_slice %arg3[%run_scoped3A_248, %add3A_231, %dma_wait3A_268] : memref<2x2560x125xi32, #tpu.memory_space<hbm>> -> memref<1x16x125xi32, #tpu.memory_space<hbm>>
          %dma_wait3A_270 = tpu.memref_squeeze %dma_wait3A_269 : memref<1x16x125xi32, #tpu.memory_space<hbm>> -> memref<16x125xi32, #tpu.memory_space<hbm>>
          %dma_wait3A_271 = arith.constant 0 : i32
          %dma_wait3A_272 = arith.constant 0 : i32
          %dma_wait3A_273 = tpu.memref_slice %arg7[%select_n3A_247, %dma_wait3A_271, %dma_wait3A_272] : memref<2x16x125xi32, #tpu.memory_space<vmem>> -> memref<1x16x125xi32, #tpu.memory_space<vmem>>
          %dma_wait3A_274 = tpu.memref_squeeze %dma_wait3A_273 : memref<1x16x125xi32, #tpu.memory_space<vmem>> -> memref<16x125xi32, #tpu.memory_space<vmem>>
          %dma_wait3A_275 = arith.constant 0 : i32
          %dma_wait3A_276 = tpu.memref_slice %arg3[%run_scoped3A_248, %add3A_231, %dma_wait3A_275] : memref<2x2560x125xi32, #tpu.memory_space<hbm>> -> memref<1x16x125xi32, #tpu.memory_space<hbm>>
          %dma_wait3A_277 = tpu.memref_squeeze %dma_wait3A_276 : memref<1x16x125xi32, #tpu.memory_space<hbm>> -> memref<16x125xi32, #tpu.memory_space<hbm>>
          tpu.wait_dma2 semaphore(%run_scoped3A_249 : memref<!tpu.dma_semaphore, #tpu.memory_space<semaphore_mem>>) src(%dma_wait3A_277 : memref<16x125xi32, #tpu.memory_space<hbm>>) dst(%dma_wait3A_274 : memref<16x125xi32, #tpu.memory_space<vmem>>)
          tpu.yield
        }) : () -> ()
      } else {
      }
      %dma_wait3A_194 = arith.constant 0 : i32
      %dma_wait3A_195 = tpu.memref_slice %arg6[%select_n3A_183, %select_n3A_167, %dma_wait3A_194] : memref<2x16x125xi32, #tpu.memory_space<vmem>> -> memref<1x1x125xi32, #tpu.memory_space<vmem>>
      %dma_wait3A_196 = tpu.memref_squeeze %dma_wait3A_195 : memref<1x1x125xi32, #tpu.memory_space<vmem>> -> memref<125xi32, #tpu.memory_space<vmem>>
      %dma_wait3A_197 = arith.constant 0 : i32
      %dma_wait3A_198 = arith.constant 0 : i32
      %dma_wait3A_199 = tpu.memref_slice %arg2[%dma_wait3A_197, %dma_wait3A_198] : memref<10240x128xf32, #tpu.memory_space<hbm>> -> memref<10240x128xf32, #tpu.memory_space<hbm>>
      tpu.wait_indirect_dma semaphore(%arg11 : memref<!tpu.dma_semaphore, #tpu.memory_space<semaphore_mem>>) src(%dma_wait3A_199 : memref<10240x128xf32, #tpu.memory_space<hbm>>) dst(%arg9 : memref<125x128xf32, #tpu.memory_space<vmem>>)
      "tpu.region"() ({
        %run_scoped3A_207 = tpu.sem_alloc : memref<!tpu.dma_semaphore, #tpu.memory_space<semaphore_mem>>
        %dma_start3A_208 = arith.constant 0 : i32
        %dma_start3A_209 = tpu.memref_slice %arg7[%select_n3A_183, %select_n3A_167, %dma_start3A_208] : memref<2x16x125xi32, #tpu.memory_space<vmem>> -> memref<1x1x125xi32, #tpu.memory_space<vmem>>
        %dma_start3A_210 = tpu.memref_squeeze %dma_start3A_209 : memref<1x1x125xi32, #tpu.memory_space<vmem>> -> memref<125xi32, #tpu.memory_space<vmem>>
        %dma_start3A_211 = arith.constant 0 : i32
        %dma_start3A_212 = arith.constant 0 : i32
        %dma_start3A_213 = tpu.memref_slice %arg5[%dma_start3A_211, %dma_start3A_212] : memref<10240x128xf32, #tpu.memory_space<vmem_shared>> -> memref<10240x128xf32, #tpu.memory_space<vmem_shared>>
        tpu.enqueue_indirect_dma source(%arg9 : memref<125x128xf32, #tpu.memory_space<vmem>>) target(%dma_start3A_213 : memref<10240x128xf32, #tpu.memory_space<vmem_shared>>) offsets(%dma_start3A_210 : memref<125xi32, #tpu.memory_space<vmem>>) semaphore(%run_scoped3A_207 : memref<!tpu.dma_semaphore, #tpu.memory_space<semaphore_mem>>) {add = true}
        %dma_wait3A_214 = arith.constant 0 : i32
        %dma_wait3A_215 = tpu.memref_slice %arg7[%select_n3A_183, %select_n3A_167, %dma_wait3A_214] : memref<2x16x125xi32, #tpu.memory_space<vmem>> -> memref<1x1x125xi32, #tpu.memory_space<vmem>>
        %dma_wait3A_216 = tpu.memref_squeeze %dma_wait3A_215 : memref<1x1x125xi32, #tpu.memory_space<vmem>> -> memref<125xi32, #tpu.memory_space<vmem>>
        %dma_wait3A_217 = arith.constant 0 : i32
        %dma_wait3A_218 = arith.constant 0 : i32
        %dma_wait3A_219 = tpu.memref_slice %arg5[%dma_wait3A_217, %dma_wait3A_218] : memref<10240x128xf32, #tpu.memory_space<vmem_shared>> -> memref<10240x128xf32, #tpu.memory_space<vmem_shared>>
        tpu.wait_indirect_dma semaphore(%run_scoped3A_207 : memref<!tpu.dma_semaphore, #tpu.memory_space<semaphore_mem>>) src(%arg9 : memref<125x128xf32, #tpu.memory_space<vmem>>) dst(%dma_wait3A_219 : memref<10240x128xf32, #tpu.memory_space<vmem_shared>>)
        tpu.yield
      }) : () -> ()
      %add3A_200 = arith.constant 2 : i32
      %add3A_201 = arith.addi %add3A_127, %add3A_200 : i32
      %lt3A_202 = arith.constant 80 : i32
      %lt3A_203 = arith.cmpi slt, %add3A_201, %lt3A_202 : i32
      %convert_element_type3A_204 = arith.extui %lt3A_203 : i1 to i32
      %cond3A_205 = arith.constant 0 : i32
      %cond3A_206 = arith.cmpi ne, %convert_element_type3A_204, %cond3A_205 : i32
      scf.if %cond3A_206 {
        %add3A_207 = arith.constant 2 : i32
        %add3A_208 = arith.addi %add3A_127, %add3A_207 : i32
        %jit3A_209 = arith.constant 16 : i32
        %div3A_210 = arith.divsi %add3A_208, %jit3A_209 : i32
        %sign3A_211 = arith.constant 0 : i32
        %sign3A_212 = arith.cmpi sgt, %add3A_208, %sign3A_211 : i32
        %sign3A_213 = arith.extui %sign3A_212 : i1 to i32
        %sign3A_214 = arith.constant 0 : i32
        %sign3A_215 = arith.cmpi slt, %add3A_208, %sign3A_214 : i32
        %sign3A_216 = arith.extui %sign3A_215 : i1 to i32
        %sign3A_217 = arith.subi %sign3A_213, %sign3A_216 : i32
        %sign3A_218 = arith.constant 0 : i32
        %sign3A_219 = arith.cmpi sgt, %jit3A_209, %sign3A_218 : i32
        %sign3A_220 = arith.extui %sign3A_219 : i1 to i32
        %sign3A_221 = arith.constant 0 : i32
        %sign3A_222 = arith.cmpi slt, %jit3A_209, %sign3A_221 : i32
        %sign3A_223 = arith.extui %sign3A_222 : i1 to i32
        %sign3A_224 = arith.subi %sign3A_220, %sign3A_223 : i32
        %ne3A_225 = arith.cmpi ne, %sign3A_217, %sign3A_224 : i32
        %rem3A_226 = arith.remsi %add3A_208, %jit3A_209 : i32
        %ne3A_227 = arith.constant 0 : i32
        %ne3A_228 = arith.cmpi ne, %rem3A_226, %ne3A_227 : i32
        %and3A_229 = arith.andi %ne3A_225, %ne3A_228 : i1
        %sub3A_230 = arith.constant 1 : i32
        %sub3A_231 = arith.subi %div3A_210, %sub3A_230 : i32
        %select_n3A_232 = arith.select %and3A_229, %sub3A_231, %div3A_210 : i32
        %jit3A_233 = arith.constant 2 : i32
        %eq3A_234 = arith.constant 0 : i32
        %eq3A_235 = arith.cmpi eq, %jit3A_233, %eq3A_234 : i32
        %jit3A_236 = arith.constant 1 : i32
        %select_n3A_237 = arith.select %eq3A_235, %jit3A_236, %jit3A_233 : i32
        %rem3A_238 = arith.remsi %select_n3A_232, %select_n3A_237 : i32
        %ne3A_239 = arith.constant 0 : i32
        %ne3A_240 = arith.cmpi ne, %rem3A_238, %ne3A_239 : i32
        %lt3A_241 = arith.constant 0 : i32
        %lt3A_242 = arith.cmpi slt, %rem3A_238, %lt3A_241 : i32
        %lt3A_243 = arith.constant 0 : i32
        %lt3A_244 = arith.cmpi slt, %select_n3A_237, %lt3A_243 : i32
        %ne3A_245 = arith.xori %lt3A_242, %lt3A_244 : i1
        %and3A_246 = arith.andi %ne3A_245, %ne3A_240 : i1
        %add3A_247 = arith.addi %rem3A_238, %select_n3A_237 : i32
        %select_n3A_248 = arith.select %and3A_246, %add3A_247, %rem3A_238 : i32
        %jit3A_249 = arith.constant 16 : i32
        %eq3A_250 = arith.constant 0 : i32
        %eq3A_251 = arith.cmpi eq, %jit3A_249, %eq3A_250 : i32
        %jit3A_252 = arith.constant 1 : i32
        %select_n3A_253 = arith.select %eq3A_251, %jit3A_252, %jit3A_249 : i32
        %rem3A_254 = arith.remsi %add3A_208, %select_n3A_253 : i32
        %ne3A_255 = arith.constant 0 : i32
        %ne3A_256 = arith.cmpi ne, %rem3A_254, %ne3A_255 : i32
        %lt3A_257 = arith.constant 0 : i32
        %lt3A_258 = arith.cmpi slt, %rem3A_254, %lt3A_257 : i32
        %lt3A_259 = arith.constant 0 : i32
        %lt3A_260 = arith.cmpi slt, %select_n3A_253, %lt3A_259 : i32
        %ne3A_261 = arith.xori %lt3A_258, %lt3A_260 : i1
        %and3A_262 = arith.andi %ne3A_261, %ne3A_256 : i1
        %add3A_263 = arith.addi %rem3A_254, %select_n3A_253 : i32
        %select_n3A_264 = arith.select %and3A_262, %add3A_263, %rem3A_254 : i32
        %dma_start3A_265 = arith.constant 0 : i32
        %dma_start3A_266 = tpu.memref_slice %arg6[%select_n3A_248, %select_n3A_264, %dma_start3A_265] : memref<2x16x125xi32, #tpu.memory_space<vmem>> -> memref<1x1x125xi32, #tpu.memory_space<vmem>>
        %dma_start3A_267 = tpu.memref_squeeze %dma_start3A_266 : memref<1x1x125xi32, #tpu.memory_space<vmem>> -> memref<125xi32, #tpu.memory_space<vmem>>
        %dma_start3A_268 = arith.constant 0 : i32
        %dma_start3A_269 = arith.constant 0 : i32
        %dma_start3A_270 = tpu.memref_slice %arg2[%dma_start3A_268, %dma_start3A_269] : memref<10240x128xf32, #tpu.memory_space<hbm>> -> memref<10240x128xf32, #tpu.memory_space<hbm>>
        tpu.enqueue_indirect_dma source(%dma_start3A_270 : memref<10240x128xf32, #tpu.memory_space<hbm>>) target(%arg9 : memref<125x128xf32, #tpu.memory_space<vmem>>) offsets(%dma_start3A_267 : memref<125xi32, #tpu.memory_space<vmem>>) semaphore(%arg11 : memref<!tpu.dma_semaphore, #tpu.memory_space<semaphore_mem>>)
      } else {
      }
    }
    %scan3A_47 = arith.constant 40 : i32
    %barrier3A_48 = arith.constant 0 : index
    tpu.barrier barrier_id(%barrier3A_48)
    %eq3A = arith.constant 0 : i32
    %eq3A_49 = arith.cmpi eq, %arg1, %eq3A : i32
    %convert_element_type3A = arith.extui %eq3A_49 : i1 to i32
    %cond3A = arith.constant 0 : i32
    %cond3A_50 = arith.cmpi ne, %convert_element_type3A, %cond3A : i32
    scf.if %cond3A_50 {
      "tpu.region"() ({
        %run_scoped3A_51 = tpu.sem_alloc : memref<!tpu.dma_semaphore, #tpu.memory_space<semaphore_mem>>
        %dma_start3A_52 = arith.constant 0 : i32
        %dma_start3A_53 = arith.constant 0 : i32
        %dma_start3A_54 = tpu.memref_slice %arg4[%arg0, %dma_start3A_52, %dma_start3A_53] : memref<2x10240x128xf32, #tpu.memory_space<hbm>> -> memref<1x10240x128xf32, #tpu.memory_space<hbm>>
        %dma_start3A_55 = tpu.memref_squeeze %dma_start3A_54 : memref<1x10240x128xf32, #tpu.memory_space<hbm>> -> memref<10240x128xf32, #tpu.memory_space<hbm>>
        tpu.enqueue_dma source(%arg5 : memref<10240x128xf32, #tpu.memory_space<vmem_shared>>) target(%dma_start3A_55 : memref<10240x128xf32, #tpu.memory_space<hbm>>) target_semaphore(%run_scoped3A_51 : memref<!tpu.dma_semaphore, #tpu.memory_space<semaphore_mem>>)
        %dma_wait3A = arith.constant 0 : i32
        %dma_wait3A_56 = arith.constant 0 : i32
        %dma_wait3A_57 = tpu.memref_slice %arg4[%arg0, %dma_wait3A, %dma_wait3A_56] : memref<2x10240x128xf32, #tpu.memory_space<hbm>> -> memref<1x10240x128xf32, #tpu.memory_space<hbm>>
        %dma_wait3A_58 = tpu.memref_squeeze %dma_wait3A_57 : memref<1x10240x128xf32, #tpu.memory_space<hbm>> -> memref<10240x128xf32, #tpu.memory_space<hbm>>
        tpu.wait_dma2 semaphore(%run_scoped3A_51 : memref<!tpu.dma_semaphore, #tpu.memory_space<semaphore_mem>>) src(%arg5 : memref<10240x128xf32, #tpu.memory_space<vmem_shared>>) dst(%dma_wait3A_58 : memref<10240x128xf32, #tpu.memory_space<hbm>>)
        tpu.yield
      }) : () -> ()
    } else {
    }
    return
  }
}

#map = affine_map<(d0, d1) -> (0, 0)>
#map1 = affine_map<(d0, d1) -> (0, 0, 0)>
module attributes {stable_mosaic.version = 14 : i64} {
  func.func @_sc_scatter(%arg0: i32, %arg1: i32, %arg2: memref<10240x128xf32, #tpu.memory_space<hbm>>, %arg3: memref<2x2560x125xi32, #tpu.memory_space<hbm>>, %arg4: memref<2x10240x128xf32, #tpu.memory_space<hbm>>, %arg5: memref<10240x128xf32, #tpu.memory_space<vmem_shared>>, %arg6: memref<2x16x125xi32, #tpu.memory_space<vmem>>, %arg7: memref<2x16x125xi32, #tpu.memory_space<vmem>>, %arg8: memref<125x128xf32, #tpu.memory_space<vmem>>, %arg9: memref<125x128xf32, #tpu.memory_space<vmem>>, %arg10: memref<!tpu.dma_semaphore, #tpu.memory_space<semaphore_mem>>, %arg11: memref<!tpu.dma_semaphore, #tpu.memory_space<semaphore_mem>>) attributes {dimension_semantics = [#tpu.dimension_semantics<core_parallel>, #tpu.dimension_semantics<subcore_parallel>], iteration_bounds = array<i64: 2, 16>, scalar_prefetch = 0 : i64, scratch_operands = 7 : i64, tpu.core_type = #tpu.core_type<sc_vector_subcore>, window_params = [{transform_indices = #map}, {transform_indices = #map1}, {transform_indices = #map1}]} {
    %mul3A = arith.constant 16 : i32
    %mul3A_0 = arith.muli %arg0, %mul3A : i32
    %add3A = arith.addi %mul3A_0, %arg1 : i32
    %mul3A_1 = arith.constant 80 : i32
    %mul3A_2 = arith.muli %add3A, %mul3A_1 : i32
    %run_scoped3A = arith.constant 0 : i32
    %run_scoped3A_3 = arith.constant 0 : i32
    "tpu.region"() ({
      %run_scoped3A_51 = tpu.sem_alloc : memref<!tpu.dma_semaphore, #tpu.memory_space<semaphore_mem>>
      %dma_start3A_52 = arith.constant 0 : i32
      %dma_start3A_53 = arith.constant 0 : i32
      %dma_start3A_54 = tpu.memref_slice %arg6[%run_scoped3A_3, %dma_start3A_52, %dma_start3A_53] : memref<2x16x125xi32, #tpu.memory_space<vmem>> -> memref<1x16x125xi32, #tpu.memory_space<vmem>>
      %dma_start3A_55 = tpu.memref_squeeze %dma_start3A_54 : memref<1x16x125xi32, #tpu.memory_space<vmem>> -> memref<16x125xi32, #tpu.memory_space<vmem>>
      %dma_start3A_56 = arith.constant 0 : i32
      %dma_start3A_57 = tpu.memref_slice %arg3[%run_scoped3A, %mul3A_2, %dma_start3A_56] : memref<2x2560x125xi32, #tpu.memory_space<hbm>> -> memref<1x16x125xi32, #tpu.memory_space<hbm>>
      %dma_start3A_58 = tpu.memref_squeeze %dma_start3A_57 : memref<1x16x125xi32, #tpu.memory_space<hbm>> -> memref<16x125xi32, #tpu.memory_space<hbm>>
      %dma_start3A_59 = arith.constant 0 : i32
      %dma_start3A_60 = arith.constant 0 : i32
      %dma_start3A_61 = tpu.memref_slice %arg6[%run_scoped3A_3, %dma_start3A_59, %dma_start3A_60] : memref<2x16x125xi32, #tpu.memory_space<vmem>> -> memref<1x16x125xi32, #tpu.memory_space<vmem>>
      %dma_start3A_62 = tpu.memref_squeeze %dma_start3A_61 : memref<1x16x125xi32, #tpu.memory_space<vmem>> -> memref<16x125xi32, #tpu.memory_space<vmem>>
      %dma_start3A_63 = arith.constant 0 : i32
      %dma_start3A_64 = tpu.memref_slice %arg3[%run_scoped3A, %mul3A_2, %dma_start3A_63] : memref<2x2560x125xi32, #tpu.memory_space<hbm>> -> memref<1x16x125xi32, #tpu.memory_space<hbm>>
      %dma_start3A_65 = tpu.memref_squeeze %dma_start3A_64 : memref<1x16x125xi32, #tpu.memory_space<hbm>> -> memref<16x125xi32, #tpu.memory_space<hbm>>
      tpu.enqueue_dma source(%dma_start3A_65 : memref<16x125xi32, #tpu.memory_space<hbm>>) target(%dma_start3A_62 : memref<16x125xi32, #tpu.memory_space<vmem>>) target_semaphore(%run_scoped3A_51 : memref<!tpu.dma_semaphore, #tpu.memory_space<semaphore_mem>>)
      %dma_wait3A = arith.constant 0 : i32
      %dma_wait3A_66 = arith.constant 0 : i32
      %dma_wait3A_67 = tpu.memref_slice %arg6[%run_scoped3A_3, %dma_wait3A, %dma_wait3A_66] : memref<2x16x125xi32, #tpu.memory_space<vmem>> -> memref<1x16x125xi32, #tpu.memory_space<vmem>>
      %dma_wait3A_68 = tpu.memref_squeeze %dma_wait3A_67 : memref<1x16x125xi32, #tpu.memory_space<vmem>> -> memref<16x125xi32, #tpu.memory_space<vmem>>
      %dma_wait3A_69 = arith.constant 0 : i32
      %dma_wait3A_70 = tpu.memref_slice %arg3[%run_scoped3A, %mul3A_2, %dma_wait3A_69] : memref<2x2560x125xi32, #tpu.memory_space<hbm>> -> memref<1x16x125xi32, #tpu.memory_space<hbm>>
      %dma_wait3A_71 = tpu.memref_squeeze %dma_wait3A_70 : memref<1x16x125xi32, #tpu.memory_space<hbm>> -> memref<16x125xi32, #tpu.memory_space<hbm>>
      %dma_wait3A_72 = arith.constant 0 : i32
      %dma_wait3A_73 = arith.constant 0 : i32
      %dma_wait3A_74 = tpu.memref_slice %arg6[%run_scoped3A_3, %dma_wait3A_72, %dma_wait3A_73] : memref<2x16x125xi32, #tpu.memory_space<vmem>> -> memref<1x16x125xi32, #tpu.memory_space<vmem>>
      %dma_wait3A_75 = tpu.memref_squeeze %dma_wait3A_74 : memref<1x16x125xi32, #tpu.memory_space<vmem>> -> memref<16x125xi32, #tpu.memory_space<vmem>>
      %dma_wait3A_76 = arith.constant 0 : i32
      %dma_wait3A_77 = tpu.memref_slice %arg3[%run_scoped3A, %mul3A_2, %dma_wait3A_76] : memref<2x2560x125xi32, #tpu.memory_space<hbm>> -> memref<1x16x125xi32, #tpu.memory_space<hbm>>
      %dma_wait3A_78 = tpu.memref_squeeze %dma_wait3A_77 : memref<1x16x125xi32, #tpu.memory_space<hbm>> -> memref<16x125xi32, #tpu.memory_space<hbm>>
      tpu.wait_dma2 semaphore(%run_scoped3A_51 : memref<!tpu.dma_semaphore, #tpu.memory_space<semaphore_mem>>) src(%dma_wait3A_78 : memref<16x125xi32, #tpu.memory_space<hbm>>) dst(%dma_wait3A_75 : memref<16x125xi32, #tpu.memory_space<vmem>>)
      tpu.yield
    }) : () -> ()
    %run_scoped3A_4 = arith.constant 1 : i32
    %run_scoped3A_5 = arith.constant 0 : i32
    "tpu.region"() ({
      %run_scoped3A_51 = tpu.sem_alloc : memref<!tpu.dma_semaphore, #tpu.memory_space<semaphore_mem>>
      %dma_start3A_52 = arith.constant 0 : i32
      %dma_start3A_53 = arith.constant 0 : i32
      %dma_start3A_54 = tpu.memref_slice %arg7[%run_scoped3A_5, %dma_start3A_52, %dma_start3A_53] : memref<2x16x125xi32, #tpu.memory_space<vmem>> -> memref<1x16x125xi32, #tpu.memory_space<vmem>>
      %dma_start3A_55 = tpu.memref_squeeze %dma_start3A_54 : memref<1x16x125xi32, #tpu.memory_space<vmem>> -> memref<16x125xi32, #tpu.memory_space<vmem>>
      %dma_start3A_56 = arith.constant 0 : i32
      %dma_start3A_57 = tpu.memref_slice %arg3[%run_scoped3A_4, %mul3A_2, %dma_start3A_56] : memref<2x2560x125xi32, #tpu.memory_space<hbm>> -> memref<1x16x125xi32, #tpu.memory_space<hbm>>
      %dma_start3A_58 = tpu.memref_squeeze %dma_start3A_57 : memref<1x16x125xi32, #tpu.memory_space<hbm>> -> memref<16x125xi32, #tpu.memory_space<hbm>>
      %dma_start3A_59 = arith.constant 0 : i32
      %dma_start3A_60 = arith.constant 0 : i32
      %dma_start3A_61 = tpu.memref_slice %arg7[%run_scoped3A_5, %dma_start3A_59, %dma_start3A_60] : memref<2x16x125xi32, #tpu.memory_space<vmem>> -> memref<1x16x125xi32, #tpu.memory_space<vmem>>
      %dma_start3A_62 = tpu.memref_squeeze %dma_start3A_61 : memref<1x16x125xi32, #tpu.memory_space<vmem>> -> memref<16x125xi32, #tpu.memory_space<vmem>>
      %dma_start3A_63 = arith.constant 0 : i32
      %dma_start3A_64 = tpu.memref_slice %arg3[%run_scoped3A_4, %mul3A_2, %dma_start3A_63] : memref<2x2560x125xi32, #tpu.memory_space<hbm>> -> memref<1x16x125xi32, #tpu.memory_space<hbm>>
      %dma_start3A_65 = tpu.memref_squeeze %dma_start3A_64 : memref<1x16x125xi32, #tpu.memory_space<hbm>> -> memref<16x125xi32, #tpu.memory_space<hbm>>
      tpu.enqueue_dma source(%dma_start3A_65 : memref<16x125xi32, #tpu.memory_space<hbm>>) target(%dma_start3A_62 : memref<16x125xi32, #tpu.memory_space<vmem>>) target_semaphore(%run_scoped3A_51 : memref<!tpu.dma_semaphore, #tpu.memory_space<semaphore_mem>>)
      %dma_wait3A = arith.constant 0 : i32
      %dma_wait3A_66 = arith.constant 0 : i32
      %dma_wait3A_67 = tpu.memref_slice %arg7[%run_scoped3A_5, %dma_wait3A, %dma_wait3A_66] : memref<2x16x125xi32, #tpu.memory_space<vmem>> -> memref<1x16x125xi32, #tpu.memory_space<vmem>>
      %dma_wait3A_68 = tpu.memref_squeeze %dma_wait3A_67 : memref<1x16x125xi32, #tpu.memory_space<vmem>> -> memref<16x125xi32, #tpu.memory_space<vmem>>
      %dma_wait3A_69 = arith.constant 0 : i32
      %dma_wait3A_70 = tpu.memref_slice %arg3[%run_scoped3A_4, %mul3A_2, %dma_wait3A_69] : memref<2x2560x125xi32, #tpu.memory_space<hbm>> -> memref<1x16x125xi32, #tpu.memory_space<hbm>>
      %dma_wait3A_71 = tpu.memref_squeeze %dma_wait3A_70 : memref<1x16x125xi32, #tpu.memory_space<hbm>> -> memref<16x125xi32, #tpu.memory_space<hbm>>
      %dma_wait3A_72 = arith.constant 0 : i32
      %dma_wait3A_73 = arith.constant 0 : i32
      %dma_wait3A_74 = tpu.memref_slice %arg7[%run_scoped3A_5, %dma_wait3A_72, %dma_wait3A_73] : memref<2x16x125xi32, #tpu.memory_space<vmem>> -> memref<1x16x125xi32, #tpu.memory_space<vmem>>
      %dma_wait3A_75 = tpu.memref_squeeze %dma_wait3A_74 : memref<1x16x125xi32, #tpu.memory_space<vmem>> -> memref<16x125xi32, #tpu.memory_space<vmem>>
      %dma_wait3A_76 = arith.constant 0 : i32
      %dma_wait3A_77 = tpu.memref_slice %arg3[%run_scoped3A_4, %mul3A_2, %dma_wait3A_76] : memref<2x2560x125xi32, #tpu.memory_space<hbm>> -> memref<1x16x125xi32, #tpu.memory_space<hbm>>
      %dma_wait3A_78 = tpu.memref_squeeze %dma_wait3A_77 : memref<1x16x125xi32, #tpu.memory_space<hbm>> -> memref<16x125xi32, #tpu.memory_space<hbm>>
      tpu.wait_dma2 semaphore(%run_scoped3A_51 : memref<!tpu.dma_semaphore, #tpu.memory_space<semaphore_mem>>) src(%dma_wait3A_78 : memref<16x125xi32, #tpu.memory_space<hbm>>) dst(%dma_wait3A_75 : memref<16x125xi32, #tpu.memory_space<vmem>>)
      tpu.yield
    }) : () -> ()
    %dma_start3A = arith.constant 0 : i32
    %dma_start3A_6 = arith.constant 0 : i32
    %dma_start3A_7 = arith.constant 0 : i32
    %dma_start3A_8 = tpu.memref_slice %arg6[%dma_start3A, %dma_start3A_6, %dma_start3A_7] : memref<2x16x125xi32, #tpu.memory_space<vmem>> -> memref<1x1x125xi32, #tpu.memory_space<vmem>>
    %dma_start3A_9 = tpu.memref_squeeze %dma_start3A_8 : memref<1x1x125xi32, #tpu.memory_space<vmem>> -> memref<125xi32, #tpu.memory_space<vmem>>
    %dma_start3A_10 = arith.constant 0 : i32
    %dma_start3A_11 = arith.constant 0 : i32
    %dma_start3A_12 = tpu.memref_slice %arg2[%dma_start3A_10, %dma_start3A_11] : memref<10240x128xf32, #tpu.memory_space<hbm>> -> memref<10240x128xf32, #tpu.memory_space<hbm>>
    tpu.enqueue_indirect_dma source(%dma_start3A_12 : memref<10240x128xf32, #tpu.memory_space<hbm>>) target(%arg8 : memref<125x128xf32, #tpu.memory_space<vmem>>) offsets(%dma_start3A_9 : memref<125xi32, #tpu.memory_space<vmem>>) semaphore(%arg10 : memref<!tpu.dma_semaphore, #tpu.memory_space<semaphore_mem>>)
    %broadcast_in_dim3A = arith.constant 0.000000e+00 : f32
    %broadcast_in_dim3A_13 = vector.broadcast %broadcast_in_dim3A : f32 to vector<16xf32>
    %scan3A = arith.constant 0 : i32
    %scan3A_14 = arith.constant 0 : i32
    %scan3A_15 = arith.constant 125 : i32
    %scan3A_16 = arith.addi %scan3A_14, %scan3A_15 : i32
    %scan3A_17 = arith.constant 1 : i32
    scf.for %scan3A_51 = %scan3A_14 to %scan3A_16 step %scan3A_17  : i32 {
      %swap3A = arith.index_cast %scan3A_51 : i32 to index
      %swap3A_52 = arith.constant 0 : index
      %swap3A_53 = tpu.vector_load %arg9[%swap3A, %swap3A_52] {strides = array<i32>} : memref<125x128xf32, #tpu.memory_space<vmem>>, vector<1x16xf32>,
      %swap3A_54 = vector.shape_cast %swap3A_53 : vector<1x16xf32> to vector<16xf32>
      %swap3A_55 = vector.shape_cast %broadcast_in_dim3A_13 : vector<16xf32> to vector<1x16xf32>
      tpu.vector_store %arg9[%swap3A, %swap3A_52], %swap3A_55 {strides = array<i32>} : memref<125x128xf32, #tpu.memory_space<vmem>>, vector<1x16xf32>,
      %swap3A_56 = arith.index_cast %scan3A_51 : i32 to index
      %swap3A_57 = arith.constant 16 : index
      %swap3A_58 = tpu.vector_load %arg9[%swap3A_56, %swap3A_57] {strides = array<i32>} : memref<125x128xf32, #tpu.memory_space<vmem>>, vector<1x16xf32>,
      %swap3A_59 = vector.shape_cast %swap3A_58 : vector<1x16xf32> to vector<16xf32>
      %swap3A_60 = vector.shape_cast %broadcast_in_dim3A_13 : vector<16xf32> to vector<1x16xf32>
      tpu.vector_store %arg9[%swap3A_56, %swap3A_57], %swap3A_60 {strides = array<i32>} : memref<125x128xf32, #tpu.memory_space<vmem>>, vector<1x16xf32>,
      %swap3A_61 = arith.index_cast %scan3A_51 : i32 to index
      %swap3A_62 = arith.constant 32 : index
      %swap3A_63 = tpu.vector_load %arg9[%swap3A_61, %swap3A_62] {strides = array<i32>} : memref<125x128xf32, #tpu.memory_space<vmem>>, vector<1x16xf32>,
      %swap3A_64 = vector.shape_cast %swap3A_63 : vector<1x16xf32> to vector<16xf32>
      %swap3A_65 = vector.shape_cast %broadcast_in_dim3A_13 : vector<16xf32> to vector<1x16xf32>
      tpu.vector_store %arg9[%swap3A_61, %swap3A_62], %swap3A_65 {strides = array<i32>} : memref<125x128xf32, #tpu.memory_space<vmem>>, vector<1x16xf32>,
      %swap3A_66 = arith.index_cast %scan3A_51 : i32 to index
      %swap3A_67 = arith.constant 48 : index
      %swap3A_68 = tpu.vector_load %arg9[%swap3A_66, %swap3A_67] {strides = array<i32>} : memref<125x128xf32, #tpu.memory_space<vmem>>, vector<1x16xf32>,
      %swap3A_69 = vector.shape_cast %swap3A_68 : vector<1x16xf32> to vector<16xf32>
      %swap3A_70 = vector.shape_cast %broadcast_in_dim3A_13 : vector<16xf32> to vector<1x16xf32>
      tpu.vector_store %arg9[%swap3A_66, %swap3A_67], %swap3A_70 {strides = array<i32>} : memref<125x128xf32, #tpu.memory_space<vmem>>, vector<1x16xf32>,
      %swap3A_71 = arith.index_cast %scan3A_51 : i32 to index
      %swap3A_72 = arith.constant 64 : index
      %swap3A_73 = tpu.vector_load %arg9[%swap3A_71, %swap3A_72] {strides = array<i32>} : memref<125x128xf32, #tpu.memory_space<vmem>>, vector<1x16xf32>,
      %swap3A_74 = vector.shape_cast %swap3A_73 : vector<1x16xf32> to vector<16xf32>
      %swap3A_75 = vector.shape_cast %broadcast_in_dim3A_13 : vector<16xf32> to vector<1x16xf32>
      tpu.vector_store %arg9[%swap3A_71, %swap3A_72], %swap3A_75 {strides = array<i32>} : memref<125x128xf32, #tpu.memory_space<vmem>>, vector<1x16xf32>,
      %swap3A_76 = arith.index_cast %scan3A_51 : i32 to index
      %swap3A_77 = arith.constant 80 : index
      %swap3A_78 = tpu.vector_load %arg9[%swap3A_76, %swap3A_77] {strides = array<i32>} : memref<125x128xf32, #tpu.memory_space<vmem>>, vector<1x16xf32>,
      %swap3A_79 = vector.shape_cast %swap3A_78 : vector<1x16xf32> to vector<16xf32>
      %swap3A_80 = vector.shape_cast %broadcast_in_dim3A_13 : vector<16xf32> to vector<1x16xf32>
      tpu.vector_store %arg9[%swap3A_76, %swap3A_77], %swap3A_80 {strides = array<i32>} : memref<125x128xf32, #tpu.memory_space<vmem>>, vector<1x16xf32>,
      %swap3A_81 = arith.index_cast %scan3A_51 : i32 to index
      %swap3A_82 = arith.constant 96 : index
      %swap3A_83 = tpu.vector_load %arg9[%swap3A_81, %swap3A_82] {strides = array<i32>} : memref<125x128xf32, #tpu.memory_space<vmem>>, vector<1x16xf32>,
      %swap3A_84 = vector.shape_cast %swap3A_83 : vector<1x16xf32> to vector<16xf32>
      %swap3A_85 = vector.shape_cast %broadcast_in_dim3A_13 : vector<16xf32> to vector<1x16xf32>
      tpu.vector_store %arg9[%swap3A_81, %swap3A_82], %swap3A_85 {strides = array<i32>} : memref<125x128xf32, #tpu.memory_space<vmem>>, vector<1x16xf32>,
      %swap3A_86 = arith.index_cast %scan3A_51 : i32 to index
      %swap3A_87 = arith.constant 112 : index
      %swap3A_88 = tpu.vector_load %arg9[%swap3A_86, %swap3A_87] {strides = array<i32>} : memref<125x128xf32, #tpu.memory_space<vmem>>, vector<1x16xf32>,
      %swap3A_89 = vector.shape_cast %swap3A_88 : vector<1x16xf32> to vector<16xf32>
      %swap3A_90 = vector.shape_cast %broadcast_in_dim3A_13 : vector<16xf32> to vector<1x16xf32>
      tpu.vector_store %arg9[%swap3A_86, %swap3A_87], %swap3A_90 {strides = array<i32>} : memref<125x128xf32, #tpu.memory_space<vmem>>, vector<1x16xf32>,
    }
    %scan3A_18 = arith.constant 125 : i32
    %mul3A_19 = arith.constant 640 : i32
    %mul3A_20 = arith.muli %arg1, %mul3A_19 : i32
    %add3A_21 = arith.constant 0 : i32
    %add3A_22 = arith.addi %mul3A_20, %add3A_21 : i32
    "tpu.region"() ({
      %run_scoped3A_51 = tpu.sem_alloc : memref<!tpu.dma_semaphore, #tpu.memory_space<semaphore_mem>>
      %dma_start3A_52 = arith.constant 0 : i32
      %dma_start3A_53 = tpu.memref_slice %arg5[%add3A_22, %dma_start3A_52] : memref<10240x128xf32, #tpu.memory_space<vmem_shared>> -> memref<125x128xf32, #tpu.memory_space<vmem_shared>>
      %dma_start3A_54 = arith.constant 0 : i32
      %dma_start3A_55 = tpu.memref_slice %arg5[%add3A_22, %dma_start3A_54] : memref<10240x128xf32, #tpu.memory_space<vmem_shared>> -> memref<125x128xf32, #tpu.memory_space<vmem_shared>>
      tpu.enqueue_dma source(%arg9 : memref<125x128xf32, #tpu.memory_space<vmem>>) target(%dma_start3A_55 : memref<125x128xf32, #tpu.memory_space<vmem_shared>>) target_semaphore(%run_scoped3A_51 : memref<!tpu.dma_semaphore, #tpu.memory_space<semaphore_mem>>)
      %dma_wait3A = arith.constant 0 : i32
      %dma_wait3A_56 = tpu.memref_slice %arg5[%add3A_22, %dma_wait3A] : memref<10240x128xf32, #tpu.memory_space<vmem_shared>> -> memref<125x128xf32, #tpu.memory_space<vmem_shared>>
      %dma_wait3A_57 = arith.constant 0 : i32
      %dma_wait3A_58 = tpu.memref_slice %arg5[%add3A_22, %dma_wait3A_57] : memref<10240x128xf32, #tpu.memory_space<vmem_shared>> -> memref<125x128xf32, #tpu.memory_space<vmem_shared>>
      tpu.wait_dma2 semaphore(%run_scoped3A_51 : memref<!tpu.dma_semaphore, #tpu.memory_space<semaphore_mem>>) src(%arg9 : memref<125x128xf32, #tpu.memory_space<vmem>>) dst(%dma_wait3A_58 : memref<125x128xf32, #tpu.memory_space<vmem_shared>>)
      tpu.yield
    }) : () -> ()
    %add3A_23 = arith.constant 125 : i32
    %add3A_24 = arith.addi %mul3A_20, %add3A_23 : i32
    "tpu.region"() ({
      %run_scoped3A_51 = tpu.sem_alloc : memref<!tpu.dma_semaphore, #tpu.memory_space<semaphore_mem>>
      %dma_start3A_52 = arith.constant 0 : i32
      %dma_start3A_53 = tpu.memref_slice %arg5[%add3A_24, %dma_start3A_52] : memref<10240x128xf32, #tpu.memory_space<vmem_shared>> -> memref<125x128xf32, #tpu.memory_space<vmem_shared>>
      %dma_start3A_54 = arith.constant 0 : i32
      %dma_start3A_55 = tpu.memref_slice %arg5[%add3A_24, %dma_start3A_54] : memref<10240x128xf32, #tpu.memory_space<vmem_shared>> -> memref<125x128xf32, #tpu.memory_space<vmem_shared>>
      tpu.enqueue_dma source(%arg9 : memref<125x128xf32, #tpu.memory_space<vmem>>) target(%dma_start3A_55 : memref<125x128xf32, #tpu.memory_space<vmem_shared>>) target_semaphore(%run_scoped3A_51 : memref<!tpu.dma_semaphore, #tpu.memory_space<semaphore_mem>>)
      %dma_wait3A = arith.constant 0 : i32
      %dma_wait3A_56 = tpu.memref_slice %arg5[%add3A_24, %dma_wait3A] : memref<10240x128xf32, #tpu.memory_space<vmem_shared>> -> memref<125x128xf32, #tpu.memory_space<vmem_shared>>
      %dma_wait3A_57 = arith.constant 0 : i32
      %dma_wait3A_58 = tpu.memref_slice %arg5[%add3A_24, %dma_wait3A_57] : memref<10240x128xf32, #tpu.memory_space<vmem_shared>> -> memref<125x128xf32, #tpu.memory_space<vmem_shared>>
      tpu.wait_dma2 semaphore(%run_scoped3A_51 : memref<!tpu.dma_semaphore, #tpu.memory_space<semaphore_mem>>) src(%arg9 : memref<125x128xf32, #tpu.memory_space<vmem>>) dst(%dma_wait3A_58 : memref<125x128xf32, #tpu.memory_space<vmem_shared>>)
      tpu.yield
    }) : () -> ()
    %add3A_25 = arith.constant 250 : i32
    %add3A_26 = arith.addi %mul3A_20, %add3A_25 : i32
    "tpu.region"() ({
      %run_scoped3A_51 = tpu.sem_alloc : memref<!tpu.dma_semaphore, #tpu.memory_space<semaphore_mem>>
      %dma_start3A_52 = arith.constant 0 : i32
      %dma_start3A_53 = tpu.memref_slice %arg5[%add3A_26, %dma_start3A_52] : memref<10240x128xf32, #tpu.memory_space<vmem_shared>> -> memref<125x128xf32, #tpu.memory_space<vmem_shared>>
      %dma_start3A_54 = arith.constant 0 : i32
      %dma_start3A_55 = tpu.memref_slice %arg5[%add3A_26, %dma_start3A_54] : memref<10240x128xf32, #tpu.memory_space<vmem_shared>> -> memref<125x128xf32, #tpu.memory_space<vmem_shared>>
      tpu.enqueue_dma source(%arg9 : memref<125x128xf32, #tpu.memory_space<vmem>>) target(%dma_start3A_55 : memref<125x128xf32, #tpu.memory_space<vmem_shared>>) target_semaphore(%run_scoped3A_51 : memref<!tpu.dma_semaphore, #tpu.memory_space<semaphore_mem>>)
      %dma_wait3A = arith.constant 0 : i32
      %dma_wait3A_56 = tpu.memref_slice %arg5[%add3A_26, %dma_wait3A] : memref<10240x128xf32, #tpu.memory_space<vmem_shared>> -> memref<125x128xf32, #tpu.memory_space<vmem_shared>>
      %dma_wait3A_57 = arith.constant 0 : i32
      %dma_wait3A_58 = tpu.memref_slice %arg5[%add3A_26, %dma_wait3A_57] : memref<10240x128xf32, #tpu.memory_space<vmem_shared>> -> memref<125x128xf32, #tpu.memory_space<vmem_shared>>
      tpu.wait_dma2 semaphore(%run_scoped3A_51 : memref<!tpu.dma_semaphore, #tpu.memory_space<semaphore_mem>>) src(%arg9 : memref<125x128xf32, #tpu.memory_space<vmem>>) dst(%dma_wait3A_58 : memref<125x128xf32, #tpu.memory_space<vmem_shared>>)
      tpu.yield
    }) : () -> ()
    %add3A_27 = arith.constant 375 : i32
    %add3A_28 = arith.addi %mul3A_20, %add3A_27 : i32
    "tpu.region"() ({
      %run_scoped3A_51 = tpu.sem_alloc : memref<!tpu.dma_semaphore, #tpu.memory_space<semaphore_mem>>
      %dma_start3A_52 = arith.constant 0 : i32
      %dma_start3A_53 = tpu.memref_slice %arg5[%add3A_28, %dma_start3A_52] : memref<10240x128xf32, #tpu.memory_space<vmem_shared>> -> memref<125x128xf32, #tpu.memory_space<vmem_shared>>
      %dma_start3A_54 = arith.constant 0 : i32
      %dma_start3A_55 = tpu.memref_slice %arg5[%add3A_28, %dma_start3A_54] : memref<10240x128xf32, #tpu.memory_space<vmem_shared>> -> memref<125x128xf32, #tpu.memory_space<vmem_shared>>
      tpu.enqueue_dma source(%arg9 : memref<125x128xf32, #tpu.memory_space<vmem>>) target(%dma_start3A_55 : memref<125x128xf32, #tpu.memory_space<vmem_shared>>) target_semaphore(%run_scoped3A_51 : memref<!tpu.dma_semaphore, #tpu.memory_space<semaphore_mem>>)
      %dma_wait3A = arith.constant 0 : i32
      %dma_wait3A_56 = tpu.memref_slice %arg5[%add3A_28, %dma_wait3A] : memref<10240x128xf32, #tpu.memory_space<vmem_shared>> -> memref<125x128xf32, #tpu.memory_space<vmem_shared>>
      %dma_wait3A_57 = arith.constant 0 : i32
      %dma_wait3A_58 = tpu.memref_slice %arg5[%add3A_28, %dma_wait3A_57] : memref<10240x128xf32, #tpu.memory_space<vmem_shared>> -> memref<125x128xf32, #tpu.memory_space<vmem_shared>>
      tpu.wait_dma2 semaphore(%run_scoped3A_51 : memref<!tpu.dma_semaphore, #tpu.memory_space<semaphore_mem>>) src(%arg9 : memref<125x128xf32, #tpu.memory_space<vmem>>) dst(%dma_wait3A_58 : memref<125x128xf32, #tpu.memory_space<vmem_shared>>)
      tpu.yield
    }) : () -> ()
    %add3A_29 = arith.constant 500 : i32
    %add3A_30 = arith.addi %mul3A_20, %add3A_29 : i32
    "tpu.region"() ({
      %run_scoped3A_51 = tpu.sem_alloc : memref<!tpu.dma_semaphore, #tpu.memory_space<semaphore_mem>>
      %dma_start3A_52 = arith.constant 0 : i32
      %dma_start3A_53 = tpu.memref_slice %arg5[%add3A_30, %dma_start3A_52] : memref<10240x128xf32, #tpu.memory_space<vmem_shared>> -> memref<125x128xf32, #tpu.memory_space<vmem_shared>>
      %dma_start3A_54 = arith.constant 0 : i32
      %dma_start3A_55 = tpu.memref_slice %arg5[%add3A_30, %dma_start3A_54] : memref<10240x128xf32, #tpu.memory_space<vmem_shared>> -> memref<125x128xf32, #tpu.memory_space<vmem_shared>>
      tpu.enqueue_dma source(%arg9 : memref<125x128xf32, #tpu.memory_space<vmem>>) target(%dma_start3A_55 : memref<125x128xf32, #tpu.memory_space<vmem_shared>>) target_semaphore(%run_scoped3A_51 : memref<!tpu.dma_semaphore, #tpu.memory_space<semaphore_mem>>)
      %dma_wait3A = arith.constant 0 : i32
      %dma_wait3A_56 = tpu.memref_slice %arg5[%add3A_30, %dma_wait3A] : memref<10240x128xf32, #tpu.memory_space<vmem_shared>> -> memref<125x128xf32, #tpu.memory_space<vmem_shared>>
      %dma_wait3A_57 = arith.constant 0 : i32
      %dma_wait3A_58 = tpu.memref_slice %arg5[%add3A_30, %dma_wait3A_57] : memref<10240x128xf32, #tpu.memory_space<vmem_shared>> -> memref<125x128xf32, #tpu.memory_space<vmem_shared>>
      tpu.wait_dma2 semaphore(%run_scoped3A_51 : memref<!tpu.dma_semaphore, #tpu.memory_space<semaphore_mem>>) src(%arg9 : memref<125x128xf32, #tpu.memory_space<vmem>>) dst(%dma_wait3A_58 : memref<125x128xf32, #tpu.memory_space<vmem_shared>>)
      tpu.yield
    }) : () -> ()
    %add3A_31 = arith.constant 640 : i32
    %add3A_32 = arith.addi %mul3A_20, %add3A_31 : i32
    %sub3A = arith.constant 15 : i32
    %sub3A_33 = arith.subi %add3A_32, %sub3A : i32
    "tpu.region"() ({
      %run_scoped3A_51 = tpu.sem_alloc : memref<!tpu.dma_semaphore, #tpu.memory_space<semaphore_mem>>
      %dma_start3A_52 = arith.constant 0 : i32
      %dma_start3A_53 = arith.constant 0 : i32
      %dma_start3A_54 = tpu.memref_slice %arg9[%dma_start3A_52, %dma_start3A_53] : memref<125x128xf32, #tpu.memory_space<vmem>> -> memref<15x128xf32, #tpu.memory_space<vmem>>
      %dma_start3A_55 = arith.constant 0 : i32
      %dma_start3A_56 = tpu.memref_slice %arg5[%sub3A_33, %dma_start3A_55] : memref<10240x128xf32, #tpu.memory_space<vmem_shared>> -> memref<15x128xf32, #tpu.memory_space<vmem_shared>>
      %dma_start3A_57 = arith.constant 0 : i32
      %dma_start3A_58 = tpu.memref_slice %arg5[%sub3A_33, %dma_start3A_57] : memref<10240x128xf32, #tpu.memory_space<vmem_shared>> -> memref<15x128xf32, #tpu.memory_space<vmem_shared>>
      %dma_start3A_59 = arith.constant 0 : i32
      %dma_start3A_60 = arith.constant 0 : i32
      %dma_start3A_61 = tpu.memref_slice %arg9[%dma_start3A_59, %dma_start3A_60] : memref<125x128xf32, #tpu.memory_space<vmem>> -> memref<15x128xf32, #tpu.memory_space<vmem>>
      tpu.enqueue_dma source(%dma_start3A_61 : memref<15x128xf32, #tpu.memory_space<vmem>>) target(%dma_start3A_58 : memref<15x128xf32, #tpu.memory_space<vmem_shared>>) target_semaphore(%run_scoped3A_51 : memref<!tpu.dma_semaphore, #tpu.memory_space<semaphore_mem>>)
      %dma_wait3A = arith.constant 0 : i32
      %dma_wait3A_62 = arith.constant 0 : i32
      %dma_wait3A_63 = tpu.memref_slice %arg9[%dma_wait3A, %dma_wait3A_62] : memref<125x128xf32, #tpu.memory_space<vmem>> -> memref<15x128xf32, #tpu.memory_space<vmem>>
      %dma_wait3A_64 = arith.constant 0 : i32
      %dma_wait3A_65 = tpu.memref_slice %arg5[%sub3A_33, %dma_wait3A_64] : memref<10240x128xf32, #tpu.memory_space<vmem_shared>> -> memref<15x128xf32, #tpu.memory_space<vmem_shared>>
      %dma_wait3A_66 = arith.constant 0 : i32
      %dma_wait3A_67 = tpu.memref_slice %arg5[%sub3A_33, %dma_wait3A_66] : memref<10240x128xf32, #tpu.memory_space<vmem_shared>> -> memref<15x128xf32, #tpu.memory_space<vmem_shared>>
      %dma_wait3A_68 = arith.constant 0 : i32
      %dma_wait3A_69 = arith.constant 0 : i32
      %dma_wait3A_70 = tpu.memref_slice %arg9[%dma_wait3A_68, %dma_wait3A_69] : memref<125x128xf32, #tpu.memory_space<vmem>> -> memref<15x128xf32, #tpu.memory_space<vmem>>
      tpu.wait_dma2 semaphore(%run_scoped3A_51 : memref<!tpu.dma_semaphore, #tpu.memory_space<semaphore_mem>>) src(%dma_wait3A_70 : memref<15x128xf32, #tpu.memory_space<vmem>>) dst(%dma_wait3A_67 : memref<15x128xf32, #tpu.memory_space<vmem_shared>>)
      tpu.yield
    }) : () -> ()
    %dma_start3A_34 = arith.constant 0 : i32
    %dma_start3A_35 = arith.constant 1 : i32
    %dma_start3A_36 = arith.constant 0 : i32
    %dma_start3A_37 = tpu.memref_slice %arg6[%dma_start3A_34, %dma_start3A_35, %dma_start3A_36] : memref<2x16x125xi32, #tpu.memory_space<vmem>> -> memref<1x1x125xi32, #tpu.memory_space<vmem>>
    %dma_start3A_38 = tpu.memref_squeeze %dma_start3A_37 : memref<1x1x125xi32, #tpu.memory_space<vmem>> -> memref<125xi32, #tpu.memory_space<vmem>>
    %dma_start3A_39 = arith.constant 0 : i32
    %dma_start3A_40 = arith.constant 0 : i32
    %dma_start3A_41 = tpu.memref_slice %arg2[%dma_start3A_39, %dma_start3A_40] : memref<10240x128xf32, #tpu.memory_space<hbm>> -> memref<10240x128xf32, #tpu.memory_space<hbm>>
    tpu.enqueue_indirect_dma source(%dma_start3A_41 : memref<10240x128xf32, #tpu.memory_space<hbm>>) target(%arg9 : memref<125x128xf32, #tpu.memory_space<vmem>>) offsets(%dma_start3A_38 : memref<125xi32, #tpu.memory_space<vmem>>) semaphore(%arg11 : memref<!tpu.dma_semaphore, #tpu.memory_space<semaphore_mem>>)
    %barrier3A = arith.constant 0 : index
    tpu.barrier barrier_id(%barrier3A)
    %scan3A_42 = arith.constant 0 : i32
    %scan3A_43 = arith.constant 0 : i32
    %scan3A_44 = arith.constant 40 : i32
    %scan3A_45 = arith.addi %scan3A_43, %scan3A_44 : i32
    %scan3A_46 = arith.constant 1 : i32
    scf.for %scan3A_51 = %scan3A_43 to %scan3A_45 step %scan3A_46  : i32 {
      %mul3A_52 = arith.constant 2 : i32
      %mul3A_53 = arith.muli %mul3A_52, %scan3A_51 : i32
      %jit3A = arith.constant 16 : i32
      %div3A = arith.divsi %mul3A_53, %jit3A : i32
      %sign3A = arith.constant 0 : i32
      %sign3A_54 = arith.cmpi sgt, %mul3A_53, %sign3A : i32
      %sign3A_55 = arith.extui %sign3A_54 : i1 to i32
      %sign3A_56 = arith.constant 0 : i32
      %sign3A_57 = arith.cmpi slt, %mul3A_53, %sign3A_56 : i32
      %sign3A_58 = arith.extui %sign3A_57 : i1 to i32
      %sign3A_59 = arith.subi %sign3A_55, %sign3A_58 : i32
      %sign3A_60 = arith.constant 0 : i32
      %sign3A_61 = arith.cmpi sgt, %jit3A, %sign3A_60 : i32
      %sign3A_62 = arith.extui %sign3A_61 : i1 to i32
      %sign3A_63 = arith.constant 0 : i32
      %sign3A_64 = arith.cmpi slt, %jit3A, %sign3A_63 : i32
      %sign3A_65 = arith.extui %sign3A_64 : i1 to i32
      %sign3A_66 = arith.subi %sign3A_62, %sign3A_65 : i32
      %ne3A = arith.cmpi ne, %sign3A_59, %sign3A_66 : i32
      %rem3A = arith.remsi %mul3A_53, %jit3A : i32
      %ne3A_67 = arith.constant 0 : i32
      %ne3A_68 = arith.cmpi ne, %rem3A, %ne3A_67 : i32
      %and3A = arith.andi %ne3A, %ne3A_68 : i1
      %sub3A_69 = arith.constant 1 : i32
      %sub3A_70 = arith.subi %div3A, %sub3A_69 : i32
      %select_n3A = arith.select %and3A, %sub3A_70, %div3A : i32
      %jit3A_71 = arith.constant 16 : i32
      %eq3A_72 = arith.constant 0 : i32
      %eq3A_73 = arith.cmpi eq, %jit3A_71, %eq3A_72 : i32
      %jit3A_74 = arith.constant 1 : i32
      %select_n3A_75 = arith.select %eq3A_73, %jit3A_74, %jit3A_71 : i32
      %rem3A_76 = arith.remsi %mul3A_53, %select_n3A_75 : i32
      %ne3A_77 = arith.constant 0 : i32
      %ne3A_78 = arith.cmpi ne, %rem3A_76, %ne3A_77 : i32
      %lt3A = arith.constant 0 : i32
      %lt3A_79 = arith.cmpi slt, %rem3A_76, %lt3A : i32
      %lt3A_80 = arith.constant 0 : i32
      %lt3A_81 = arith.cmpi slt, %select_n3A_75, %lt3A_80 : i32
      %ne3A_82 = arith.xori %lt3A_79, %lt3A_81 : i1
      %and3A_83 = arith.andi %ne3A_82, %ne3A_78 : i1
      %add3A_84 = arith.addi %rem3A_76, %select_n3A_75 : i32
      %select_n3A_85 = arith.select %and3A_83, %add3A_84, %rem3A_76 : i32
      %jit3A_86 = arith.constant 2 : i32
      %eq3A_87 = arith.constant 0 : i32
      %eq3A_88 = arith.cmpi eq, %jit3A_86, %eq3A_87 : i32
      %jit3A_89 = arith.constant 1 : i32
      %select_n3A_90 = arith.select %eq3A_88, %jit3A_89, %jit3A_86 : i32
      %rem3A_91 = arith.remsi %select_n3A, %select_n3A_90 : i32
      %ne3A_92 = arith.constant 0 : i32
      %ne3A_93 = arith.cmpi ne, %rem3A_91, %ne3A_92 : i32
      %lt3A_94 = arith.constant 0 : i32
      %lt3A_95 = arith.cmpi slt, %rem3A_91, %lt3A_94 : i32
      %lt3A_96 = arith.constant 0 : i32
      %lt3A_97 = arith.cmpi slt, %select_n3A_90, %lt3A_96 : i32
      %ne3A_98 = arith.xori %lt3A_95, %lt3A_97 : i1
      %and3A_99 = arith.andi %ne3A_98, %ne3A_93 : i1
      %add3A_100 = arith.addi %rem3A_91, %select_n3A_90 : i32
      %select_n3A_101 = arith.select %and3A_99, %add3A_100, %rem3A_91 : i32
      %eq3A_102 = arith.constant 0 : i32
      %eq3A_103 = arith.cmpi eq, %select_n3A_85, %eq3A_102 : i32
      %add3A_104 = arith.constant 1 : i32
      %add3A_105 = arith.addi %select_n3A, %add3A_104 : i32
      %lt3A_106 = arith.constant 5 : i32
      %lt3A_107 = arith.cmpi slt, %add3A_105, %lt3A_106 : i32
      %and3A_108 = arith.andi %eq3A_103, %lt3A_107 : i1
      %convert_element_type3A_109 = arith.extui %and3A_108 : i1 to i32
      %cond3A_110 = arith.constant 0 : i32
      %cond3A_111 = arith.cmpi ne, %convert_element_type3A_109, %cond3A_110 : i32
      scf.if %cond3A_111 {
        %add3A_207 = arith.constant 1 : i32
        %add3A_208 = arith.addi %select_n3A, %add3A_207 : i32
        %mul3A_209 = arith.constant 16 : i32
        %mul3A_210 = arith.muli %add3A_208, %mul3A_209 : i32
        %add3A_211 = arith.addi %mul3A_2, %mul3A_210 : i32
        %jit3A_212 = arith.constant 2 : i32
        %eq3A_213 = arith.constant 0 : i32
        %eq3A_214 = arith.cmpi eq, %jit3A_212, %eq3A_213 : i32
        %jit3A_215 = arith.constant 1 : i32
        %select_n3A_216 = arith.select %eq3A_214, %jit3A_215, %jit3A_212 : i32
        %rem3A_217 = arith.remsi %add3A_208, %select_n3A_216 : i32
        %ne3A_218 = arith.constant 0 : i32
        %ne3A_219 = arith.cmpi ne, %rem3A_217, %ne3A_218 : i32
        %lt3A_220 = arith.constant 0 : i32
        %lt3A_221 = arith.cmpi slt, %rem3A_217, %lt3A_220 : i32
        %lt3A_222 = arith.constant 0 : i32
        %lt3A_223 = arith.cmpi slt, %select_n3A_216, %lt3A_222 : i32
        %ne3A_224 = arith.xori %lt3A_221, %lt3A_223 : i1
        %and3A_225 = arith.andi %ne3A_224, %ne3A_219 : i1
        %add3A_226 = arith.addi %rem3A_217, %select_n3A_216 : i32
        %select_n3A_227 = arith.select %and3A_225, %add3A_226, %rem3A_217 : i32
        %run_scoped3A_228 = arith.constant 0 : i32
        "tpu.region"() ({
          %run_scoped3A_249 = tpu.sem_alloc : memref<!tpu.dma_semaphore, #tpu.memory_space<semaphore_mem>>
          %dma_start3A_250 = arith.constant 0 : i32
          %dma_start3A_251 = arith.constant 0 : i32
          %dma_start3A_252 = tpu.memref_slice %arg6[%select_n3A_227, %dma_start3A_250, %dma_start3A_251] : memref<2x16x125xi32, #tpu.memory_space<vmem>> -> memref<1x16x125xi32, #tpu.memory_space<vmem>>
          %dma_start3A_253 = tpu.memref_squeeze %dma_start3A_252 : memref<1x16x125xi32, #tpu.memory_space<vmem>> -> memref<16x125xi32, #tpu.memory_space<vmem>>
          %dma_start3A_254 = arith.constant 0 : i32
          %dma_start3A_255 = tpu.memref_slice %arg3[%run_scoped3A_228, %add3A_211, %dma_start3A_254] : memref<2x2560x125xi32, #tpu.memory_space<hbm>> -> memref<1x16x125xi32, #tpu.memory_space<hbm>>
          %dma_start3A_256 = tpu.memref_squeeze %dma_start3A_255 : memref<1x16x125xi32, #tpu.memory_space<hbm>> -> memref<16x125xi32, #tpu.memory_space<hbm>>
          %dma_start3A_257 = arith.constant 0 : i32
          %dma_start3A_258 = arith.constant 0 : i32
          %dma_start3A_259 = tpu.memref_slice %arg6[%select_n3A_227, %dma_start3A_257, %dma_start3A_258] : memref<2x16x125xi32, #tpu.memory_space<vmem>> -> memref<1x16x125xi32, #tpu.memory_space<vmem>>
          %dma_start3A_260 = tpu.memref_squeeze %dma_start3A_259 : memref<1x16x125xi32, #tpu.memory_space<vmem>> -> memref<16x125xi32, #tpu.memory_space<vmem>>
          %dma_start3A_261 = arith.constant 0 : i32
          %dma_start3A_262 = tpu.memref_slice %arg3[%run_scoped3A_228, %add3A_211, %dma_start3A_261] : memref<2x2560x125xi32, #tpu.memory_space<hbm>> -> memref<1x16x125xi32, #tpu.memory_space<hbm>>
          %dma_start3A_263 = tpu.memref_squeeze %dma_start3A_262 : memref<1x16x125xi32, #tpu.memory_space<hbm>> -> memref<16x125xi32, #tpu.memory_space<hbm>>
          tpu.enqueue_dma source(%dma_start3A_263 : memref<16x125xi32, #tpu.memory_space<hbm>>) target(%dma_start3A_260 : memref<16x125xi32, #tpu.memory_space<vmem>>) target_semaphore(%run_scoped3A_249 : memref<!tpu.dma_semaphore, #tpu.memory_space<semaphore_mem>>)
          %dma_wait3A_264 = arith.constant 0 : i32
          %dma_wait3A_265 = arith.constant 0 : i32
          %dma_wait3A_266 = tpu.memref_slice %arg6[%select_n3A_227, %dma_wait3A_264, %dma_wait3A_265] : memref<2x16x125xi32, #tpu.memory_space<vmem>> -> memref<1x16x125xi32, #tpu.memory_space<vmem>>
          %dma_wait3A_267 = tpu.memref_squeeze %dma_wait3A_266 : memref<1x16x125xi32, #tpu.memory_space<vmem>> -> memref<16x125xi32, #tpu.memory_space<vmem>>
          %dma_wait3A_268 = arith.constant 0 : i32
          %dma_wait3A_269 = tpu.memref_slice %arg3[%run_scoped3A_228, %add3A_211, %dma_wait3A_268] : memref<2x2560x125xi32, #tpu.memory_space<hbm>> -> memref<1x16x125xi32, #tpu.memory_space<hbm>>
          %dma_wait3A_270 = tpu.memref_squeeze %dma_wait3A_269 : memref<1x16x125xi32, #tpu.memory_space<hbm>> -> memref<16x125xi32, #tpu.memory_space<hbm>>
          %dma_wait3A_271 = arith.constant 0 : i32
          %dma_wait3A_272 = arith.constant 0 : i32
          %dma_wait3A_273 = tpu.memref_slice %arg6[%select_n3A_227, %dma_wait3A_271, %dma_wait3A_272] : memref<2x16x125xi32, #tpu.memory_space<vmem>> -> memref<1x16x125xi32, #tpu.memory_space<vmem>>
          %dma_wait3A_274 = tpu.memref_squeeze %dma_wait3A_273 : memref<1x16x125xi32, #tpu.memory_space<vmem>> -> memref<16x125xi32, #tpu.memory_space<vmem>>
          %dma_wait3A_275 = arith.constant 0 : i32
          %dma_wait3A_276 = tpu.memref_slice %arg3[%run_scoped3A_228, %add3A_211, %dma_wait3A_275] : memref<2x2560x125xi32, #tpu.memory_space<hbm>> -> memref<1x16x125xi32, #tpu.memory_space<hbm>>
          %dma_wait3A_277 = tpu.memref_squeeze %dma_wait3A_276 : memref<1x16x125xi32, #tpu.memory_space<hbm>> -> memref<16x125xi32, #tpu.memory_space<hbm>>
          tpu.wait_dma2 semaphore(%run_scoped3A_249 : memref<!tpu.dma_semaphore, #tpu.memory_space<semaphore_mem>>) src(%dma_wait3A_277 : memref<16x125xi32, #tpu.memory_space<hbm>>) dst(%dma_wait3A_274 : memref<16x125xi32, #tpu.memory_space<vmem>>)
          tpu.yield
        }) : () -> ()
        %mul3A_229 = arith.constant 16 : i32
        %mul3A_230 = arith.muli %add3A_208, %mul3A_229 : i32
        %add3A_231 = arith.addi %mul3A_2, %mul3A_230 : i32
        %jit3A_232 = arith.constant 2 : i32
        %eq3A_233 = arith.constant 0 : i32
        %eq3A_234 = arith.cmpi eq, %jit3A_232, %eq3A_233 : i32
        %jit3A_235 = arith.constant 1 : i32
        %select_n3A_236 = arith.select %eq3A_234, %jit3A_235, %jit3A_232 : i32
        %rem3A_237 = arith.remsi %add3A_208, %select_n3A_236 : i32
        %ne3A_238 = arith.constant 0 : i32
        %ne3A_239 = arith.cmpi ne, %rem3A_237, %ne3A_238 : i32
        %lt3A_240 = arith.constant 0 : i32
        %lt3A_241 = arith.cmpi slt, %rem3A_237, %lt3A_240 : i32
        %lt3A_242 = arith.constant 0 : i32
        %lt3A_243 = arith.cmpi slt, %select_n3A_236, %lt3A_242 : i32
        %ne3A_244 = arith.xori %lt3A_241, %lt3A_243 : i1
        %and3A_245 = arith.andi %ne3A_244, %ne3A_239 : i1
        %add3A_246 = arith.addi %rem3A_237, %select_n3A_236 : i32
        %select_n3A_247 = arith.select %and3A_245, %add3A_246, %rem3A_237 : i32
        %run_scoped3A_248 = arith.constant 1 : i32
        "tpu.region"() ({
          %run_scoped3A_249 = tpu.sem_alloc : memref<!tpu.dma_semaphore, #tpu.memory_space<semaphore_mem>>
          %dma_start3A_250 = arith.constant 0 : i32
          %dma_start3A_251 = arith.constant 0 : i32
          %dma_start3A_252 = tpu.memref_slice %arg7[%select_n3A_247, %dma_start3A_250, %dma_start3A_251] : memref<2x16x125xi32, #tpu.memory_space<vmem>> -> memref<1x16x125xi32, #tpu.memory_space<vmem>>
          %dma_start3A_253 = tpu.memref_squeeze %dma_start3A_252 : memref<1x16x125xi32, #tpu.memory_space<vmem>> -> memref<16x125xi32, #tpu.memory_space<vmem>>
          %dma_start3A_254 = arith.constant 0 : i32
          %dma_start3A_255 = tpu.memref_slice %arg3[%run_scoped3A_248, %add3A_231, %dma_start3A_254] : memref<2x2560x125xi32, #tpu.memory_space<hbm>> -> memref<1x16x125xi32, #tpu.memory_space<hbm>>
          %dma_start3A_256 = tpu.memref_squeeze %dma_start3A_255 : memref<1x16x125xi32, #tpu.memory_space<hbm>> -> memref<16x125xi32, #tpu.memory_space<hbm>>
          %dma_start3A_257 = arith.constant 0 : i32
          %dma_start3A_258 = arith.constant 0 : i32
          %dma_start3A_259 = tpu.memref_slice %arg7[%select_n3A_247, %dma_start3A_257, %dma_start3A_258] : memref<2x16x125xi32, #tpu.memory_space<vmem>> -> memref<1x16x125xi32, #tpu.memory_space<vmem>>
          %dma_start3A_260 = tpu.memref_squeeze %dma_start3A_259 : memref<1x16x125xi32, #tpu.memory_space<vmem>> -> memref<16x125xi32, #tpu.memory_space<vmem>>
          %dma_start3A_261 = arith.constant 0 : i32
          %dma_start3A_262 = tpu.memref_slice %arg3[%run_scoped3A_248, %add3A_231, %dma_start3A_261] : memref<2x2560x125xi32, #tpu.memory_space<hbm>> -> memref<1x16x125xi32, #tpu.memory_space<hbm>>
          %dma_start3A_263 = tpu.memref_squeeze %dma_start3A_262 : memref<1x16x125xi32, #tpu.memory_space<hbm>> -> memref<16x125xi32, #tpu.memory_space<hbm>>
          tpu.enqueue_dma source(%dma_start3A_263 : memref<16x125xi32, #tpu.memory_space<hbm>>) target(%dma_start3A_260 : memref<16x125xi32, #tpu.memory_space<vmem>>) target_semaphore(%run_scoped3A_249 : memref<!tpu.dma_semaphore, #tpu.memory_space<semaphore_mem>>)
          %dma_wait3A_264 = arith.constant 0 : i32
          %dma_wait3A_265 = arith.constant 0 : i32
          %dma_wait3A_266 = tpu.memref_slice %arg7[%select_n3A_247, %dma_wait3A_264, %dma_wait3A_265] : memref<2x16x125xi32, #tpu.memory_space<vmem>> -> memref<1x16x125xi32, #tpu.memory_space<vmem>>
          %dma_wait3A_267 = tpu.memref_squeeze %dma_wait3A_266 : memref<1x16x125xi32, #tpu.memory_space<vmem>> -> memref<16x125xi32, #tpu.memory_space<vmem>>
          %dma_wait3A_268 = arith.constant 0 : i32
          %dma_wait3A_269 = tpu.memref_slice %arg3[%run_scoped3A_248, %add3A_231, %dma_wait3A_268] : memref<2x2560x125xi32, #tpu.memory_space<hbm>> -> memref<1x16x125xi32, #tpu.memory_space<hbm>>
          %dma_wait3A_270 = tpu.memref_squeeze %dma_wait3A_269 : memref<1x16x125xi32, #tpu.memory_space<hbm>> -> memref<16x125xi32, #tpu.memory_space<hbm>>
          %dma_wait3A_271 = arith.constant 0 : i32
          %dma_wait3A_272 = arith.constant 0 : i32
          %dma_wait3A_273 = tpu.memref_slice %arg7[%select_n3A_247, %dma_wait3A_271, %dma_wait3A_272] : memref<2x16x125xi32, #tpu.memory_space<vmem>> -> memref<1x16x125xi32, #tpu.memory_space<vmem>>
          %dma_wait3A_274 = tpu.memref_squeeze %dma_wait3A_273 : memref<1x16x125xi32, #tpu.memory_space<vmem>> -> memref<16x125xi32, #tpu.memory_space<vmem>>
          %dma_wait3A_275 = arith.constant 0 : i32
          %dma_wait3A_276 = tpu.memref_slice %arg3[%run_scoped3A_248, %add3A_231, %dma_wait3A_275] : memref<2x2560x125xi32, #tpu.memory_space<hbm>> -> memref<1x16x125xi32, #tpu.memory_space<hbm>>
          %dma_wait3A_277 = tpu.memref_squeeze %dma_wait3A_276 : memref<1x16x125xi32, #tpu.memory_space<hbm>> -> memref<16x125xi32, #tpu.memory_space<hbm>>
          tpu.wait_dma2 semaphore(%run_scoped3A_249 : memref<!tpu.dma_semaphore, #tpu.memory_space<semaphore_mem>>) src(%dma_wait3A_277 : memref<16x125xi32, #tpu.memory_space<hbm>>) dst(%dma_wait3A_274 : memref<16x125xi32, #tpu.memory_space<vmem>>)
          tpu.yield
        }) : () -> ()
      } else {
      }
      %dma_wait3A = arith.constant 0 : i32
      %dma_wait3A_112 = tpu.memref_slice %arg6[%select_n3A_101, %select_n3A_85, %dma_wait3A] : memref<2x16x125xi32, #tpu.memory_space<vmem>> -> memref<1x1x125xi32, #tpu.memory_space<vmem>>
      %dma_wait3A_113 = tpu.memref_squeeze %dma_wait3A_112 : memref<1x1x125xi32, #tpu.memory_space<vmem>> -> memref<125xi32, #tpu.memory_space<vmem>>
      %dma_wait3A_114 = arith.constant 0 : i32
      %dma_wait3A_115 = arith.constant 0 : i32
      %dma_wait3A_116 = tpu.memref_slice %arg2[%dma_wait3A_114, %dma_wait3A_115] : memref<10240x128xf32, #tpu.memory_space<hbm>> -> memref<10240x128xf32, #tpu.memory_space<hbm>>
      tpu.wait_indirect_dma semaphore(%arg10 : memref<!tpu.dma_semaphore, #tpu.memory_space<semaphore_mem>>) src(%dma_wait3A_116 : memref<10240x128xf32, #tpu.memory_space<hbm>>) dst(%arg8 : memref<125x128xf32, #tpu.memory_space<vmem>>)
      "tpu.region"() ({
        %run_scoped3A_207 = tpu.sem_alloc : memref<!tpu.dma_semaphore, #tpu.memory_space<semaphore_mem>>
        %dma_start3A_208 = arith.constant 0 : i32
        %dma_start3A_209 = tpu.memref_slice %arg7[%select_n3A_101, %select_n3A_85, %dma_start3A_208] : memref<2x16x125xi32, #tpu.memory_space<vmem>> -> memref<1x1x125xi32, #tpu.memory_space<vmem>>
        %dma_start3A_210 = tpu.memref_squeeze %dma_start3A_209 : memref<1x1x125xi32, #tpu.memory_space<vmem>> -> memref<125xi32, #tpu.memory_space<vmem>>
        %dma_start3A_211 = arith.constant 0 : i32
        %dma_start3A_212 = arith.constant 0 : i32
        %dma_start3A_213 = tpu.memref_slice %arg5[%dma_start3A_211, %dma_start3A_212] : memref<10240x128xf32, #tpu.memory_space<vmem_shared>> -> memref<10240x128xf32, #tpu.memory_space<vmem_shared>>
        tpu.enqueue_indirect_dma source(%arg8 : memref<125x128xf32, #tpu.memory_space<vmem>>) target(%dma_start3A_213 : memref<10240x128xf32, #tpu.memory_space<vmem_shared>>) offsets(%dma_start3A_210 : memref<125xi32, #tpu.memory_space<vmem>>) semaphore(%run_scoped3A_207 : memref<!tpu.dma_semaphore, #tpu.memory_space<semaphore_mem>>) {add = true}
        %dma_wait3A_214 = arith.constant 0 : i32
        %dma_wait3A_215 = tpu.memref_slice %arg7[%select_n3A_101, %select_n3A_85, %dma_wait3A_214] : memref<2x16x125xi32, #tpu.memory_space<vmem>> -> memref<1x1x125xi32, #tpu.memory_space<vmem>>
        %dma_wait3A_216 = tpu.memref_squeeze %dma_wait3A_215 : memref<1x1x125xi32, #tpu.memory_space<vmem>> -> memref<125xi32, #tpu.memory_space<vmem>>
        %dma_wait3A_217 = arith.constant 0 : i32
        %dma_wait3A_218 = arith.constant 0 : i32
        %dma_wait3A_219 = tpu.memref_slice %arg5[%dma_wait3A_217, %dma_wait3A_218] : memref<10240x128xf32, #tpu.memory_space<vmem_shared>> -> memref<10240x128xf32, #tpu.memory_space<vmem_shared>>
        tpu.wait_indirect_dma semaphore(%run_scoped3A_207 : memref<!tpu.dma_semaphore, #tpu.memory_space<semaphore_mem>>) src(%arg8 : memref<125x128xf32, #tpu.memory_space<vmem>>) dst(%dma_wait3A_219 : memref<10240x128xf32, #tpu.memory_space<vmem_shared>>)
        tpu.yield
      }) : () -> ()
      %add3A_117 = arith.constant 2 : i32
      %add3A_118 = arith.addi %mul3A_53, %add3A_117 : i32
      %lt3A_119 = arith.constant 80 : i32
      %lt3A_120 = arith.cmpi slt, %add3A_118, %lt3A_119 : i32
      %convert_element_type3A_121 = arith.extui %lt3A_120 : i1 to i32
      %cond3A_122 = arith.constant 0 : i32
      %cond3A_123 = arith.cmpi ne, %convert_element_type3A_121, %cond3A_122 : i32
      scf.if %cond3A_123 {
        %add3A_207 = arith.constant 2 : i32
        %add3A_208 = arith.addi %mul3A_53, %add3A_207 : i32
        %jit3A_209 = arith.constant 16 : i32
        %div3A_210 = arith.divsi %add3A_208, %jit3A_209 : i32
        %sign3A_211 = arith.constant 0 : i32
        %sign3A_212 = arith.cmpi sgt, %add3A_208, %sign3A_211 : i32
        %sign3A_213 = arith.extui %sign3A_212 : i1 to i32
        %sign3A_214 = arith.constant 0 : i32
        %sign3A_215 = arith.cmpi slt, %add3A_208, %sign3A_214 : i32
        %sign3A_216 = arith.extui %sign3A_215 : i1 to i32
        %sign3A_217 = arith.subi %sign3A_213, %sign3A_216 : i32
        %sign3A_218 = arith.constant 0 : i32
        %sign3A_219 = arith.cmpi sgt, %jit3A_209, %sign3A_218 : i32
        %sign3A_220 = arith.extui %sign3A_219 : i1 to i32
        %sign3A_221 = arith.constant 0 : i32
        %sign3A_222 = arith.cmpi slt, %jit3A_209, %sign3A_221 : i32
        %sign3A_223 = arith.extui %sign3A_222 : i1 to i32
        %sign3A_224 = arith.subi %sign3A_220, %sign3A_223 : i32
        %ne3A_225 = arith.cmpi ne, %sign3A_217, %sign3A_224 : i32
        %rem3A_226 = arith.remsi %add3A_208, %jit3A_209 : i32
        %ne3A_227 = arith.constant 0 : i32
        %ne3A_228 = arith.cmpi ne, %rem3A_226, %ne3A_227 : i32
        %and3A_229 = arith.andi %ne3A_225, %ne3A_228 : i1
        %sub3A_230 = arith.constant 1 : i32
        %sub3A_231 = arith.subi %div3A_210, %sub3A_230 : i32
        %select_n3A_232 = arith.select %and3A_229, %sub3A_231, %div3A_210 : i32
        %jit3A_233 = arith.constant 2 : i32
        %eq3A_234 = arith.constant 0 : i32
        %eq3A_235 = arith.cmpi eq, %jit3A_233, %eq3A_234 : i32
        %jit3A_236 = arith.constant 1 : i32
        %select_n3A_237 = arith.select %eq3A_235, %jit3A_236, %jit3A_233 : i32
        %rem3A_238 = arith.remsi %select_n3A_232, %select_n3A_237 : i32
        %ne3A_239 = arith.constant 0 : i32
        %ne3A_240 = arith.cmpi ne, %rem3A_238, %ne3A_239 : i32
        %lt3A_241 = arith.constant 0 : i32
        %lt3A_242 = arith.cmpi slt, %rem3A_238, %lt3A_241 : i32
        %lt3A_243 = arith.constant 0 : i32
        %lt3A_244 = arith.cmpi slt, %select_n3A_237, %lt3A_243 : i32
        %ne3A_245 = arith.xori %lt3A_242, %lt3A_244 : i1
        %and3A_246 = arith.andi %ne3A_245, %ne3A_240 : i1
        %add3A_247 = arith.addi %rem3A_238, %select_n3A_237 : i32
        %select_n3A_248 = arith.select %and3A_246, %add3A_247, %rem3A_238 : i32
        %jit3A_249 = arith.constant 16 : i32
        %eq3A_250 = arith.constant 0 : i32
        %eq3A_251 = arith.cmpi eq, %jit3A_249, %eq3A_250 : i32
        %jit3A_252 = arith.constant 1 : i32
        %select_n3A_253 = arith.select %eq3A_251, %jit3A_252, %jit3A_249 : i32
        %rem3A_254 = arith.remsi %add3A_208, %select_n3A_253 : i32
        %ne3A_255 = arith.constant 0 : i32
        %ne3A_256 = arith.cmpi ne, %rem3A_254, %ne3A_255 : i32
        %lt3A_257 = arith.constant 0 : i32
        %lt3A_258 = arith.cmpi slt, %rem3A_254, %lt3A_257 : i32
        %lt3A_259 = arith.constant 0 : i32
        %lt3A_260 = arith.cmpi slt, %select_n3A_253, %lt3A_259 : i32
        %ne3A_261 = arith.xori %lt3A_258, %lt3A_260 : i1
        %and3A_262 = arith.andi %ne3A_261, %ne3A_256 : i1
        %add3A_263 = arith.addi %rem3A_254, %select_n3A_253 : i32
        %select_n3A_264 = arith.select %and3A_262, %add3A_263, %rem3A_254 : i32
        %dma_start3A_265 = arith.constant 0 : i32
        %dma_start3A_266 = tpu.memref_slice %arg6[%select_n3A_248, %select_n3A_264, %dma_start3A_265] : memref<2x16x125xi32, #tpu.memory_space<vmem>> -> memref<1x1x125xi32, #tpu.memory_space<vmem>>
        %dma_start3A_267 = tpu.memref_squeeze %dma_start3A_266 : memref<1x1x125xi32, #tpu.memory_space<vmem>> -> memref<125xi32, #tpu.memory_space<vmem>>
        %dma_start3A_268 = arith.constant 0 : i32
        %dma_start3A_269 = arith.constant 0 : i32
        %dma_start3A_270 = tpu.memref_slice %arg2[%dma_start3A_268, %dma_start3A_269] : memref<10240x128xf32, #tpu.memory_space<hbm>> -> memref<10240x128xf32, #tpu.memory_space<hbm>>
        tpu.enqueue_indirect_dma source(%dma_start3A_270 : memref<10240x128xf32, #tpu.memory_space<hbm>>) target(%arg8 : memref<125x128xf32, #tpu.memory_space<vmem>>) offsets(%dma_start3A_267 : memref<125xi32, #tpu.memory_space<vmem>>) semaphore(%arg10 : memref<!tpu.dma_semaphore, #tpu.memory_space<semaphore_mem>>)
      } else {
      }
      %mul3A_124 = arith.constant 2 : i32
      %mul3A_125 = arith.muli %mul3A_124, %scan3A_51 : i32
      %add3A_126 = arith.constant 1 : i32
      %add3A_127 = arith.addi %mul3A_125, %add3A_126 : i32
      %jit3A_128 = arith.constant 16 : i32
      %div3A_129 = arith.divsi %add3A_127, %jit3A_128 : i32
      %sign3A_130 = arith.constant 0 : i32
      %sign3A_131 = arith.cmpi sgt, %add3A_127, %sign3A_130 : i32
      %sign3A_132 = arith.extui %sign3A_131 : i1 to i32
      %sign3A_133 = arith.constant 0 : i32
      %sign3A_134 = arith.cmpi slt, %add3A_127, %sign3A_133 : i32
      %sign3A_135 = arith.extui %sign3A_134 : i1 to i32
      %sign3A_136 = arith.subi %sign3A_132, %sign3A_135 : i32
      %sign3A_137 = arith.constant 0 : i32
      %sign3A_138 = arith.cmpi sgt, %jit3A_128, %sign3A_137 : i32
      %sign3A_139 = arith.extui %sign3A_138 : i1 to i32
      %sign3A_140 = arith.constant 0 : i32
      %sign3A_141 = arith.cmpi slt, %jit3A_128, %sign3A_140 : i32
      %sign3A_142 = arith.extui %sign3A_141 : i1 to i32
      %sign3A_143 = arith.subi %sign3A_139, %sign3A_142 : i32
      %ne3A_144 = arith.cmpi ne, %sign3A_136, %sign3A_143 : i32
      %rem3A_145 = arith.remsi %add3A_127, %jit3A_128 : i32
      %ne3A_146 = arith.constant 0 : i32
      %ne3A_147 = arith.cmpi ne, %rem3A_145, %ne3A_146 : i32
      %and3A_148 = arith.andi %ne3A_144, %ne3A_147 : i1
      %sub3A_149 = arith.constant 1 : i32
      %sub3A_150 = arith.subi %div3A_129, %sub3A_149 : i32
      %select_n3A_151 = arith.select %and3A_148, %sub3A_150, %div3A_129 : i32
      %jit3A_152 = arith.constant 16 : i32
      %eq3A_153 = arith.constant 0 : i32
      %eq3A_154 = arith.cmpi eq, %jit3A_152, %eq3A_153 : i32
      %jit3A_155 = arith.constant 1 : i32
      %select_n3A_156 = arith.select %eq3A_154, %jit3A_155, %jit3A_152 : i32
      %rem3A_157 = arith.remsi %add3A_127, %select_n3A_156 : i32
      %ne3A_158 = arith.constant 0 : i32
      %ne3A_159 = arith.cmpi ne, %rem3A_157, %ne3A_158 : i32
      %lt3A_160 = arith.constant 0 : i32
      %lt3A_161 = arith.cmpi slt, %rem3A_157, %lt3A_160 : i32
      %lt3A_162 = arith.constant 0 : i32
      %lt3A_163 = arith.cmpi slt, %select_n3A_156, %lt3A_162 : i32
      %ne3A_164 = arith.xori %lt3A_161, %lt3A_163 : i1
      %and3A_165 = arith.andi %ne3A_164, %ne3A_159 : i1
      %add3A_166 = arith.addi %rem3A_157, %select_n3A_156 : i32
      %select_n3A_167 = arith.select %and3A_165, %add3A_166, %rem3A_157 : i32
      %jit3A_168 = arith.constant 2 : i32
      %eq3A_169 = arith.constant 0 : i32
      %eq3A_170 = arith.cmpi eq, %jit3A_168, %eq3A_169 : i32
      %jit3A_171 = arith.constant 1 : i32
      %select_n3A_172 = arith.select %eq3A_170, %jit3A_171, %jit3A_168 : i32
      %rem3A_173 = arith.remsi %select_n3A_151, %select_n3A_172 : i32
      %ne3A_174 = arith.constant 0 : i32
      %ne3A_175 = arith.cmpi ne, %rem3A_173, %ne3A_174 : i32
      %lt3A_176 = arith.constant 0 : i32
      %lt3A_177 = arith.cmpi slt, %rem3A_173, %lt3A_176 : i32
      %lt3A_178 = arith.constant 0 : i32
      %lt3A_179 = arith.cmpi slt, %select_n3A_172, %lt3A_178 : i32
      %ne3A_180 = arith.xori %lt3A_177, %lt3A_179 : i1
      %and3A_181 = arith.andi %ne3A_180, %ne3A_175 : i1
      %add3A_182 = arith.addi %rem3A_173, %select_n3A_172 : i32
      %select_n3A_183 = arith.select %and3A_181, %add3A_182, %rem3A_173 : i32
      %eq3A_184 = arith.constant 0 : i32
      %eq3A_185 = arith.cmpi eq, %select_n3A_167, %eq3A_184 : i32
      %add3A_186 = arith.constant 1 : i32
      %add3A_187 = arith.addi %select_n3A_151, %add3A_186 : i32
      %lt3A_188 = arith.constant 5 : i32
      %lt3A_189 = arith.cmpi slt, %add3A_187, %lt3A_188 : i32
      %and3A_190 = arith.andi %eq3A_185, %lt3A_189 : i1
      %convert_element_type3A_191 = arith.extui %and3A_190 : i1 to i32
      %cond3A_192 = arith.constant 0 : i32
      %cond3A_193 = arith.cmpi ne, %convert_element_type3A_191, %cond3A_192 : i32
      scf.if %cond3A_193 {
        %add3A_207 = arith.constant 1 : i32
        %add3A_208 = arith.addi %select_n3A_151, %add3A_207 : i32
        %mul3A_209 = arith.constant 16 : i32
        %mul3A_210 = arith.muli %add3A_208, %mul3A_209 : i32
        %add3A_211 = arith.addi %mul3A_2, %mul3A_210 : i32
        %jit3A_212 = arith.constant 2 : i32
        %eq3A_213 = arith.constant 0 : i32
        %eq3A_214 = arith.cmpi eq, %jit3A_212, %eq3A_213 : i32
        %jit3A_215 = arith.constant 1 : i32
        %select_n3A_216 = arith.select %eq3A_214, %jit3A_215, %jit3A_212 : i32
        %rem3A_217 = arith.remsi %add3A_208, %select_n3A_216 : i32
        %ne3A_218 = arith.constant 0 : i32
        %ne3A_219 = arith.cmpi ne, %rem3A_217, %ne3A_218 : i32
        %lt3A_220 = arith.constant 0 : i32
        %lt3A_221 = arith.cmpi slt, %rem3A_217, %lt3A_220 : i32
        %lt3A_222 = arith.constant 0 : i32
        %lt3A_223 = arith.cmpi slt, %select_n3A_216, %lt3A_222 : i32
        %ne3A_224 = arith.xori %lt3A_221, %lt3A_223 : i1
        %and3A_225 = arith.andi %ne3A_224, %ne3A_219 : i1
        %add3A_226 = arith.addi %rem3A_217, %select_n3A_216 : i32
        %select_n3A_227 = arith.select %and3A_225, %add3A_226, %rem3A_217 : i32
        %run_scoped3A_228 = arith.constant 0 : i32
        "tpu.region"() ({
          %run_scoped3A_249 = tpu.sem_alloc : memref<!tpu.dma_semaphore, #tpu.memory_space<semaphore_mem>>
          %dma_start3A_250 = arith.constant 0 : i32
          %dma_start3A_251 = arith.constant 0 : i32
          %dma_start3A_252 = tpu.memref_slice %arg6[%select_n3A_227, %dma_start3A_250, %dma_start3A_251] : memref<2x16x125xi32, #tpu.memory_space<vmem>> -> memref<1x16x125xi32, #tpu.memory_space<vmem>>
          %dma_start3A_253 = tpu.memref_squeeze %dma_start3A_252 : memref<1x16x125xi32, #tpu.memory_space<vmem>> -> memref<16x125xi32, #tpu.memory_space<vmem>>
          %dma_start3A_254 = arith.constant 0 : i32
          %dma_start3A_255 = tpu.memref_slice %arg3[%run_scoped3A_228, %add3A_211, %dma_start3A_254] : memref<2x2560x125xi32, #tpu.memory_space<hbm>> -> memref<1x16x125xi32, #tpu.memory_space<hbm>>
          %dma_start3A_256 = tpu.memref_squeeze %dma_start3A_255 : memref<1x16x125xi32, #tpu.memory_space<hbm>> -> memref<16x125xi32, #tpu.memory_space<hbm>>
          %dma_start3A_257 = arith.constant 0 : i32
          %dma_start3A_258 = arith.constant 0 : i32
          %dma_start3A_259 = tpu.memref_slice %arg6[%select_n3A_227, %dma_start3A_257, %dma_start3A_258] : memref<2x16x125xi32, #tpu.memory_space<vmem>> -> memref<1x16x125xi32, #tpu.memory_space<vmem>>
          %dma_start3A_260 = tpu.memref_squeeze %dma_start3A_259 : memref<1x16x125xi32, #tpu.memory_space<vmem>> -> memref<16x125xi32, #tpu.memory_space<vmem>>
          %dma_start3A_261 = arith.constant 0 : i32
          %dma_start3A_262 = tpu.memref_slice %arg3[%run_scoped3A_228, %add3A_211, %dma_start3A_261] : memref<2x2560x125xi32, #tpu.memory_space<hbm>> -> memref<1x16x125xi32, #tpu.memory_space<hbm>>
          %dma_start3A_263 = tpu.memref_squeeze %dma_start3A_262 : memref<1x16x125xi32, #tpu.memory_space<hbm>> -> memref<16x125xi32, #tpu.memory_space<hbm>>
          tpu.enqueue_dma source(%dma_start3A_263 : memref<16x125xi32, #tpu.memory_space<hbm>>) target(%dma_start3A_260 : memref<16x125xi32, #tpu.memory_space<vmem>>) target_semaphore(%run_scoped3A_249 : memref<!tpu.dma_semaphore, #tpu.memory_space<semaphore_mem>>)
          %dma_wait3A_264 = arith.constant 0 : i32
          %dma_wait3A_265 = arith.constant 0 : i32
          %dma_wait3A_266 = tpu.memref_slice %arg6[%select_n3A_227, %dma_wait3A_264, %dma_wait3A_265] : memref<2x16x125xi32, #tpu.memory_space<vmem>> -> memref<1x16x125xi32, #tpu.memory_space<vmem>>
          %dma_wait3A_267 = tpu.memref_squeeze %dma_wait3A_266 : memref<1x16x125xi32, #tpu.memory_space<vmem>> -> memref<16x125xi32, #tpu.memory_space<vmem>>
          %dma_wait3A_268 = arith.constant 0 : i32
          %dma_wait3A_269 = tpu.memref_slice %arg3[%run_scoped3A_228, %add3A_211, %dma_wait3A_268] : memref<2x2560x125xi32, #tpu.memory_space<hbm>> -> memref<1x16x125xi32, #tpu.memory_space<hbm>>
          %dma_wait3A_270 = tpu.memref_squeeze %dma_wait3A_269 : memref<1x16x125xi32, #tpu.memory_space<hbm>> -> memref<16x125xi32, #tpu.memory_space<hbm>>
          %dma_wait3A_271 = arith.constant 0 : i32
          %dma_wait3A_272 = arith.constant 0 : i32
          %dma_wait3A_273 = tpu.memref_slice %arg6[%select_n3A_227, %dma_wait3A_271, %dma_wait3A_272] : memref<2x16x125xi32, #tpu.memory_space<vmem>> -> memref<1x16x125xi32, #tpu.memory_space<vmem>>
          %dma_wait3A_274 = tpu.memref_squeeze %dma_wait3A_273 : memref<1x16x125xi32, #tpu.memory_space<vmem>> -> memref<16x125xi32, #tpu.memory_space<vmem>>
          %dma_wait3A_275 = arith.constant 0 : i32
          %dma_wait3A_276 = tpu.memref_slice %arg3[%run_scoped3A_228, %add3A_211, %dma_wait3A_275] : memref<2x2560x125xi32, #tpu.memory_space<hbm>> -> memref<1x16x125xi32, #tpu.memory_space<hbm>>
          %dma_wait3A_277 = tpu.memref_squeeze %dma_wait3A_276 : memref<1x16x125xi32, #tpu.memory_space<hbm>> -> memref<16x125xi32, #tpu.memory_space<hbm>>
          tpu.wait_dma2 semaphore(%run_scoped3A_249 : memref<!tpu.dma_semaphore, #tpu.memory_space<semaphore_mem>>) src(%dma_wait3A_277 : memref<16x125xi32, #tpu.memory_space<hbm>>) dst(%dma_wait3A_274 : memref<16x125xi32, #tpu.memory_space<vmem>>)
          tpu.yield
        }) : () -> ()
        %mul3A_229 = arith.constant 16 : i32
        %mul3A_230 = arith.muli %add3A_208, %mul3A_229 : i32
        %add3A_231 = arith.addi %mul3A_2, %mul3A_230 : i32
        %jit3A_232 = arith.constant 2 : i32
        %eq3A_233 = arith.constant 0 : i32
        %eq3A_234 = arith.cmpi eq, %jit3A_232, %eq3A_233 : i32
        %jit3A_235 = arith.constant 1 : i32
        %select_n3A_236 = arith.select %eq3A_234, %jit3A_235, %jit3A_232 : i32
        %rem3A_237 = arith.remsi %add3A_208, %select_n3A_236 : i32
        %ne3A_238 = arith.constant 0 : i32
        %ne3A_239 = arith.cmpi ne, %rem3A_237, %ne3A_238 : i32
        %lt3A_240 = arith.constant 0 : i32
        %lt3A_241 = arith.cmpi slt, %rem3A_237, %lt3A_240 : i32
        %lt3A_242 = arith.constant 0 : i32
        %lt3A_243 = arith.cmpi slt, %select_n3A_236, %lt3A_242 : i32
        %ne3A_244 = arith.xori %lt3A_241, %lt3A_243 : i1
        %and3A_245 = arith.andi %ne3A_244, %ne3A_239 : i1
        %add3A_246 = arith.addi %rem3A_237, %select_n3A_236 : i32
        %select_n3A_247 = arith.select %and3A_245, %add3A_246, %rem3A_237 : i32
        %run_scoped3A_248 = arith.constant 1 : i32
        "tpu.region"() ({
          %run_scoped3A_249 = tpu.sem_alloc : memref<!tpu.dma_semaphore, #tpu.memory_space<semaphore_mem>>
          %dma_start3A_250 = arith.constant 0 : i32
          %dma_start3A_251 = arith.constant 0 : i32
          %dma_start3A_252 = tpu.memref_slice %arg7[%select_n3A_247, %dma_start3A_250, %dma_start3A_251] : memref<2x16x125xi32, #tpu.memory_space<vmem>> -> memref<1x16x125xi32, #tpu.memory_space<vmem>>
          %dma_start3A_253 = tpu.memref_squeeze %dma_start3A_252 : memref<1x16x125xi32, #tpu.memory_space<vmem>> -> memref<16x125xi32, #tpu.memory_space<vmem>>
          %dma_start3A_254 = arith.constant 0 : i32
          %dma_start3A_255 = tpu.memref_slice %arg3[%run_scoped3A_248, %add3A_231, %dma_start3A_254] : memref<2x2560x125xi32, #tpu.memory_space<hbm>> -> memref<1x16x125xi32, #tpu.memory_space<hbm>>
          %dma_start3A_256 = tpu.memref_squeeze %dma_start3A_255 : memref<1x16x125xi32, #tpu.memory_space<hbm>> -> memref<16x125xi32, #tpu.memory_space<hbm>>
          %dma_start3A_257 = arith.constant 0 : i32
          %dma_start3A_258 = arith.constant 0 : i32
          %dma_start3A_259 = tpu.memref_slice %arg7[%select_n3A_247, %dma_start3A_257, %dma_start3A_258] : memref<2x16x125xi32, #tpu.memory_space<vmem>> -> memref<1x16x125xi32, #tpu.memory_space<vmem>>
          %dma_start3A_260 = tpu.memref_squeeze %dma_start3A_259 : memref<1x16x125xi32, #tpu.memory_space<vmem>> -> memref<16x125xi32, #tpu.memory_space<vmem>>
          %dma_start3A_261 = arith.constant 0 : i32
          %dma_start3A_262 = tpu.memref_slice %arg3[%run_scoped3A_248, %add3A_231, %dma_start3A_261] : memref<2x2560x125xi32, #tpu.memory_space<hbm>> -> memref<1x16x125xi32, #tpu.memory_space<hbm>>
          %dma_start3A_263 = tpu.memref_squeeze %dma_start3A_262 : memref<1x16x125xi32, #tpu.memory_space<hbm>> -> memref<16x125xi32, #tpu.memory_space<hbm>>
          tpu.enqueue_dma source(%dma_start3A_263 : memref<16x125xi32, #tpu.memory_space<hbm>>) target(%dma_start3A_260 : memref<16x125xi32, #tpu.memory_space<vmem>>) target_semaphore(%run_scoped3A_249 : memref<!tpu.dma_semaphore, #tpu.memory_space<semaphore_mem>>)
          %dma_wait3A_264 = arith.constant 0 : i32
          %dma_wait3A_265 = arith.constant 0 : i32
          %dma_wait3A_266 = tpu.memref_slice %arg7[%select_n3A_247, %dma_wait3A_264, %dma_wait3A_265] : memref<2x16x125xi32, #tpu.memory_space<vmem>> -> memref<1x16x125xi32, #tpu.memory_space<vmem>>
          %dma_wait3A_267 = tpu.memref_squeeze %dma_wait3A_266 : memref<1x16x125xi32, #tpu.memory_space<vmem>> -> memref<16x125xi32, #tpu.memory_space<vmem>>
          %dma_wait3A_268 = arith.constant 0 : i32
          %dma_wait3A_269 = tpu.memref_slice %arg3[%run_scoped3A_248, %add3A_231, %dma_wait3A_268] : memref<2x2560x125xi32, #tpu.memory_space<hbm>> -> memref<1x16x125xi32, #tpu.memory_space<hbm>>
          %dma_wait3A_270 = tpu.memref_squeeze %dma_wait3A_269 : memref<1x16x125xi32, #tpu.memory_space<hbm>> -> memref<16x125xi32, #tpu.memory_space<hbm>>
          %dma_wait3A_271 = arith.constant 0 : i32
          %dma_wait3A_272 = arith.constant 0 : i32
          %dma_wait3A_273 = tpu.memref_slice %arg7[%select_n3A_247, %dma_wait3A_271, %dma_wait3A_272] : memref<2x16x125xi32, #tpu.memory_space<vmem>> -> memref<1x16x125xi32, #tpu.memory_space<vmem>>
          %dma_wait3A_274 = tpu.memref_squeeze %dma_wait3A_273 : memref<1x16x125xi32, #tpu.memory_space<vmem>> -> memref<16x125xi32, #tpu.memory_space<vmem>>
          %dma_wait3A_275 = arith.constant 0 : i32
          %dma_wait3A_276 = tpu.memref_slice %arg3[%run_scoped3A_248, %add3A_231, %dma_wait3A_275] : memref<2x2560x125xi32, #tpu.memory_space<hbm>> -> memref<1x16x125xi32, #tpu.memory_space<hbm>>
          %dma_wait3A_277 = tpu.memref_squeeze %dma_wait3A_276 : memref<1x16x125xi32, #tpu.memory_space<hbm>> -> memref<16x125xi32, #tpu.memory_space<hbm>>
          tpu.wait_dma2 semaphore(%run_scoped3A_249 : memref<!tpu.dma_semaphore, #tpu.memory_space<semaphore_mem>>) src(%dma_wait3A_277 : memref<16x125xi32, #tpu.memory_space<hbm>>) dst(%dma_wait3A_274 : memref<16x125xi32, #tpu.memory_space<vmem>>)
          tpu.yield
        }) : () -> ()
      } else {
      }
      %dma_wait3A_194 = arith.constant 0 : i32
      %dma_wait3A_195 = tpu.memref_slice %arg6[%select_n3A_183, %select_n3A_167, %dma_wait3A_194] : memref<2x16x125xi32, #tpu.memory_space<vmem>> -> memref<1x1x125xi32, #tpu.memory_space<vmem>>
      %dma_wait3A_196 = tpu.memref_squeeze %dma_wait3A_195 : memref<1x1x125xi32, #tpu.memory_space<vmem>> -> memref<125xi32, #tpu.memory_space<vmem>>
      %dma_wait3A_197 = arith.constant 0 : i32
      %dma_wait3A_198 = arith.constant 0 : i32
      %dma_wait3A_199 = tpu.memref_slice %arg2[%dma_wait3A_197, %dma_wait3A_198] : memref<10240x128xf32, #tpu.memory_space<hbm>> -> memref<10240x128xf32, #tpu.memory_space<hbm>>
      tpu.wait_indirect_dma semaphore(%arg11 : memref<!tpu.dma_semaphore, #tpu.memory_space<semaphore_mem>>) src(%dma_wait3A_199 : memref<10240x128xf32, #tpu.memory_space<hbm>>) dst(%arg9 : memref<125x128xf32, #tpu.memory_space<vmem>>)
      "tpu.region"() ({
        %run_scoped3A_207 = tpu.sem_alloc : memref<!tpu.dma_semaphore, #tpu.memory_space<semaphore_mem>>
        %dma_start3A_208 = arith.constant 0 : i32
        %dma_start3A_209 = tpu.memref_slice %arg7[%select_n3A_183, %select_n3A_167, %dma_start3A_208] : memref<2x16x125xi32, #tpu.memory_space<vmem>> -> memref<1x1x125xi32, #tpu.memory_space<vmem>>
        %dma_start3A_210 = tpu.memref_squeeze %dma_start3A_209 : memref<1x1x125xi32, #tpu.memory_space<vmem>> -> memref<125xi32, #tpu.memory_space<vmem>>
        %dma_start3A_211 = arith.constant 0 : i32
        %dma_start3A_212 = arith.constant 0 : i32
        %dma_start3A_213 = tpu.memref_slice %arg5[%dma_start3A_211, %dma_start3A_212] : memref<10240x128xf32, #tpu.memory_space<vmem_shared>> -> memref<10240x128xf32, #tpu.memory_space<vmem_shared>>
        tpu.enqueue_indirect_dma source(%arg9 : memref<125x128xf32, #tpu.memory_space<vmem>>) target(%dma_start3A_213 : memref<10240x128xf32, #tpu.memory_space<vmem_shared>>) offsets(%dma_start3A_210 : memref<125xi32, #tpu.memory_space<vmem>>) semaphore(%run_scoped3A_207 : memref<!tpu.dma_semaphore, #tpu.memory_space<semaphore_mem>>) {add = true}
        %dma_wait3A_214 = arith.constant 0 : i32
        %dma_wait3A_215 = tpu.memref_slice %arg7[%select_n3A_183, %select_n3A_167, %dma_wait3A_214] : memref<2x16x125xi32, #tpu.memory_space<vmem>> -> memref<1x1x125xi32, #tpu.memory_space<vmem>>
        %dma_wait3A_216 = tpu.memref_squeeze %dma_wait3A_215 : memref<1x1x125xi32, #tpu.memory_space<vmem>> -> memref<125xi32, #tpu.memory_space<vmem>>
        %dma_wait3A_217 = arith.constant 0 : i32
        %dma_wait3A_218 = arith.constant 0 : i32
        %dma_wait3A_219 = tpu.memref_slice %arg5[%dma_wait3A_217, %dma_wait3A_218] : memref<10240x128xf32, #tpu.memory_space<vmem_shared>> -> memref<10240x128xf32, #tpu.memory_space<vmem_shared>>
        tpu.wait_indirect_dma semaphore(%run_scoped3A_207 : memref<!tpu.dma_semaphore, #tpu.memory_space<semaphore_mem>>) src(%arg9 : memref<125x128xf32, #tpu.memory_space<vmem>>) dst(%dma_wait3A_219 : memref<10240x128xf32, #tpu.memory_space<vmem_shared>>)
        tpu.yield
      }) : () -> ()
      %add3A_200 = arith.constant 2 : i32
      %add3A_201 = arith.addi %add3A_127, %add3A_200 : i32
      %lt3A_202 = arith.constant 80 : i32
      %lt3A_203 = arith.cmpi slt, %add3A_201, %lt3A_202 : i32
      %convert_element_type3A_204 = arith.extui %lt3A_203 : i1 to i32
      %cond3A_205 = arith.constant 0 : i32
      %cond3A_206 = arith.cmpi ne, %convert_element_type3A_204, %cond3A_205 : i32
      scf.if %cond3A_206 {
        %add3A_207 = arith.constant 2 : i32
        %add3A_208 = arith.addi %add3A_127, %add3A_207 : i32
        %jit3A_209 = arith.constant 16 : i32
        %div3A_210 = arith.divsi %add3A_208, %jit3A_209 : i32
        %sign3A_211 = arith.constant 0 : i32
        %sign3A_212 = arith.cmpi sgt, %add3A_208, %sign3A_211 : i32
        %sign3A_213 = arith.extui %sign3A_212 : i1 to i32
        %sign3A_214 = arith.constant 0 : i32
        %sign3A_215 = arith.cmpi slt, %add3A_208, %sign3A_214 : i32
        %sign3A_216 = arith.extui %sign3A_215 : i1 to i32
        %sign3A_217 = arith.subi %sign3A_213, %sign3A_216 : i32
        %sign3A_218 = arith.constant 0 : i32
        %sign3A_219 = arith.cmpi sgt, %jit3A_209, %sign3A_218 : i32
        %sign3A_220 = arith.extui %sign3A_219 : i1 to i32
        %sign3A_221 = arith.constant 0 : i32
        %sign3A_222 = arith.cmpi slt, %jit3A_209, %sign3A_221 : i32
        %sign3A_223 = arith.extui %sign3A_222 : i1 to i32
        %sign3A_224 = arith.subi %sign3A_220, %sign3A_223 : i32
        %ne3A_225 = arith.cmpi ne, %sign3A_217, %sign3A_224 : i32
        %rem3A_226 = arith.remsi %add3A_208, %jit3A_209 : i32
        %ne3A_227 = arith.constant 0 : i32
        %ne3A_228 = arith.cmpi ne, %rem3A_226, %ne3A_227 : i32
        %and3A_229 = arith.andi %ne3A_225, %ne3A_228 : i1
        %sub3A_230 = arith.constant 1 : i32
        %sub3A_231 = arith.subi %div3A_210, %sub3A_230 : i32
        %select_n3A_232 = arith.select %and3A_229, %sub3A_231, %div3A_210 : i32
        %jit3A_233 = arith.constant 2 : i32
        %eq3A_234 = arith.constant 0 : i32
        %eq3A_235 = arith.cmpi eq, %jit3A_233, %eq3A_234 : i32
        %jit3A_236 = arith.constant 1 : i32
        %select_n3A_237 = arith.select %eq3A_235, %jit3A_236, %jit3A_233 : i32
        %rem3A_238 = arith.remsi %select_n3A_232, %select_n3A_237 : i32
        %ne3A_239 = arith.constant 0 : i32
        %ne3A_240 = arith.cmpi ne, %rem3A_238, %ne3A_239 : i32
        %lt3A_241 = arith.constant 0 : i32
        %lt3A_242 = arith.cmpi slt, %rem3A_238, %lt3A_241 : i32
        %lt3A_243 = arith.constant 0 : i32
        %lt3A_244 = arith.cmpi slt, %select_n3A_237, %lt3A_243 : i32
        %ne3A_245 = arith.xori %lt3A_242, %lt3A_244 : i1
        %and3A_246 = arith.andi %ne3A_245, %ne3A_240 : i1
        %add3A_247 = arith.addi %rem3A_238, %select_n3A_237 : i32
        %select_n3A_248 = arith.select %and3A_246, %add3A_247, %rem3A_238 : i32
        %jit3A_249 = arith.constant 16 : i32
        %eq3A_250 = arith.constant 0 : i32
        %eq3A_251 = arith.cmpi eq, %jit3A_249, %eq3A_250 : i32
        %jit3A_252 = arith.constant 1 : i32
        %select_n3A_253 = arith.select %eq3A_251, %jit3A_252, %jit3A_249 : i32
        %rem3A_254 = arith.remsi %add3A_208, %select_n3A_253 : i32
        %ne3A_255 = arith.constant 0 : i32
        %ne3A_256 = arith.cmpi ne, %rem3A_254, %ne3A_255 : i32
        %lt3A_257 = arith.constant 0 : i32
        %lt3A_258 = arith.cmpi slt, %rem3A_254, %lt3A_257 : i32
        %lt3A_259 = arith.constant 0 : i32
        %lt3A_260 = arith.cmpi slt, %select_n3A_253, %lt3A_259 : i32
        %ne3A_261 = arith.xori %lt3A_258, %lt3A_260 : i1
        %and3A_262 = arith.andi %ne3A_261, %ne3A_256 : i1
        %add3A_263 = arith.addi %rem3A_254, %select_n3A_253 : i32
        %select_n3A_264 = arith.select %and3A_262, %add3A_263, %rem3A_254 : i32
        %dma_start3A_265 = arith.constant 0 : i32
        %dma_start3A_266 = tpu.memref_slice %arg6[%select_n3A_248, %select_n3A_264, %dma_start3A_265] : memref<2x16x125xi32, #tpu.memory_space<vmem>> -> memref<1x1x125xi32, #tpu.memory_space<vmem>>
        %dma_start3A_267 = tpu.memref_squeeze %dma_start3A_266 : memref<1x1x125xi32, #tpu.memory_space<vmem>> -> memref<125xi32, #tpu.memory_space<vmem>>
        %dma_start3A_268 = arith.constant 0 : i32
        %dma_start3A_269 = arith.constant 0 : i32
        %dma_start3A_270 = tpu.memref_slice %arg2[%dma_start3A_268, %dma_start3A_269] : memref<10240x128xf32, #tpu.memory_space<hbm>> -> memref<10240x128xf32, #tpu.memory_space<hbm>>
        tpu.enqueue_indirect_dma source(%dma_start3A_270 : memref<10240x128xf32, #tpu.memory_space<hbm>>) target(%arg9 : memref<125x128xf32, #tpu.memory_space<vmem>>) offsets(%dma_start3A_267 : memref<125xi32, #tpu.memory_space<vmem>>) semaphore(%arg11 : memref<!tpu.dma_semaphore, #tpu.memory_space<semaphore_mem>>)
      } else {
      }
    }
    %scan3A_47 = arith.constant 40 : i32
    %barrier3A_48 = arith.constant 0 : index
    tpu.barrier barrier_id(%barrier3A_48)
    %eq3A = arith.constant 0 : i32
    %eq3A_49 = arith.cmpi eq, %arg1, %eq3A : i32
    %convert_element_type3A = arith.extui %eq3A_49 : i1 to i32
    %cond3A = arith.constant 0 : i32
    %cond3A_50 = arith.cmpi ne, %convert_element_type3A, %cond3A : i32
    scf.if %cond3A_50 {
      "tpu.region"() ({
        %run_scoped3A_51 = tpu.sem_alloc : memref<!tpu.dma_semaphore, #tpu.memory_space<semaphore_mem>>
        %dma_start3A_52 = arith.constant 0 : i32
        %dma_start3A_53 = arith.constant 0 : i32
        %dma_start3A_54 = tpu.memref_slice %arg4[%arg0, %dma_start3A_52, %dma_start3A_53] : memref<2x10240x128xf32, #tpu.memory_space<hbm>> -> memref<1x10240x128xf32, #tpu.memory_space<hbm>>
        %dma_start3A_55 = tpu.memref_squeeze %dma_start3A_54 : memref<1x10240x128xf32, #tpu.memory_space<hbm>> -> memref<10240x128xf32, #tpu.memory_space<hbm>>
        tpu.enqueue_dma source(%arg5 : memref<10240x128xf32, #tpu.memory_space<vmem_shared>>) target(%dma_start3A_55 : memref<10240x128xf32, #tpu.memory_space<hbm>>) target_semaphore(%run_scoped3A_51 : memref<!tpu.dma_semaphore, #tpu.memory_space<semaphore_mem>>)
        %dma_wait3A = arith.constant 0 : i32
        %dma_wait3A_56 = arith.constant 0 : i32
        %dma_wait3A_57 = tpu.memref_slice %arg4[%arg0, %dma_wait3A, %dma_wait3A_56] : memref<2x10240x128xf32, #tpu.memory_space<hbm>> -> memref<1x10240x128xf32, #tpu.memory_space<hbm>>
        %dma_wait3A_58 = tpu.memref_squeeze %dma_wait3A_57 : memref<1x10240x128xf32, #tpu.memory_space<hbm>> -> memref<10240x128xf32, #tpu.memory_space<hbm>>
        tpu.wait_dma2 semaphore(%run_scoped3A_51 : memref<!tpu.dma_semaphore, #tpu.memory_space<semaphore_mem>>) src(%arg5 : memref<10240x128xf32, #tpu.memory_space<vmem_shared>>) dst(%dma_wait3A_58 : memref<10240x128xf32, #tpu.memory_space<hbm>>)
        tpu.yield
      }) : () -> ()
    } else {
    }
    return
  }
}

module attributes {stable_mosaic.version = 14 : i64} {
  func.func @_tc2_body(%arg0: i32, %arg1: memref<2x1024x128xf32, #tpu.memory_space<vmem>>, %arg2: memref<1024x128xf32, #tpu.memory_space<vmem>>, %arg3: memref<2x8x128xf32, #tpu.memory_space<vmem>>, %arg4: memref<128x128xf32, #tpu.memory_space<vmem>>, %arg5: memref<1x128xf32, #tpu.memory_space<vmem>>, %arg6: memref<1024x128xf32, #tpu.memory_space<vmem>>) attributes {dimension_semantics = [#tpu.dimension_semantics<arbitrary>], iteration_bounds = array<i64: 10>, scalar_prefetch = 0 : i64, scratch_operands = 0 : i64, tpu.core_type = #tpu.core_type<tc>, window_params = [{transform_indices = @transform_0, window_bounds = array<i64: 2, 1024, 128>}, {transform_indices = @transform_1, window_bounds = array<i64: 1024, 128>}, {transform_indices = @transform_2, window_bounds = array<i64: 2, 8, 128>}, {pipeline_mode = #tpu.pipeline_mode<synchronous>, transform_indices = @transform_3, window_bounds = array<i64: 128, 128>}, {pipeline_mode = #tpu.pipeline_mode<synchronous>, transform_indices = @transform_4, window_bounds = array<i64: 1, 128>}, {transform_indices = @transform_5, window_bounds = array<i64: 1024, 128>}]} {
    %get3A = arith.constant 0 : index
    %get3A_0 = arith.constant 0 : index
    %get3A_1 = arith.constant 0 : index
    %get3A_2 = vector.load %arg3[%get3A, %get3A_0, %get3A_1] : memref<2x8x128xf32, #tpu.memory_space<vmem>>, vector<2x8x128xf32>
    %slice3A = vector.extract_strided_slice %get3A_2 {offsets = [0, 0, 0], sizes = [1, 8, 128], strides = [1, 1, 1]} : vector<2x8x128xf32> to vector<1x8x128xf32>
    %squeeze3A = vector.shape_cast %slice3A : vector<1x8x128xf32> to vector<8x128xf32>
    %slice3A_3 = vector.extract_strided_slice %get3A_2 {offsets = [1, 0, 0], sizes = [1, 8, 128], strides = [1, 1, 1]} : vector<2x8x128xf32> to vector<1x8x128xf32>
    %squeeze3A_4 = vector.shape_cast %slice3A_3 : vector<1x8x128xf32> to vector<8x128xf32>
    %add3A = arith.addf %squeeze3A, %squeeze3A_4 : vector<8x128xf32>
    %add3A_5 = arith.constant 1.000000e+00 : f32
    %add3A_6 = vector.broadcast %add3A_5 : f32 to vector<8x128xf32>
    %add3A_7 = arith.addf %add3A, %add3A_6 : vector<8x128xf32>
    %rsqrt3A = math.rsqrt %add3A_7 : vector<8x128xf32>
    %iota3A = tpu.iota {dimensions = array<i32: 0>} : vector<1024x8xi32>
    %jit3A = arith.constant 128 : i32
    %div3A = vector.broadcast %jit3A : i32 to vector<1024x8xi32>
    %div3A_8 = arith.divsi %iota3A, %div3A : vector<1024x8xi32>
    %sign3A = arith.constant 0 : i32
    %sign3A_9 = vector.broadcast %sign3A : i32 to vector<1024x8xi32>
    %sign3A_10 = arith.cmpi sgt, %iota3A, %sign3A_9 : vector<1024x8xi32>
    %sign3A_11 = arith.extui %sign3A_10 : vector<1024x8xi1> to vector<1024x8xi32>
    %sign3A_12 = arith.constant 0 : i32
    %sign3A_13 = vector.broadcast %sign3A_12 : i32 to vector<1024x8xi32>
    %sign3A_14 = arith.cmpi slt, %iota3A, %sign3A_13 : vector<1024x8xi32>
    %sign3A_15 = arith.extui %sign3A_14 : vector<1024x8xi1> to vector<1024x8xi32>
    %sign3A_16 = arith.subi %sign3A_11, %sign3A_15 : vector<1024x8xi32>
    %sign3A_17 = arith.constant 0 : i32
    %sign3A_18 = arith.cmpi sgt, %jit3A, %sign3A_17 : i32
    %sign3A_19 = arith.extui %sign3A_18 : i1 to i32
    %sign3A_20 = arith.constant 0 : i32
    %sign3A_21 = arith.cmpi slt, %jit3A, %sign3A_20 : i32
    %sign3A_22 = arith.extui %sign3A_21 : i1 to i32
    %sign3A_23 = arith.subi %sign3A_19, %sign3A_22 : i32
    %ne3A = vector.broadcast %sign3A_23 : i32 to vector<1024x8xi32>
    %ne3A_24 = arith.cmpi ne, %sign3A_16, %ne3A : vector<1024x8xi32>
    %rem3A = vector.broadcast %jit3A : i32 to vector<1024x8xi32>
    %rem3A_25 = arith.remsi %iota3A, %rem3A : vector<1024x8xi32>
    %ne3A_26 = arith.constant 0 : i32
    %ne3A_27 = vector.broadcast %ne3A_26 : i32 to vector<1024x8xi32>
    %ne3A_28 = arith.cmpi ne, %rem3A_25, %ne3A_27 : vector<1024x8xi32>
    %and3A = arith.andi %ne3A_24, %ne3A_28 : vector<1024x8xi1>
    %sub3A = arith.constant 1 : i32
    %sub3A_29 = vector.broadcast %sub3A : i32 to vector<1024x8xi32>
    %sub3A_30 = arith.subi %div3A_8, %sub3A_29 : vector<1024x8xi32>
    %select_n3A = arith.select %and3A, %sub3A_30, %div3A_8 : vector<1024x8xi1>, vector<1024x8xi32>
    %iota3A_31 = tpu.iota {dimensions = array<i32: 1>} : vector<1024x8xi32>
    %eq3A = arith.cmpi eq, %select_n3A, %iota3A_31 : vector<1024x8xi32>
    %convert_element_type3A = arith.extui %eq3A : vector<1024x8xi1> to vector<1024x8xi32>
    %convert_element_type3A_32 = arith.sitofp %convert_element_type3A : vector<1024x8xi32> to vector<1024x8xf32>
    %dot_general3A = arith.constant dense<0.000000e+00> : vector<1024x128xf32>
    %dot_general3A_33 = tpu.matmul %convert_element_type3A_32, %rsqrt3A, %dot_general3A {dimension_numbers = #tpu.dot_dimension_numbers<[1], [0], [0], [1], [0, 0, 1, 1], [], []>, transpose_lhs_hint = false} : vector<1024x8xf32>, vector<8x128xf32>, vector<1024x128xf32> -> vector<1024x128xf32>
    %iota3A_34 = tpu.iota {dimensions = array<i32: 0>} : vector<1024x128xi32>
    %jit3A_35 = arith.constant 128 : i32
    %eq3A_36 = arith.constant 0 : i32
    %eq3A_37 = arith.cmpi eq, %jit3A_35, %eq3A_36 : i32
    %jit3A_38 = arith.constant 1 : i32
    %select_n3A_39 = arith.select %eq3A_37, %jit3A_38, %jit3A_35 : i32
    %rem3A_40 = vector.broadcast %select_n3A_39 : i32 to vector<1024x128xi32>
    %rem3A_41 = arith.remsi %iota3A_34, %rem3A_40 : vector<1024x128xi32>
    %ne3A_42 = arith.constant 0 : i32
    %ne3A_43 = vector.broadcast %ne3A_42 : i32 to vector<1024x128xi32>
    %ne3A_44 = arith.cmpi ne, %rem3A_41, %ne3A_43 : vector<1024x128xi32>
    %lt3A = arith.constant 0 : i32
    %lt3A_45 = vector.broadcast %lt3A : i32 to vector<1024x128xi32>
    %lt3A_46 = arith.cmpi slt, %rem3A_41, %lt3A_45 : vector<1024x128xi32>
    %lt3A_47 = arith.constant 0 : i32
    %lt3A_48 = arith.cmpi slt, %select_n3A_39, %lt3A_47 : i32
    %ne3A_49 = vector.broadcast %lt3A_48 : i1 to vector<1024x128xi1>
    %ne3A_50 = vector.broadcast %ne3A_49 : vector<1024x128xi1> to vector<1024x128xi1>
    %ne3A_51 = arith.xori %lt3A_46, %ne3A_50 : vector<1024x128xi1>
    %and3A_52 = arith.andi %ne3A_51, %ne3A_44 : vector<1024x128xi1>
    %add3A_53 = vector.broadcast %select_n3A_39 : i32 to vector<1024x128xi32>
    %add3A_54 = arith.addi %rem3A_41, %add3A_53 : vector<1024x128xi32>
    %select_n3A_55 = arith.select %and3A_52, %add3A_54, %rem3A_41 : vector<1024x128xi1>, vector<1024x128xi32>
    %iota3A_56 = tpu.iota {dimensions = array<i32: 1>} : vector<1024x128xi32>
    %eq3A_57 = arith.cmpi eq, %select_n3A_55, %iota3A_56 : vector<1024x128xi32>
    %convert_element_type3A_58 = arith.extui %eq3A_57 : vector<1024x128xi1> to vector<1024x128xi32>
    %convert_element_type3A_59 = arith.sitofp %convert_element_type3A_58 : vector<1024x128xi32> to vector<1024x128xf32>
    %mul3A = arith.mulf %dot_general3A_33, %convert_element_type3A_59 : vector<1024x128xf32>
    %reduce_sum3A = arith.constant dense<0.000000e+00> : vector<1024xf32>
    %reduce_sum3A_60 = vector.multi_reduction <add>, %mul3A, %reduce_sum3A [1] : vector<1024x128xf32> to vector<1024xf32>
    %broadcast_in_dim3A = vector.shape_cast %reduce_sum3A_60 : vector<1024xf32> to vector<1024x1xf32>
    %get3A_61 = arith.constant 0 : index
    %get3A_62 = arith.constant 0 : index
    %get3A_63 = arith.constant 0 : index
    %get3A_64 = vector.load %arg1[%get3A_61, %get3A_62, %get3A_63] : memref<2x1024x128xf32, #tpu.memory_space<vmem>>, vector<1x1024x128xf32>
    %get3A_65 = vector.shape_cast %get3A_64 : vector<1x1024x128xf32> to vector<1024x128xf32>
    %get3A_66 = arith.constant 1 : index
    %get3A_67 = arith.constant 0 : index
    %get3A_68 = arith.constant 0 : index
    %get3A_69 = vector.load %arg1[%get3A_66, %get3A_67, %get3A_68] : memref<2x1024x128xf32, #tpu.memory_space<vmem>>, vector<1x1024x128xf32>
    %get3A_70 = vector.shape_cast %get3A_69 : vector<1x1024x128xf32> to vector<1024x128xf32>
    %add3A_71 = arith.addf %get3A_65, %get3A_70 : vector<1024x128xf32>
    %get3A_72 = arith.constant 0 : index
    %get3A_73 = arith.constant 0 : index
    %get3A_74 = vector.load %arg2[%get3A_72, %get3A_73] : memref<1024x128xf32, #tpu.memory_space<vmem>>, vector<1024x128xf32>
    %add3A_75 = arith.addf %add3A_71, %get3A_74 : vector<1024x128xf32>
    %mul3A_76 = vector.broadcast %broadcast_in_dim3A : vector<1024x1xf32> to vector<1024x128xf32>
    %mul3A_77 = arith.mulf %add3A_75, %mul3A_76 : vector<1024x128xf32>
    %get3A_78 = arith.constant 0 : index
    %get3A_79 = arith.constant 0 : index
    %get3A_80 = vector.load %arg5[%get3A_78, %get3A_79] : memref<1x128xf32, #tpu.memory_space<vmem>>, vector<1x128xf32>
    %add3A_81 = vector.broadcast %get3A_80 : vector<1x128xf32> to vector<1024x128xf32>
    %add3A_82 = arith.addf %mul3A_77, %add3A_81 : vector<1024x128xf32>
    %get3A_83 = arith.constant 0 : index
    %get3A_84 = arith.constant 0 : index
    %get3A_85 = vector.load %arg4[%get3A_83, %get3A_84] : memref<128x128xf32, #tpu.memory_space<vmem>>, vector<128x128xf32>
    %dot_general3A_86 = arith.constant dense<0.000000e+00> : vector<1024x128xf32>
    %dot_general3A_87 = tpu.matmul %add3A_82, %get3A_85, %dot_general3A_86 {dimension_numbers = #tpu.dot_dimension_numbers<[1], [0], [0], [1], [0, 0, 1, 1], [], []>, transpose_lhs_hint = false} : vector<1024x128xf32>, vector<128x128xf32>, vector<1024x128xf32> -> vector<1024x128xf32>
    %mul3A_88 = vector.broadcast %broadcast_in_dim3A : vector<1024x1xf32> to vector<1024x128xf32>
    %mul3A_89 = arith.mulf %dot_general3A_87, %mul3A_88 : vector<1024x128xf32>
    %swap3A = arith.constant 0 : index
    %swap3A_90 = arith.constant 0 : index
    %swap3A_91 = vector.load %arg6[%swap3A, %swap3A_90] : memref<1024x128xf32, #tpu.memory_space<vmem>>, vector<1024x128xf32>
    tpu.vector_store %arg6[%swap3A, %swap3A_90], %mul3A_89 {strides = array<i32>} : memref<1024x128xf32, #tpu.memory_space<vmem>>, vector<1024x128xf32>,
    return
  }
  func.func @transform_0(%arg0: i32) -> (i32, i32, i32) {
    %c0_i32 = arith.constant 0 : i32
    %c0_i32_0 = arith.constant 0 : i32
    %c0_i32_1 = arith.constant 0 : i32
    return %c0_i32, %arg0, %c0_i32_0 : i32, i32, i32
  }
  func.func @transform_1(%arg0: i32) -> (i32, i32) {
    %c0_i32 = arith.constant 0 : i32
    %c0_i32_0 = arith.constant 0 : i32
    return %arg0, %c0_i32 : i32, i32
  }
  func.func @transform_2(%arg0: i32) -> (i32, i32, i32) {
    %c0_i32 = arith.constant 0 : i32
    %c0_i32_0 = arith.constant 0 : i32
    %c0_i32_1 = arith.constant 0 : i32
    return %c0_i32, %arg0, %c0_i32_0 : i32, i32, i32
  }
  func.func @transform_3(%arg0: i32) -> (i32, i32) {
    %c0_i32 = arith.constant 0 : i32
    %c0_i32_0 = arith.constant 0 : i32
    %c0_i32_1 = arith.constant 0 : i32
    return %c0_i32, %c0_i32_0 : i32, i32
  }
  func.func @transform_4(%arg0: i32) -> (i32, i32) {
    %c0_i32 = arith.constant 0 : i32
    %c0_i32_0 = arith.constant 0 : i32
    %c0_i32_1 = arith.constant 0 : i32
    return %c0_i32, %c0_i32_0 : i32, i32
  }
  func.func @transform_5(%arg0: i32) -> (i32, i32) {
    %c0_i32 = arith.constant 0 : i32
    %c0_i32_0 = arith.constant 0 : i32
    return %arg0, %c0_i32 : i32, i32
  }
}

module attributes {stable_mosaic.version = 14 : i64} {
  func.func @_tc1_body(%arg0: i32, %arg1: memref<1024x128xf32, #tpu.memory_space<vmem>>, %arg2: memref<128x128xf32, #tpu.memory_space<vmem>>, %arg3: memref<2x8x128xf32, #tpu.memory_space<vmem>>, %arg4: memref<1024x128xf32, #tpu.memory_space<vmem>>) attributes {dimension_semantics = [#tpu.dimension_semantics<arbitrary>], iteration_bounds = array<i64: 10>, scalar_prefetch = 0 : i64, scratch_operands = 0 : i64, tpu.core_type = #tpu.core_type<tc>, window_params = [{transform_indices = @transform_0, window_bounds = array<i64: 1024, 128>}, {pipeline_mode = #tpu.pipeline_mode<synchronous>, transform_indices = @transform_1, window_bounds = array<i64: 128, 128>}, {transform_indices = @transform_2, window_bounds = array<i64: 2, 8, 128>}, {transform_indices = @transform_3, window_bounds = array<i64: 1024, 128>}]} {
    %get3A = arith.constant 0 : index
    %get3A_0 = arith.constant 0 : index
    %get3A_1 = vector.load %arg1[%get3A, %get3A_0] : memref<1024x128xf32, #tpu.memory_space<vmem>>, vector<1024x128xf32>
    %get3A_2 = arith.constant 0 : index
    %get3A_3 = arith.constant 0 : index
    %get3A_4 = vector.load %arg2[%get3A_2, %get3A_3] : memref<128x128xf32, #tpu.memory_space<vmem>>, vector<128x128xf32>
    %dot_general3A = arith.constant dense<0.000000e+00> : vector<1024x128xf32>
    %dot_general3A_5 = tpu.matmul %get3A_1, %get3A_4, %dot_general3A {dimension_numbers = #tpu.dot_dimension_numbers<[1], [0], [0], [1], [0, 0, 1, 1], [], []>, transpose_lhs_hint = false} : vector<1024x128xf32>, vector<128x128xf32>, vector<1024x128xf32> -> vector<1024x128xf32>
    %get3A_6 = arith.constant 0 : index
    %get3A_7 = arith.constant 0 : index
    %get3A_8 = arith.constant 0 : index
    %get3A_9 = vector.load %arg3[%get3A_6, %get3A_7, %get3A_8] : memref<2x8x128xf32, #tpu.memory_space<vmem>>, vector<2x8x128xf32>
    %slice3A = vector.extract_strided_slice %get3A_9 {offsets = [0, 0, 0], sizes = [1, 8, 128], strides = [1, 1, 1]} : vector<2x8x128xf32> to vector<1x8x128xf32>
    %squeeze3A = vector.shape_cast %slice3A : vector<1x8x128xf32> to vector<8x128xf32>
    %slice3A_10 = vector.extract_strided_slice %get3A_9 {offsets = [1, 0, 0], sizes = [1, 8, 128], strides = [1, 1, 1]} : vector<2x8x128xf32> to vector<1x8x128xf32>
    %squeeze3A_11 = vector.shape_cast %slice3A_10 : vector<1x8x128xf32> to vector<8x128xf32>
    %add3A = arith.addf %squeeze3A, %squeeze3A_11 : vector<8x128xf32>
    %add3A_12 = arith.constant 1.000000e+00 : f32
    %add3A_13 = vector.broadcast %add3A_12 : f32 to vector<8x128xf32>
    %add3A_14 = arith.addf %add3A, %add3A_13 : vector<8x128xf32>
    %rsqrt3A = math.rsqrt %add3A_14 : vector<8x128xf32>
    %iota3A = tpu.iota {dimensions = array<i32: 0>} : vector<1024x8xi32>
    %jit3A = arith.constant 128 : i32
    %div3A = vector.broadcast %jit3A : i32 to vector<1024x8xi32>
    %div3A_15 = arith.divsi %iota3A, %div3A : vector<1024x8xi32>
    %sign3A = arith.constant 0 : i32
    %sign3A_16 = vector.broadcast %sign3A : i32 to vector<1024x8xi32>
    %sign3A_17 = arith.cmpi sgt, %iota3A, %sign3A_16 : vector<1024x8xi32>
    %sign3A_18 = arith.extui %sign3A_17 : vector<1024x8xi1> to vector<1024x8xi32>
    %sign3A_19 = arith.constant 0 : i32
    %sign3A_20 = vector.broadcast %sign3A_19 : i32 to vector<1024x8xi32>
    %sign3A_21 = arith.cmpi slt, %iota3A, %sign3A_20 : vector<1024x8xi32>
    %sign3A_22 = arith.extui %sign3A_21 : vector<1024x8xi1> to vector<1024x8xi32>
    %sign3A_23 = arith.subi %sign3A_18, %sign3A_22 : vector<1024x8xi32>
    %sign3A_24 = arith.constant 0 : i32
    %sign3A_25 = arith.cmpi sgt, %jit3A, %sign3A_24 : i32
    %sign3A_26 = arith.extui %sign3A_25 : i1 to i32
    %sign3A_27 = arith.constant 0 : i32
    %sign3A_28 = arith.cmpi slt, %jit3A, %sign3A_27 : i32
    %sign3A_29 = arith.extui %sign3A_28 : i1 to i32
    %sign3A_30 = arith.subi %sign3A_26, %sign3A_29 : i32
    %ne3A = vector.broadcast %sign3A_30 : i32 to vector<1024x8xi32>
    %ne3A_31 = arith.cmpi ne, %sign3A_23, %ne3A : vector<1024x8xi32>
    %rem3A = vector.broadcast %jit3A : i32 to vector<1024x8xi32>
    %rem3A_32 = arith.remsi %iota3A, %rem3A : vector<1024x8xi32>
    %ne3A_33 = arith.constant 0 : i32
    %ne3A_34 = vector.broadcast %ne3A_33 : i32 to vector<1024x8xi32>
    %ne3A_35 = arith.cmpi ne, %rem3A_32, %ne3A_34 : vector<1024x8xi32>
    %and3A = arith.andi %ne3A_31, %ne3A_35 : vector<1024x8xi1>
    %sub3A = arith.constant 1 : i32
    %sub3A_36 = vector.broadcast %sub3A : i32 to vector<1024x8xi32>
    %sub3A_37 = arith.subi %div3A_15, %sub3A_36 : vector<1024x8xi32>
    %select_n3A = arith.select %and3A, %sub3A_37, %div3A_15 : vector<1024x8xi1>, vector<1024x8xi32>
    %iota3A_38 = tpu.iota {dimensions = array<i32: 1>} : vector<1024x8xi32>
    %eq3A = arith.cmpi eq, %select_n3A, %iota3A_38 : vector<1024x8xi32>
    %convert_element_type3A = arith.extui %eq3A : vector<1024x8xi1> to vector<1024x8xi32>
    %convert_element_type3A_39 = arith.sitofp %convert_element_type3A : vector<1024x8xi32> to vector<1024x8xf32>
    %dot_general3A_40 = arith.constant dense<0.000000e+00> : vector<1024x128xf32>
    %dot_general3A_41 = tpu.matmul %convert_element_type3A_39, %rsqrt3A, %dot_general3A_40 {dimension_numbers = #tpu.dot_dimension_numbers<[1], [0], [0], [1], [0, 0, 1, 1], [], []>, transpose_lhs_hint = false} : vector<1024x8xf32>, vector<8x128xf32>, vector<1024x128xf32> -> vector<1024x128xf32>
    %iota3A_42 = tpu.iota {dimensions = array<i32: 0>} : vector<1024x128xi32>
    %jit3A_43 = arith.constant 128 : i32
    %eq3A_44 = arith.constant 0 : i32
    %eq3A_45 = arith.cmpi eq, %jit3A_43, %eq3A_44 : i32
    %jit3A_46 = arith.constant 1 : i32
    %select_n3A_47 = arith.select %eq3A_45, %jit3A_46, %jit3A_43 : i32
    %rem3A_48 = vector.broadcast %select_n3A_47 : i32 to vector<1024x128xi32>
    %rem3A_49 = arith.remsi %iota3A_42, %rem3A_48 : vector<1024x128xi32>
    %ne3A_50 = arith.constant 0 : i32
    %ne3A_51 = vector.broadcast %ne3A_50 : i32 to vector<1024x128xi32>
    %ne3A_52 = arith.cmpi ne, %rem3A_49, %ne3A_51 : vector<1024x128xi32>
    %lt3A = arith.constant 0 : i32
    %lt3A_53 = vector.broadcast %lt3A : i32 to vector<1024x128xi32>
    %lt3A_54 = arith.cmpi slt, %rem3A_49, %lt3A_53 : vector<1024x128xi32>
    %lt3A_55 = arith.constant 0 : i32
    %lt3A_56 = arith.cmpi slt, %select_n3A_47, %lt3A_55 : i32
    %ne3A_57 = vector.broadcast %lt3A_56 : i1 to vector<1024x128xi1>
    %ne3A_58 = vector.broadcast %ne3A_57 : vector<1024x128xi1> to vector<1024x128xi1>
    %ne3A_59 = arith.xori %lt3A_54, %ne3A_58 : vector<1024x128xi1>
    %and3A_60 = arith.andi %ne3A_59, %ne3A_52 : vector<1024x128xi1>
    %add3A_61 = vector.broadcast %select_n3A_47 : i32 to vector<1024x128xi32>
    %add3A_62 = arith.addi %rem3A_49, %add3A_61 : vector<1024x128xi32>
    %select_n3A_63 = arith.select %and3A_60, %add3A_62, %rem3A_49 : vector<1024x128xi1>, vector<1024x128xi32>
    %iota3A_64 = tpu.iota {dimensions = array<i32: 1>} : vector<1024x128xi32>
    %eq3A_65 = arith.cmpi eq, %select_n3A_63, %iota3A_64 : vector<1024x128xi32>
    %convert_element_type3A_66 = arith.extui %eq3A_65 : vector<1024x128xi1> to vector<1024x128xi32>
    %convert_element_type3A_67 = arith.sitofp %convert_element_type3A_66 : vector<1024x128xi32> to vector<1024x128xf32>
    %mul3A = arith.mulf %dot_general3A_41, %convert_element_type3A_67 : vector<1024x128xf32>
    %reduce_sum3A = arith.constant dense<0.000000e+00> : vector<1024xf32>
    %reduce_sum3A_68 = vector.multi_reduction <add>, %mul3A, %reduce_sum3A [1] : vector<1024x128xf32> to vector<1024xf32>
    %broadcast_in_dim3A = vector.shape_cast %reduce_sum3A_68 : vector<1024xf32> to vector<1024x1xf32>
    %mul3A_69 = vector.broadcast %broadcast_in_dim3A : vector<1024x1xf32> to vector<1024x128xf32>
    %mul3A_70 = arith.mulf %dot_general3A_5, %mul3A_69 : vector<1024x128xf32>
    %swap3A = arith.constant 0 : index
    %swap3A_71 = arith.constant 0 : index
    %swap3A_72 = vector.load %arg4[%swap3A, %swap3A_71] : memref<1024x128xf32, #tpu.memory_space<vmem>>, vector<1024x128xf32>
    tpu.vector_store %arg4[%swap3A, %swap3A_71], %mul3A_70 {strides = array<i32>} : memref<1024x128xf32, #tpu.memory_space<vmem>>, vector<1024x128xf32>,
    return
  }
  func.func @transform_0(%arg0: i32) -> (i32, i32) {
    %c0_i32 = arith.constant 0 : i32
    %c0_i32_0 = arith.constant 0 : i32
    return %arg0, %c0_i32 : i32, i32
  }
  func.func @transform_1(%arg0: i32) -> (i32, i32) {
    %c0_i32 = arith.constant 0 : i32
    %c0_i32_0 = arith.constant 0 : i32
    %c0_i32_1 = arith.constant 0 : i32
    return %c0_i32, %c0_i32_0 : i32, i32
  }
  func.func @transform_2(%arg0: i32) -> (i32, i32, i32) {
    %c0_i32 = arith.constant 0 : i32
    %c0_i32_0 = arith.constant 0 : i32
    %c0_i32_1 = arith.constant 0 : i32
    return %c0_i32, %arg0, %c0_i32_0 : i32, i32, i32
  }
  func.func @transform_3(%arg0: i32) -> (i32, i32) {
    %c0_i32 = arith.constant 0 : i32
    %c0_i32_0 = arith.constant 0 : i32
    return %arg0, %c0_i32 : i32, i32
  }
}

module attributes {stable_mosaic.version = 14 : i64} {
  func.func @_tc3_body(%arg0: i32, %arg1: memref<2x1024x128xf32, #tpu.memory_space<vmem>>, %arg2: memref<1024x128xf32, #tpu.memory_space<vmem>>, %arg3: memref<2x8x128xf32, #tpu.memory_space<vmem>>, %arg4: memref<1x128xf32, #tpu.memory_space<vmem>>, %arg5: memref<1024x128xf32, #tpu.memory_space<vmem>>) attributes {dimension_semantics = [#tpu.dimension_semantics<arbitrary>], iteration_bounds = array<i64: 10>, scalar_prefetch = 0 : i64, scratch_operands = 0 : i64, tpu.core_type = #tpu.core_type<tc>, window_params = [{transform_indices = @transform_0, window_bounds = array<i64: 2, 1024, 128>}, {transform_indices = @transform_1, window_bounds = array<i64: 1024, 128>}, {transform_indices = @transform_2, window_bounds = array<i64: 2, 8, 128>}, {pipeline_mode = #tpu.pipeline_mode<synchronous>, transform_indices = @transform_3, window_bounds = array<i64: 1, 128>}, {transform_indices = @transform_4, window_bounds = array<i64: 1024, 128>}]} {
    %get3A = arith.constant 0 : index
    %get3A_0 = arith.constant 0 : index
    %get3A_1 = arith.constant 0 : index
    %get3A_2 = vector.load %arg3[%get3A, %get3A_0, %get3A_1] : memref<2x8x128xf32, #tpu.memory_space<vmem>>, vector<2x8x128xf32>
    %slice3A = vector.extract_strided_slice %get3A_2 {offsets = [0, 0, 0], sizes = [1, 8, 128], strides = [1, 1, 1]} : vector<2x8x128xf32> to vector<1x8x128xf32>
    %squeeze3A = vector.shape_cast %slice3A : vector<1x8x128xf32> to vector<8x128xf32>
    %slice3A_3 = vector.extract_strided_slice %get3A_2 {offsets = [1, 0, 0], sizes = [1, 8, 128], strides = [1, 1, 1]} : vector<2x8x128xf32> to vector<1x8x128xf32>
    %squeeze3A_4 = vector.shape_cast %slice3A_3 : vector<1x8x128xf32> to vector<8x128xf32>
    %add3A = arith.addf %squeeze3A, %squeeze3A_4 : vector<8x128xf32>
    %add3A_5 = arith.constant 1.000000e+00 : f32
    %add3A_6 = vector.broadcast %add3A_5 : f32 to vector<8x128xf32>
    %add3A_7 = arith.addf %add3A, %add3A_6 : vector<8x128xf32>
    %rsqrt3A = math.rsqrt %add3A_7 : vector<8x128xf32>
    %iota3A = tpu.iota {dimensions = array<i32: 0>} : vector<1024x8xi32>
    %jit3A = arith.constant 128 : i32
    %div3A = vector.broadcast %jit3A : i32 to vector<1024x8xi32>
    %div3A_8 = arith.divsi %iota3A, %div3A : vector<1024x8xi32>
    %sign3A = arith.constant 0 : i32
    %sign3A_9 = vector.broadcast %sign3A : i32 to vector<1024x8xi32>
    %sign3A_10 = arith.cmpi sgt, %iota3A, %sign3A_9 : vector<1024x8xi32>
    %sign3A_11 = arith.extui %sign3A_10 : vector<1024x8xi1> to vector<1024x8xi32>
    %sign3A_12 = arith.constant 0 : i32
    %sign3A_13 = vector.broadcast %sign3A_12 : i32 to vector<1024x8xi32>
    %sign3A_14 = arith.cmpi slt, %iota3A, %sign3A_13 : vector<1024x8xi32>
    %sign3A_15 = arith.extui %sign3A_14 : vector<1024x8xi1> to vector<1024x8xi32>
    %sign3A_16 = arith.subi %sign3A_11, %sign3A_15 : vector<1024x8xi32>
    %sign3A_17 = arith.constant 0 : i32
    %sign3A_18 = arith.cmpi sgt, %jit3A, %sign3A_17 : i32
    %sign3A_19 = arith.extui %sign3A_18 : i1 to i32
    %sign3A_20 = arith.constant 0 : i32
    %sign3A_21 = arith.cmpi slt, %jit3A, %sign3A_20 : i32
    %sign3A_22 = arith.extui %sign3A_21 : i1 to i32
    %sign3A_23 = arith.subi %sign3A_19, %sign3A_22 : i32
    %ne3A = vector.broadcast %sign3A_23 : i32 to vector<1024x8xi32>
    %ne3A_24 = arith.cmpi ne, %sign3A_16, %ne3A : vector<1024x8xi32>
    %rem3A = vector.broadcast %jit3A : i32 to vector<1024x8xi32>
    %rem3A_25 = arith.remsi %iota3A, %rem3A : vector<1024x8xi32>
    %ne3A_26 = arith.constant 0 : i32
    %ne3A_27 = vector.broadcast %ne3A_26 : i32 to vector<1024x8xi32>
    %ne3A_28 = arith.cmpi ne, %rem3A_25, %ne3A_27 : vector<1024x8xi32>
    %and3A = arith.andi %ne3A_24, %ne3A_28 : vector<1024x8xi1>
    %sub3A = arith.constant 1 : i32
    %sub3A_29 = vector.broadcast %sub3A : i32 to vector<1024x8xi32>
    %sub3A_30 = arith.subi %div3A_8, %sub3A_29 : vector<1024x8xi32>
    %select_n3A = arith.select %and3A, %sub3A_30, %div3A_8 : vector<1024x8xi1>, vector<1024x8xi32>
    %iota3A_31 = tpu.iota {dimensions = array<i32: 1>} : vector<1024x8xi32>
    %eq3A = arith.cmpi eq, %select_n3A, %iota3A_31 : vector<1024x8xi32>
    %convert_element_type3A = arith.extui %eq3A : vector<1024x8xi1> to vector<1024x8xi32>
    %convert_element_type3A_32 = arith.sitofp %convert_element_type3A : vector<1024x8xi32> to vector<1024x8xf32>
    %dot_general3A = arith.constant dense<0.000000e+00> : vector<1024x128xf32>
    %dot_general3A_33 = tpu.matmul %convert_element_type3A_32, %rsqrt3A, %dot_general3A {dimension_numbers = #tpu.dot_dimension_numbers<[1], [0], [0], [1], [0, 0, 1, 1], [], []>, transpose_lhs_hint = false} : vector<1024x8xf32>, vector<8x128xf32>, vector<1024x128xf32> -> vector<1024x128xf32>
    %iota3A_34 = tpu.iota {dimensions = array<i32: 0>} : vector<1024x128xi32>
    %jit3A_35 = arith.constant 128 : i32
    %eq3A_36 = arith.constant 0 : i32
    %eq3A_37 = arith.cmpi eq, %jit3A_35, %eq3A_36 : i32
    %jit3A_38 = arith.constant 1 : i32
    %select_n3A_39 = arith.select %eq3A_37, %jit3A_38, %jit3A_35 : i32
    %rem3A_40 = vector.broadcast %select_n3A_39 : i32 to vector<1024x128xi32>
    %rem3A_41 = arith.remsi %iota3A_34, %rem3A_40 : vector<1024x128xi32>
    %ne3A_42 = arith.constant 0 : i32
    %ne3A_43 = vector.broadcast %ne3A_42 : i32 to vector<1024x128xi32>
    %ne3A_44 = arith.cmpi ne, %rem3A_41, %ne3A_43 : vector<1024x128xi32>
    %lt3A = arith.constant 0 : i32
    %lt3A_45 = vector.broadcast %lt3A : i32 to vector<1024x128xi32>
    %lt3A_46 = arith.cmpi slt, %rem3A_41, %lt3A_45 : vector<1024x128xi32>
    %lt3A_47 = arith.constant 0 : i32
    %lt3A_48 = arith.cmpi slt, %select_n3A_39, %lt3A_47 : i32
    %ne3A_49 = vector.broadcast %lt3A_48 : i1 to vector<1024x128xi1>
    %ne3A_50 = vector.broadcast %ne3A_49 : vector<1024x128xi1> to vector<1024x128xi1>
    %ne3A_51 = arith.xori %lt3A_46, %ne3A_50 : vector<1024x128xi1>
    %and3A_52 = arith.andi %ne3A_51, %ne3A_44 : vector<1024x128xi1>
    %add3A_53 = vector.broadcast %select_n3A_39 : i32 to vector<1024x128xi32>
    %add3A_54 = arith.addi %rem3A_41, %add3A_53 : vector<1024x128xi32>
    %select_n3A_55 = arith.select %and3A_52, %add3A_54, %rem3A_41 : vector<1024x128xi1>, vector<1024x128xi32>
    %iota3A_56 = tpu.iota {dimensions = array<i32: 1>} : vector<1024x128xi32>
    %eq3A_57 = arith.cmpi eq, %select_n3A_55, %iota3A_56 : vector<1024x128xi32>
    %convert_element_type3A_58 = arith.extui %eq3A_57 : vector<1024x128xi1> to vector<1024x128xi32>
    %convert_element_type3A_59 = arith.sitofp %convert_element_type3A_58 : vector<1024x128xi32> to vector<1024x128xf32>
    %mul3A = arith.mulf %dot_general3A_33, %convert_element_type3A_59 : vector<1024x128xf32>
    %reduce_sum3A = arith.constant dense<0.000000e+00> : vector<1024xf32>
    %reduce_sum3A_60 = vector.multi_reduction <add>, %mul3A, %reduce_sum3A [1] : vector<1024x128xf32> to vector<1024xf32>
    %broadcast_in_dim3A = vector.shape_cast %reduce_sum3A_60 : vector<1024xf32> to vector<1024x1xf32>
    %get3A_61 = arith.constant 0 : index
    %get3A_62 = arith.constant 0 : index
    %get3A_63 = arith.constant 0 : index
    %get3A_64 = vector.load %arg1[%get3A_61, %get3A_62, %get3A_63] : memref<2x1024x128xf32, #tpu.memory_space<vmem>>, vector<1x1024x128xf32>
    %get3A_65 = vector.shape_cast %get3A_64 : vector<1x1024x128xf32> to vector<1024x128xf32>
    %get3A_66 = arith.constant 1 : index
    %get3A_67 = arith.constant 0 : index
    %get3A_68 = arith.constant 0 : index
    %get3A_69 = vector.load %arg1[%get3A_66, %get3A_67, %get3A_68] : memref<2x1024x128xf32, #tpu.memory_space<vmem>>, vector<1x1024x128xf32>
    %get3A_70 = vector.shape_cast %get3A_69 : vector<1x1024x128xf32> to vector<1024x128xf32>
    %add3A_71 = arith.addf %get3A_65, %get3A_70 : vector<1024x128xf32>
    %get3A_72 = arith.constant 0 : index
    %get3A_73 = arith.constant 0 : index
    %get3A_74 = vector.load %arg2[%get3A_72, %get3A_73] : memref<1024x128xf32, #tpu.memory_space<vmem>>, vector<1024x128xf32>
    %add3A_75 = arith.addf %add3A_71, %get3A_74 : vector<1024x128xf32>
    %mul3A_76 = vector.broadcast %broadcast_in_dim3A : vector<1024x1xf32> to vector<1024x128xf32>
    %mul3A_77 = arith.mulf %add3A_75, %mul3A_76 : vector<1024x128xf32>
    %get3A_78 = arith.constant 0 : index
    %get3A_79 = arith.constant 0 : index
    %get3A_80 = vector.load %arg4[%get3A_78, %get3A_79] : memref<1x128xf32, #tpu.memory_space<vmem>>, vector<1x128xf32>
    %add3A_81 = vector.broadcast %get3A_80 : vector<1x128xf32> to vector<1024x128xf32>
    %add3A_82 = arith.addf %mul3A_77, %add3A_81 : vector<1024x128xf32>
    %swap3A = arith.constant 0 : index
    %swap3A_83 = arith.constant 0 : index
    %swap3A_84 = vector.load %arg5[%swap3A, %swap3A_83] : memref<1024x128xf32, #tpu.memory_space<vmem>>, vector<1024x128xf32>
    tpu.vector_store %arg5[%swap3A, %swap3A_83], %add3A_82 {strides = array<i32>} : memref<1024x128xf32, #tpu.memory_space<vmem>>, vector<1024x128xf32>,
    return
  }
  func.func @transform_0(%arg0: i32) -> (i32, i32, i32) {
    %c0_i32 = arith.constant 0 : i32
    %c0_i32_0 = arith.constant 0 : i32
    %c0_i32_1 = arith.constant 0 : i32
    return %c0_i32, %arg0, %c0_i32_0 : i32, i32, i32
  }
  func.func @transform_1(%arg0: i32) -> (i32, i32) {
    %c0_i32 = arith.constant 0 : i32
    %c0_i32_0 = arith.constant 0 : i32
    return %arg0, %c0_i32 : i32, i32
  }
  func.func @transform_2(%arg0: i32) -> (i32, i32, i32) {
    %c0_i32 = arith.constant 0 : i32
    %c0_i32_0 = arith.constant 0 : i32
    %c0_i32_1 = arith.constant 0 : i32
    return %c0_i32, %arg0, %c0_i32_0 : i32, i32, i32
  }
  func.func @transform_3(%arg0: i32) -> (i32, i32) {
    %c0_i32 = arith.constant 0 : i32
    %c0_i32_0 = arith.constant 0 : i32
    %c0_i32_1 = arith.constant 0 : i32
    return %c0_i32, %c0_i32_0 : i32, i32
  }
  func.func @transform_4(%arg0: i32) -> (i32, i32) {
    %c0_i32 = arith.constant 0 : i32
    %c0_i32_0 = arith.constant 0 : i32
    return %arg0, %c0_i32 : i32, i32
  }
}

</mosaic_0001>

<sc_bundles>
// kernel: kernel.11.cloned.1.call-start
scs
__scs_entry_jumppad:
0x0: {  	(pc) =	sbr.rel $0x88, $3  }
0x1: {  	(tag) =	ssettag $0x0;
	lr =	simm.s32 $0x1  }
0x2: {  	[smem:$0x3F9B] =	sst lr;
	_ =	strace $0xD0000000  }
0x3: {  	_ = 	snop  }
0x4: {  	_ = 	snop  }
0x5: {  	_ = 	snop  }
0x6: {  	_ = 	snop  }
0x7: {  	_ = 	snop  }
__scs_overlays_trampoline_lowered:
0x8: {  	[smem:$0x3FAA] =	sst s0  }
0x9: {  	[smem:$0x3FAB] =	sst s1  }
0xa: {  	[smem:$0x3FAC] =	sst s2  }
0xb: {  	[smem:$0x3FAD] =	sst s3  }
0xc: {  	[smem:$0x3FAE] =	sst s4  }
0xd: {  	[smem:$0x3FAF] =	sst s5  }
0xe: {  	[smem:$0x3FB0] =	sst s6  }
0xf: {  	[smem:$0x3FB1] =	sst s7  }
0x10: {  	[smem:$0x3FB2] =	sst s8  }
0x11: {  	[smem:$0x3FB3] =	sst s9;
	s0 =	simm.s32 @!p0 $0x0  }
0x12: {  	s1 =	sld [smem:$0x3F99];
	s0 =	simm.s32 @p0 $0x1  }
0x13: {  	[smem:$0x3FB4] =	sst s0;
	s0 =	simm.s32 @!p1 $0x0  }
0x14: {  	s2 =	sld [smem:$0x3F98];
	s0 =	simm.s32 @p1 $0x1  }
0x15: {  	[smem:$0x3FB5] =	sst s0;
	s0 =	simm.s32 @!p2 $0x0  }
0x16: {  	s3 =	sld [smem:$0x3FDB];
	s0 =	simm.s32 @p2 $0x1  }
0x17: {  	s4 =	simm.s32 $0x1BF5;
	[smem:$0x3FB7] =	sst s0  }
0x18: {  	s0 =	sld [smem:$0x3F9A];
	_ =	swait.ge [sflag:s4], $0x0  }
0x19: {  	s7 =	sld [smem:$0x3F9B]  }
0x1a: {  	s8 =	sadd.s32 $0xFFFFE003, lr  }
0x1b: {  	s9 =	sadd.s32 $0xFFFFFEF7, lr;
	s5 =	simm.s32 $0xFFFFFFFF;
	p2 =	slt.u32 s8, $0xFFFFF086  }
0x1c: {  	p1 =	slt.u32 s9, $0xF7A;
	s5 =	simm.s32 @!p2 $0x0  }
0x1d: {  	s5 =	simm.s32 @p1 $0x1;
	p0 =	seq.s32 s7, s2  }
0x1e: {  	s7 =	smul.u32 @!p0 $0xF7A, s2;
	p2 =	seq.s32 @!p0 s5, $0x0  }
0x1f: {  	s9 =	smul.u32 $0xF7A, s1;
	s8 =	simm.s32 @!p0 $0x1BF5;
	p2 =	por !p2, p0  }
0x20: {  	[sflag:s8] =	ssyncset.s32 @!p0 $0xFFFFF086;
	s6 =	sadd.s32 @!p0 s3, s7;
	s7 =	simm.s32 @!p0 $0x108  }
0x21: {  	s3 =	sadd.s32 s3, s9;
	s6 =	sadd.s32 @!p0 $0x88, s6;
	s7 =	simm.s32 @p2 $0x1082  }
0x22: {  	[simem:s7], [sflag:s8] =	dma.local @!p0 [hbm:s6], $0xF7A  }
0x23: {  	s9 =	sor.u32 $0xD0000000, s2;
	s6 =	simm.s32 $0x108;
	_ =	swait.ge @!p0 [sflag:s8], $0x0  }
0x24: {  	s3 =	sadd.s32 $0x88, s3;
	s6 =	simm.s32 @!p1 $0x1082;
	[sflag:s4] =	ssyncset.s32 $0xFFFFF086  }
0x25: {  	[simem:s6], [sflag:s4] =	dma.local [hbm:s3], $0xF7A  }
0x26: {  	[smem:$0x3F9B] =	sst s1;
	(tag) =	ssettag s2;
	_ =	strace s9  }
0x27: {  	s1 =	sld [smem:$0x3FAB]  }
0x28: {  	s2 =	sld [smem:$0x3FAC]  }
0x29: {  	s4 =	sld [smem:$0x3FAE]  }
0x2a: {  	p0 =	seq.s32 s5, $0x0;
	s5 =	sld [smem:$0x3FAF]  }
0x2b: {  	s6 =	sld [smem:$0x3FB0]  }
0x2c: {  	s7 =	sld [smem:$0x3FB1]  }
0x2d: {  	s3 =	simm.s32 $0x108;
	s8 =	sld [smem:$0x3FB2]  }
0x2e: {  	s3 =	simm.s32 @!p0 $0x1082;
	s9 =	sld [smem:$0x3FB3]  }
0x2f: {  	lr =	sadd.s32 s0, s3;
	s0 =	sld [smem:$0x3FAA]  }
0x30: {  	s3 =	sld [smem:$0x3FAD]  }
0x31: {  	[smem:$0x3FB6] =	sst s10  }
0x32: {  	s10 =	sld [smem:$0x3FB4];
	_ =	sdelay $0x3  }
0x33: {  	p0 =	seq.s32 s10, $0x1;
	s10 =	sld [smem:$0x3FB6];
	_ =	sdelay $0x3  }
0x34: {  	[smem:$0x3FB6] =	sst s10  }
0x35: {  	s10 =	sld [smem:$0x3FB5];
	_ =	sdelay $0x3  }
0x36: {  	p1 =	seq.s32 s10, $0x1;
	s10 =	sld [smem:$0x3FB6];
	_ =	sdelay $0x3  }
0x37: {  	[smem:$0x3FB6] =	sst s10  }
0x38: {  	s10 =	sld [smem:$0x3FB7]  }
0x39: {  	_ = 	snop;
	(pc) =	sbr.ind lr, $3  }
0x3a: {  	_ = 	snop  }
0x3b: {  	_ = 	snop  }
0x3c: {  	p2 =	seq.s32 s10, $0x1;
	s10 =	sld [smem:$0x3FB6]  }
0x3d: {  	_ =	shalt  }
0x3e: {  	_ =	shalt  }
0x3f: {  	_ =	shalt  }
0x40: {  	_ =	shalt  }
0x41: {  	_ =	shalt  }
0x42: {  	_ =	shalt  }
0x43: {  	_ =	shalt  }
0x44: {  	_ =	shalt  }
0x45: {  	_ =	shalt  }
0x46: {  	_ =	shalt  }
0x47: {  	_ =	shalt  }
0x48: {  	_ =	shalt  }
0x49: {  	_ =	shalt  }
0x4a: {  	_ =	shalt  }
0x4b: {  	_ =	shalt  }
0x4c: {  	_ =	shalt  }
0x4d: {  	_ =	shalt  }
0x4e: {  	_ =	shalt  }
0x4f: {  	_ =	shalt  }
0x50: {  	_ =	shalt  }
0x51: {  	_ =	shalt  }
0x52: {  	_ =	shalt  }
0x53: {  	_ =	shalt  }
0x54: {  	_ =	shalt  }
0x55: {  	_ =	shalt  }
0x56: {  	_ =	shalt  }
0x57: {  	_ =	shalt  }
0x58: {  	_ =	shalt  }
0x59: {  	_ =	shalt  }
0x5a: {  	_ =	shalt  }
0x5b: {  	_ =	shalt  }
0x5c: {  	_ =	shalt  }
0x5d: {  	_ =	shalt  }
0x5e: {  	_ =	shalt  }
0x5f: {  	_ =	shalt  }
0x60: {  	_ =	shalt  }
0x61: {  	_ =	shalt  }
0x62: {  	_ =	shalt  }
0x63: {  	_ =	shalt  }
0x64: {  	_ =	shalt  }
0x65: {  	_ =	shalt  }
0x66: {  	_ =	shalt  }
0x67: {  	_ =	shalt  }
0x68: {  	_ =	shalt  }
0x69: {  	_ =	shalt  }
0x6a: {  	_ =	shalt  }
0x6b: {  	_ =	shalt  }
0x6c: {  	_ =	shalt  }
0x6d: {  	_ =	shalt  }
0x6e: {  	_ =	shalt  }
0x6f: {  	_ =	shalt  }
0x70: {  	_ =	shalt  }
0x71: {  	_ =	shalt  }
0x72: {  	_ =	shalt  }
0x73: {  	_ =	shalt  }
0x74: {  	_ =	shalt  }
0x75: {  	_ =	shalt  }
0x76: {  	_ =	shalt  }
0x77: {  	_ =	shalt  }
0x78: {  	_ =	shalt  }
0x79: {  	_ =	shalt  }
0x7a: {  	_ =	shalt  }
0x7b: {  	_ =	shalt  }
0x7c: {  	_ =	shalt  }
0x7d: {  	_ =	shalt  }
0x7e: {  	_ =	shalt  }
0x7f: {  	_ =	shalt  }
0x80: {  	_ =	shalt  }
0x81: {  	_ =	shalt  }
0x82: {  	_ =	shalt  }
0x83: {  	_ =	shalt  }
0x84: {  	_ =	shalt  }
0x85: {  	_ =	shalt  }
0x86: {  	_ =	shalt  }
0x87: {  	_ =	shalt  }
.Lfunc_end0:
.L_simem_size_0:
called_computation.1_lowered:
.L_overlay_start_0:
0x88: {  	s2 =	sld [smem:$0x3FD9]  }
0x89: {  	s3 =	sld [smem:$0x3FFE];
	_ =	sdelay $0x1  }
0x8a: {  	s1 =	srdreg.scid  }
0x8b: {  	s0 =	sand.u32 $0x1, s1  }
0x8c: {  	s17 =	sshll.u32 s0, $0xA;
	s2 =	sadd.s32 s3, s2  }
0x8d: {  	s2 =	sadd.s32 s2, s17  }
0x8e: {  	[smem:$0x3FC2] =	sst s2  }
0x8f: {  	_ = 	snop  }
0x90: {  	s2 =	sld [smem:$0x3FD0];
	(tm) =	ssettm $0x1  }
0x91: {  	s18 =	sld [smem:$0x3FFB];
	_ =	sdelay $0x3  }
0x92: {  	_ =	strace s18  }
0x93: {  	s3 =	sld [smem:$0x3FFC];
	_ =	sdelay $0x3  }
0x94: {  	_ =	strace s3  }
0x95: {  	s3 =	sld [smem:$0x3FFD];
	_ =	sdelay $0x3  }
0x96: {  	_ =	strace s3  }
0x97: {  	_ =	strace $0x8FFFFFFF  }
0x98: {  	s19 =	sld [smem:$0x3FDB];
	_ =	sdelay $0x1  }
0x99: {  	s4 =	simm.s32 $_scs_section_size  }
0x9a: {  	s5 =	simm.s32 $_size__tile_overlayer_lowered;
	s6 =	simm.s32 $_tile_overlayer_lowered  }
0x9b: {  	s22 =	simm.s32 $0x1BFF;
	s21 =	sshll.u32 s6, $0x1;
	s3 =	sadd.s32 s4, s19  }
0x9c: {  	s7 =	simm.s32 $0x0;
	s20 =	sshll.u32 s5, $0x1;
	s5 =	sadd.s32 s21, s3  }
0x9d: {  	[timem:s7], [sflag:s22] =	dma.local [hbm:s5], s20  }
0x9e: {  	_ =	swait.ge [sflag:s22], s20  }
0x9f: {  	s4 =	ssub.s32 $0x0, s20;
	[sflag:s22] =	ssyncset.done $0x0  }
0xa0: {  	[sflag:s22] =	ssyncadd.s32 s4;
	_ =	sdelay $0x1  }
0xa1: {  	s23 =	simm.s32 $0x1B8B  }
0xa2: {  	_ =	swait.ge [sflag:s23], $0x1  }
0xa3: {  	[sflag:s23] =	ssyncset.done $0x0  }
0xa4: {  	s25 =	simm.s32 $0x1B8E;
	s24 =	sld [smem:$0x3FFE];
	[sflag:s23] =	ssyncadd.s32 $0xFFFFFFFF  }
0xa5: {  	s26 =	simm.s32 $execute0_lowered;
	[smem:$0x3FD2] =	sst s25  }
0xa6: {  	s5 =	sshll.u32 s26, $0x1;
	_ =	strace $0x80000049;
	[dreg:$0x1] =	wrdreg $0xFFFFFFFF  }
0xa7: {  	s28 =	simm.s32 $_size_execute0_lowered;
	s3 =	sadd.s32 s3, s5;
	[dreg:$0x0] =	wrdreg $0x0  }
0xa8: {  	s5 =	sshll.u32 s28, $0x1;
	[dreg:$0x2] =	wrdreg s3  }
0xa9: {  	[dreg:$0x3] =	wrdreg s5  }
0xaa: {  	[dreg:$0x4] =	wrdreg $0xC0  }
0xab: {  	_ =	task [dreg:s7], $0x5FFFF  }
0xac: {  	[dreg:$0x1] =	wrdreg $0xFFFFFFFF  }
0xad: {  	[dreg:$0x0] =	wrdreg $0x60  }
0xae: {  	[dreg:$0x2] =	wrdreg s24  }
0xaf: {  	[dreg:$0x3] =	wrdreg s2  }
0xb0: {  	[dreg:$0x4] =	wrdreg $0x0  }
0xb1: {  	[dreg:$0x5] =	wrdreg $0x9  }
0xb2: {  	_ =	task.clear_ibuf [dreg:s7], $0x6FFFF;
	_ =	strace $0x90000049  }
0xb3: {  	s29 =	simm.s32 $0x9;
	_ =	strace $0x8000004B  }
0xb4: {  	_ =	swait.ge [sflag:s29], $0x1  }
0xb5: {  	[sflag:s29] =	ssyncadd.s32 $0xFFFFFFFF  }
0xb6: {  	_ =	strace $0x9000004B  }
0xb7: {  	_ =	sfence  }
0xb8: {  	s30 =	sld [smem:$0x0];
	_ =	sdelay $0x2  }
0xb9: {  	s31 =	sshll.u32 s1, $0xD;
	s1 =	sshrl.u32 s1, $0x2  }
0xba: {  	s3 =	sand.u32 $0x4000, s31;
	s1 =	sadd.s32 s1, s30  }
0xbb: {  	s0 =	sor.u32 s3, s0;
	s1 =	sshll.u32 s1, $0x11  }
0xbc: {  	s0 =	sor.u32 s1, s0  }
0xbd: {  	s0 =	sadd.s32 $0x8F2B, s0  }
0xbe: {  	[sflag:s0] =	ssyncadd.remote.s32 $0x1  }
0xbf: {  	_ =	sfence.sel $0xFFFF  }
0xc0: {  	[dreg:$0x0] =	wrdreg $0xFFFFFFFF;
	(pc) =	sbr.abs _section_cstart, $3  }
0xc1: {  	[dreg:$0x1] =	wrdreg $0xFFFFFFFF  }
0xc2: {  	_ =	task.clear_ibuf [dreg:s7], $0x2FFFF;
	_ =	strace $0x9FFFFFFF  }
0xc3: {  	(tm) =	ssettm $0x7FFFFFFF  }
tec
execute0_lowered:
.L_overlay_start_1:
0x0: {  	(tag) =	ssettag $0x1  }
0x1: {  	s6 =	rddreg [dreg:$0x0]  }
0x2: {  	s1 =	rddreg [dreg:$0x1];
	s0 =	srdreg.scid  }
0x3: {  	s2 =	rddreg [dreg:$0x2];
	s25 =	stileid.u32  }
0x4: {  	s29 =	simm.s32 $0x0;
	s16 =	simm.s32 $0x14000;
	s17 =	simm.s32 $0x3  }
0x5: {  	s19 =	simm.s32 $0x7D;
	s20 =	simm.s32 $0x16000;
	s21 =	simm.s32 $0x1A000  }
0x6: {  	s23 =	simm.s32 $0x1;
	s24 =	simm.s32 $0x2;
	s7 =	sand.u32 $0x1, s0  }
0x7: {  	[smem:$0x7FF] =	sst s29;
	s5 =	sadd.s32 $0x2800, s6;
	s9 =	smul.u32 $0x50000, s25  }
0x8: {  	p0 =	sne.s32 s25, $0x0;
	s4 =	sshll.u32 s7, $0x4;
	s8 =	smul.u32 $0x28000, s7  }
0x9: {  	_ =	strace $0x8000004A;
	s7 =	ssub.s32 $0x2, s7;
	s4 =	sor.u32 s25, s4  }
0xa: {  	s31 =	sshrl.u32 s7, $0x1;
	s9 =	sshrl.u32 s9, $0x2;
	s4 =	smul.u32 $0x2800, s4  }
.Ltmp0:
0xb: {  	s14 =	sadd.s32 s8, s6;
	s8 =	sadd.s32 s9, s2;
	(pc) =	sbr.rel .LBB2_1-.Ltmp0, $4  }
0xc: {  	s25 =	simm.s32 $0x0;
	s15 =	ssub.s32 s7, s31;
	s9 =	sadd.s32 $0x3E80, s8  }
0xd: {  	s10 =	sadd.s32 $0x7D00, s8;
	s11 =	sadd.s32 $0xBB80, s8;
	s30 =	sshrl.u32 s4, $0x3  }
0xe: {  	s12 =	sadd.s32 $0xFA00, s8;
	s13 =	sadd.s32 $0x13880, s8;
	s6 =	sadd.s32 s1, s30  }
0xf: {  	v0 =	vimm.f32 $0.0e+00;
	s14 =	sadd.s32 $0x2A800, s14;
	s15 =	smax.u32 s15, $0x1;
	s7 =	sadd.s32 $0xA000, s6  }
.LBB2_6:
0x10: {  	[bflag:$0x0] =	sbarrier.arrive $0xFFFF  }
0x11: {  	s0 =	sshrl.u32 @!p0 s2, $0x3;
	s3 =	simm.s32 @!p0 $0x1C03;
	s25 =	sadd.s32 $0x1, s25  }
0x12: {  	[hbm:s14], [sflag:s3] =	dma.local @!p0 [spmem:s0], $0x28000  }
0x13: {  	p1 =	sne.s32 s25, s15  }
.Ltmp1:
0x14: {  	_ = 	snop;
	(pc) =	sbr.rel @!p1 .LBB2_7-.Ltmp1, $4  }
0x15: {  	s0 =	simm.s32 @!p0 $0x3  }
0x16: {  	_ =	swait.ge @!p0 [sflag:s0], $0x28000  }
0x17: {  	[sflag:s0] =	ssyncset.done @!p0 $0x0  }
0x18: {  	[sflag:s0] =	ssyncadd.s32 @!p0 $0xFFFD8000  }
.LBB2_1:
0x19: {  	s0 =	simm.s32 $0x0  }
0x1a: {  	[tilespmem:s16], [sflag:$0x3] =	stream.linear.gather [hbm4b:s6+s0], $0x800, $0x38;
	[tilespmem:$0x1E000] =	vst v63  }
0x1b: {  	_ =	swait.ge [sflag:s17], $0x800  }
0x1c: {  	[sflag:s17] =	ssyncset.done $0x0  }
0x1d: {  	s3 =	simm.s32 $0x15000;
	[sflag:s17] =	ssyncadd.s32 $0xFFFFF800  }
0x1e: {  	[tilespmem:s3], [sflag:$0x3] =	stream.linear.gather [hbm4b:s7+s0], $0x800, $0x38;
	[tilespmem:$0x1E000] =	vst v63  }
0x1f: {  	_ =	swait.ge [sflag:s17], $0x800  }
0x20: {  	[sflag:s17] =	ssyncset.done $0x0  }
0x21: {  	s26 =	simm.s32 $0x0;
	s28 =	simm.s32 $0x200;
	[sflag:s17] =	ssyncadd.s32 $0xFFFFF800  }
0x22: {  	[tilespmem:s20], [sflag:$0x1] =	stream.indirect.gather [hbm4b:s5+s19], $0x80, s16, s19, $0xb8;
	[tilespmem:$0x1E000] =	vst v63  }
.LBB2_2:
0x23: {  	p1 =	sne.s32 s28, $0xF800;
	[tilespmem:s26+$0x1A070] =	vst v0  }
0x24: {  	[tilespmem:s26+$0x1A000] =	vst v0  }
0x25: {  	[tilespmem:s26+$0x1A010] =	vst v0  }
.Ltmp2:
0x26: {  	[tilespmem:s26+$0x1A020] =	vst v0;
	(pc) =	sbr.rel @p1 .LBB2_2-.Ltmp2, $4  }
0x27: {  	[tilespmem:s26+$0x1A030] =	vst v0  }
0x28: {  	[tilespmem:s26+$0x1A040] =	vst v0  }
0x29: {  	[tilespmem:s26+$0x1A050] =	vst v0  }
0x2a: {  	[tilespmem:s26+$0x1A060] =	vst v0;
	s26 =	sshra.s32 s28, $0x2;
	s28 =	sadd.s32 $0x200, s28  }
0x2b: {  	[tilespmem:s26+$0x1A070] =	vst v0  }
0x2c: {  	[tilespmem:s26+$0x1A000] =	vst v0  }
0x2d: {  	[tilespmem:s26+$0x1A010] =	vst v0  }
0x2e: {  	[tilespmem:s26+$0x1A020] =	vst v0  }
0x2f: {  	[tilespmem:s26+$0x1A030] =	vst v0  }
0x30: {  	[tilespmem:s26+$0x1A040] =	vst v0  }
0x31: {  	[tilespmem:s26+$0x1A050] =	vst v0  }
0x32: {  	[tilespmem:s26+$0x1A060] =	vst v0  }
0x33: {  	[spmem:s8] =	stream.linear.scatter [tilespmem:s21], [sflag:$0x3], $0x3E80, $0x38;
	[tilespmem:$0x1E000] =	vst v63  }
0x34: {  	_ =	swait.ge [sflag:s17], $0x3E80  }
0x35: {  	[sflag:s17] =	ssyncset.done $0x0  }
0x36: {  	[sflag:s17] =	ssyncadd.s32 $0xFFFFC180  }
0x37: {  	[spmem:s9] =	stream.linear.scatter [tilespmem:s21], [sflag:$0x3], $0x3E80, $0x38;
	[tilespmem:$0x1E000] =	vst v63  }
0x38: {  	_ =	swait.ge [sflag:s17], $0x3E80  }
0x39: {  	[sflag:s17] =	ssyncset.done $0x0  }
0x3a: {  	[sflag:s17] =	ssyncadd.s32 $0xFFFFC180  }
0x3b: {  	[spmem:s10] =	stream.linear.scatter [tilespmem:s21], [sflag:$0x3], $0x3E80, $0x38;
	[tilespmem:$0x1E000] =	vst v63  }
0x3c: {  	_ =	swait.ge [sflag:s17], $0x3E80  }
0x3d: {  	[sflag:s17] =	ssyncset.done $0x0  }
0x3e: {  	[sflag:s17] =	ssyncadd.s32 $0xFFFFC180  }
0x3f: {  	[spmem:s11] =	stream.linear.scatter [tilespmem:s21], [sflag:$0x3], $0x3E80, $0x38;
	[tilespmem:$0x1E000] =	vst v63  }
0x40: {  	_ =	swait.ge [sflag:s17], $0x3E80  }
0x41: {  	[sflag:s17] =	ssyncset.done $0x0  }
0x42: {  	[sflag:s17] =	ssyncadd.s32 $0xFFFFC180  }
0x43: {  	[spmem:s12] =	stream.linear.scatter [tilespmem:s21], [sflag:$0x3], $0x3E80, $0x38;
	[tilespmem:$0x1E000] =	vst v63  }
0x44: {  	_ =	swait.ge [sflag:s17], $0x3E80  }
0x45: {  	[sflag:s17] =	ssyncset.done $0x0  }
0x46: {  	[sflag:s17] =	ssyncadd.s32 $0xFFFFC180  }
0x47: {  	[spmem:s13] =	stream.linear.scatter [tilespmem:s21], [sflag:$0x3], $0x780, $0x38;
	[tilespmem:$0x1E000] =	vst v63  }
0x48: {  	_ =	swait.ge [sflag:s17], $0x780  }
0x49: {  	[sflag:s17] =	ssyncset.done $0x0  }
0x4a: {  	s0 =	simm.s32 $0x14080;
	s26 =	simm.s32 $0x100;
	[sflag:s17] =	ssyncadd.s32 $0xFFFFF880  }
0x4b: {  	[tilespmem:s21], [sflag:$0x2] =	stream.indirect.gather [hbm4b:s5+s19], $0x80, s0, s19, $0xb8;
	[tilespmem:$0x1E000] =	vst v63  }
0x4c: {  	s28 =	simm.s32 $0x0;
	s29 =	simm.s32 $0x0;
	[bflag:$0x0] =	sbarrier.arrive $0xFFFF  }
.LBB2_4:
0x4d: {  	s31 =	sand.u32 $0xE, s28;
	p1 =	sgt.u32 s29, $0x1F  }
0x4e: {  	p2 =	sne.s32 @!p1 s31, $0x0  }
0x4f: {  	s30 =	sadd.s32 $0xFFFFFF00, s26;
	p1 =	por p2, p1  }
0x50: {  	s0 =	sand.u32 @!p1 $0x1800, s30  }
0x51: {  	s0 =	sadd.s32 @!p1 $0x800, s0  }
0x52: {  	s18 =	sadd.s32 @!p1 s4, s0  }
0x53: {  	s0 =	sand.u32 @!p1 $0x800, s0;
	s18 =	sshrl.u32 @!p1 s18, $0x3  }
0x54: {  	s3 =	simm.s32 @!p1 $0x0;
	s22 =	sor.u32 @!p1 $0x14000, s0;
	s18 =	sadd.s32 @!p1 s1, s18  }
0x55: {  	[tilespmem:s22], [sflag:$0x3] =	stream.linear.gather @!p1 [hbm4b:s18+s3], $0x800, $0x38;
	[tilespmem:$0x1E000] =	vst v63  }
0x56: {  	s22 =	simm.s32 @!p1 $0x3  }
0x57: {  	_ =	swait.ge @!p1 [sflag:s22], $0x800  }
0x58: {  	[sflag:s22] =	ssyncset.done @!p1 $0x0  }
0x59: {  	s0 =	sor.u32 @!p1 $0x15000, s0;
	s18 =	sadd.s32 @!p1 $0xA000, s18;
	[sflag:s22] =	ssyncadd.s32 @!p1 $0xFFFFF800  }
0x5a: {  	[tilespmem:s0], [sflag:$0x3] =	stream.linear.gather @!p1 [hbm4b:s18+s3], $0x800, $0x38;
	[tilespmem:$0x1E000] =	vst v63  }
0x5b: {  	_ =	swait.ge @!p1 [sflag:s22], $0x800  }
0x5c: {  	[sflag:s22] =	ssyncset.done @!p1 $0x0  }
0x5d: {  	[sflag:s22] =	ssyncadd.s32 @!p1 $0xFFFFF800  }
0x5e: {  	s18 =	sand.u32 $0x800, s30;
	s22 =	sshll.u32 s31, $0x7;
	_ =	swait.ge [sflag:s23], $0x3E80  }
0x5f: {  	s0 =	sor.u32 s22, s18;
	[sflag:s23] =	ssyncset.done $0x0  }
0x60: {  	s0 =	sor.u32 $0x15000, s0;
	[sflag:s23] =	ssyncadd.s32 $0xFFFFC180  }
0x61: {  	[spmem:s2] =	stream.indirect.scatter.add.f32 [tilespmem:s20], [sflag:$0x3], $0x80, s0, s19, $0xb8;
	[tilespmem:$0x1E000] =	vst v63  }
0x62: {  	p1 =	seq.s32 s29, $0x27;
	_ =	swait.ge [sflag:s17], $0x3E80  }
0x63: {  	s3 =	simm.s32 @!p1 $0x7D;
	s0 =	sand.u32 @!p1 $0xF00, s26;
	[sflag:s17] =	ssyncset.done $0x0  }
0x64: {  	s18 =	simm.s32 @!p1 $0x16000;
	s0 =	sor.u32 @!p1 $0x14000, s0;
	[sflag:s17] =	ssyncadd.s32 $0xFFFFC180  }
0x65: {  	[tilespmem:s18], [sflag:$0x1] =	stream.indirect.gather @!p1 [hbm4b:s5+s3], $0x80, s0, s3, $0xb8;
	[tilespmem:$0x1E000] =	vst v63  }
0x66: {  	s30 =	simm.s32 @p1 $0x2700;
	_ =	swait.ge [sflag:s24], $0x3E80  }
0x67: {  	s31 =	sand.u32 $0xF00, s30;
	[sflag:s24] =	ssyncset.done $0x0  }
.Ltmp3:
0x68: {  	s0 =	sor.u32 $0x15080, s31;
	[sflag:s24] =	ssyncadd.s32 $0xFFFFC180;
	(pc) =	sbr.rel @p1 .LBB2_6-.Ltmp3, $4  }
0x69: {  	[spmem:s2] =	stream.indirect.scatter.add.f32 [tilespmem:s21], [sflag:$0x3], $0x80, s0, s19, $0xb8;
	[tilespmem:$0x1E000] =	vst v63  }
0x6a: {  	_ =	swait.ge [sflag:s17], $0x3E80  }
0x6b: {  	[sflag:s17] =	ssyncset.done $0x0  }
0x6c: {  	[sflag:s17] =	ssyncadd.s32 $0xFFFFC180  }
.Ltmp4:
0x6d: {  	(pc) =	sbr.rel .LBB2_4-.Ltmp4, $4  }
0x6e: {  	s0 =	sadd.s32 $0x180, s30  }
0x6f: {  	s29 =	sadd.s32 $0x1, s29;
	s0 =	sand.u32 $0xF80, s0  }
0x70: {  	s26 =	sadd.s32 $0x100, s26;
	s28 =	sadd.s32 $0x2, s28;
	s0 =	sor.u32 $0x14000, s0  }
0x71: {  	[tilespmem:s21], [sflag:$0x2] =	stream.indirect.gather [hbm4b:s5+s19], $0x80, s0, s19, $0xb8;
	[tilespmem:$0x1E000] =	vst v63  }
.LBB2_7:
0x72: {  	_ =	sfence.sel $0x180000  }
0x73: {  	[bflag:$0x0] =	sbarrier.arrive $0xFFFF  }
0x74: {  	_ =	strace $0x9000004A  }
0x75: {  	[bflag:$0x2] =	sbarrier.arrive $0xFFFF  }
0x76: {  	s0 =	rddreg [dreg:$0x3]  }
0x77: {  	s0 =	sadd.s32 @!p0 $0x100000, s0  }
0x78: {  	[sflag:s0] =	ssyncadd.tile.s32 @!p0 $0x1;
	_ =	shalt  }
.Lfunc_end2:
_tile_overlayer_lowered:
.L_overlay_start_2:
0x79: {  	(tag) =	ssettag $0x2  }
0x7a: {  	s0 =	rddreg [dreg:$0x0];
	s2 =	stileid.u32  }
0x7b: {  	s1 =	rddreg [dreg:$0x1];
	p0 =	sne.s32 s2, $0x0  }
0x7c: {  	s3 =	rddreg [dreg:$0x2];
	[bflag:$0x3] =	sbarrier.arrive $0xFFFF;
	s2 =	simm.s32 @!p0 $0x1C03  }
0x7d: {  	[timem:s3], [sflag:s2] =	dma.local @!p0 [hbm:s0], s1  }
0x7e: {  	s0 =	simm.s32 @!p0 $0x3  }
0x7f: {  	_ =	swait.ge @!p0 [sflag:s0], s1  }
0x80: {  	s1 =	ssub.s32 @!p0 $0x0, s1;
	[sflag:s0] =	ssyncset.done @!p0 $0x0  }
0x81: {  	[sflag:s0] =	ssyncadd.s32 @!p0 s1  }
0x82: {  	[bflag:$0x3] =	sbarrier.arrive $0xFFFF  }
0x83: {  	_ =	shalt  }

// kernel: kernel.14.cloned.1.call-start
scs
__scs_entry_jumppad:
0x0: {  	(pc) =	sbr.rel $0x88, $3  }
0x1: {  	(tag) =	ssettag $0x0;
	lr =	simm.s32 $0x1  }
0x2: {  	[smem:$0x3F9B] =	sst lr;
	_ =	strace $0xD0000000  }
0x3: {  	_ = 	snop  }
0x4: {  	_ = 	snop  }
0x5: {  	_ = 	snop  }
0x6: {  	_ = 	snop  }
0x7: {  	_ = 	snop  }
__scs_overlays_trampoline_lowered:
0x8: {  	[smem:$0x3FAA] =	sst s0  }
0x9: {  	[smem:$0x3FAB] =	sst s1  }
0xa: {  	[smem:$0x3FAC] =	sst s2  }
0xb: {  	[smem:$0x3FAD] =	sst s3  }
0xc: {  	[smem:$0x3FAE] =	sst s4  }
0xd: {  	[smem:$0x3FAF] =	sst s5  }
0xe: {  	[smem:$0x3FB0] =	sst s6  }
0xf: {  	[smem:$0x3FB1] =	sst s7  }
0x10: {  	[smem:$0x3FB2] =	sst s8  }
0x11: {  	[smem:$0x3FB3] =	sst s9;
	s0 =	simm.s32 @!p0 $0x0  }
0x12: {  	s1 =	sld [smem:$0x3F99];
	s0 =	simm.s32 @p0 $0x1  }
0x13: {  	[smem:$0x3FB4] =	sst s0;
	s0 =	simm.s32 @!p1 $0x0  }
0x14: {  	s2 =	sld [smem:$0x3F98];
	s0 =	simm.s32 @p1 $0x1  }
0x15: {  	[smem:$0x3FB5] =	sst s0;
	s0 =	simm.s32 @!p2 $0x0  }
0x16: {  	s3 =	sld [smem:$0x3FDB];
	s0 =	simm.s32 @p2 $0x1  }
0x17: {  	s4 =	simm.s32 $0x1BF5;
	[smem:$0x3FB7] =	sst s0  }
0x18: {  	s0 =	sld [smem:$0x3F9A];
	_ =	swait.ge [sflag:s4], $0x0  }
0x19: {  	s7 =	sld [smem:$0x3F9B]  }
0x1a: {  	s8 =	sadd.s32 $0xFFFFE003, lr  }
0x1b: {  	s9 =	sadd.s32 $0xFFFFFEF7, lr;
	s5 =	simm.s32 $0xFFFFFFFF;
	p2 =	slt.u32 s8, $0xFFFFF086  }
0x1c: {  	p1 =	slt.u32 s9, $0xF7A;
	s5 =	simm.s32 @!p2 $0x0  }
0x1d: {  	s5 =	simm.s32 @p1 $0x1;
	p0 =	seq.s32 s7, s2  }
0x1e: {  	s7 =	smul.u32 @!p0 $0xF7A, s2;
	p2 =	seq.s32 @!p0 s5, $0x0  }
0x1f: {  	s9 =	smul.u32 $0xF7A, s1;
	s8 =	simm.s32 @!p0 $0x1BF5;
	p2 =	por !p2, p0  }
0x20: {  	[sflag:s8] =	ssyncset.s32 @!p0 $0xFFFFF086;
	s6 =	sadd.s32 @!p0 s3, s7;
	s7 =	simm.s32 @!p0 $0x108  }
0x21: {  	s3 =	sadd.s32 s3, s9;
	s6 =	sadd.s32 @!p0 $0x88, s6;
	s7 =	simm.s32 @p2 $0x1082  }
0x22: {  	[simem:s7], [sflag:s8] =	dma.local @!p0 [hbm:s6], $0xF7A  }
0x23: {  	s9 =	sor.u32 $0xD0000000, s2;
	s6 =	simm.s32 $0x108;
	_ =	swait.ge @!p0 [sflag:s8], $0x0  }
0x24: {  	s3 =	sadd.s32 $0x88, s3;
	s6 =	simm.s32 @!p1 $0x1082;
	[sflag:s4] =	ssyncset.s32 $0xFFFFF086  }
0x25: {  	[simem:s6], [sflag:s4] =	dma.local [hbm:s3], $0xF7A  }
0x26: {  	[smem:$0x3F9B] =	sst s1;
	(tag) =	ssettag s2;
	_ =	strace s9  }
0x27: {  	s1 =	sld [smem:$0x3FAB]  }
0x28: {  	s2 =	sld [smem:$0x3FAC]  }
0x29: {  	s4 =	sld [smem:$0x3FAE]  }
0x2a: {  	p0 =	seq.s32 s5, $0x0;
	s5 =	sld [smem:$0x3FAF]  }
0x2b: {  	s6 =	sld [smem:$0x3FB0]  }
0x2c: {  	s7 =	sld [smem:$0x3FB1]  }
0x2d: {  	s3 =	simm.s32 $0x108;
	s8 =	sld [smem:$0x3FB2]  }
0x2e: {  	s3 =	simm.s32 @!p0 $0x1082;
	s9 =	sld [smem:$0x3FB3]  }
0x2f: {  	lr =	sadd.s32 s0, s3;
	s0 =	sld [smem:$0x3FAA]  }
0x30: {  	s3 =	sld [smem:$0x3FAD]  }
0x31: {  	[smem:$0x3FB6] =	sst s10  }
0x32: {  	s10 =	sld [smem:$0x3FB4];
	_ =	sdelay $0x3  }
0x33: {  	p0 =	seq.s32 s10, $0x1;
	s10 =	sld [smem:$0x3FB6];
	_ =	sdelay $0x3  }
0x34: {  	[smem:$0x3FB6] =	sst s10  }
0x35: {  	s10 =	sld [smem:$0x3FB5];
	_ =	sdelay $0x3  }
0x36: {  	p1 =	seq.s32 s10, $0x1;
	s10 =	sld [smem:$0x3FB6];
	_ =	sdelay $0x3  }
0x37: {  	[smem:$0x3FB6] =	sst s10  }
0x38: {  	s10 =	sld [smem:$0x3FB7]  }
0x39: {  	_ = 	snop;
	(pc) =	sbr.ind lr, $3  }
0x3a: {  	_ = 	snop  }
0x3b: {  	_ = 	snop  }
0x3c: {  	p2 =	seq.s32 s10, $0x1;
	s10 =	sld [smem:$0x3FB6]  }
0x3d: {  	_ =	shalt  }
0x3e: {  	_ =	shalt  }
0x3f: {  	_ =	shalt  }
0x40: {  	_ =	shalt  }
0x41: {  	_ =	shalt  }
0x42: {  	_ =	shalt  }
0x43: {  	_ =	shalt  }
0x44: {  	_ =	shalt  }
0x45: {  	_ =	shalt  }
0x46: {  	_ =	shalt  }
0x47: {  	_ =	shalt  }
0x48: {  	_ =	shalt  }
0x49: {  	_ =	shalt  }
0x4a: {  	_ =	shalt  }
0x4b: {  	_ =	shalt  }
0x4c: {  	_ =	shalt  }
0x4d: {  	_ =	shalt  }
0x4e: {  	_ =	shalt  }
0x4f: {  	_ =	shalt  }
0x50: {  	_ =	shalt  }
0x51: {  	_ =	shalt  }
0x52: {  	_ =	shalt  }
0x53: {  	_ =	shalt  }
0x54: {  	_ =	shalt  }
0x55: {  	_ =	shalt  }
0x56: {  	_ =	shalt  }
0x57: {  	_ =	shalt  }
0x58: {  	_ =	shalt  }
0x59: {  	_ =	shalt  }
0x5a: {  	_ =	shalt  }
0x5b: {  	_ =	shalt  }
0x5c: {  	_ =	shalt  }
0x5d: {  	_ =	shalt  }
0x5e: {  	_ =	shalt  }
0x5f: {  	_ =	shalt  }
0x60: {  	_ =	shalt  }
0x61: {  	_ =	shalt  }
0x62: {  	_ =	shalt  }
0x63: {  	_ =	shalt  }
0x64: {  	_ =	shalt  }
0x65: {  	_ =	shalt  }
0x66: {  	_ =	shalt  }
0x67: {  	_ =	shalt  }
0x68: {  	_ =	shalt  }
0x69: {  	_ =	shalt  }
0x6a: {  	_ =	shalt  }
0x6b: {  	_ =	shalt  }
0x6c: {  	_ =	shalt  }
0x6d: {  	_ =	shalt  }
0x6e: {  	_ =	shalt  }
0x6f: {  	_ =	shalt  }
0x70: {  	_ =	shalt  }
0x71: {  	_ =	shalt  }
0x72: {  	_ =	shalt  }
0x73: {  	_ =	shalt  }
0x74: {  	_ =	shalt  }
0x75: {  	_ =	shalt  }
0x76: {  	_ =	shalt  }
0x77: {  	_ =	shalt  }
0x78: {  	_ =	shalt  }
0x79: {  	_ =	shalt  }
0x7a: {  	_ =	shalt  }
0x7b: {  	_ =	shalt  }
0x7c: {  	_ =	shalt  }
0x7d: {  	_ =	shalt  }
0x7e: {  	_ =	shalt  }
0x7f: {  	_ =	shalt  }
0x80: {  	_ =	shalt  }
0x81: {  	_ =	shalt  }
0x82: {  	_ =	shalt  }
0x83: {  	_ =	shalt  }
0x84: {  	_ =	shalt  }
0x85: {  	_ =	shalt  }
0x86: {  	_ =	shalt  }
0x87: {  	_ =	shalt  }
.Lfunc_end0:
.L_simem_size_0:
called_computation.2_lowered:
.L_overlay_start_0:
0x88: {  	s2 =	sld [smem:$0x3FD9]  }
0x89: {  	s3 =	sld [smem:$0x3FFE];
	_ =	sdelay $0x1  }
0x8a: {  	s1 =	srdreg.scid  }
0x8b: {  	s0 =	sand.u32 $0x1, s1  }
0x8c: {  	s17 =	sshll.u32 s0, $0xA;
	s2 =	sadd.s32 s3, s2  }
0x8d: {  	s2 =	sadd.s32 s2, s17  }
0x8e: {  	[smem:$0x3FC2] =	sst s2  }
0x8f: {  	_ = 	snop  }
0x90: {  	s2 =	sld [smem:$0x3FD0];
	(tm) =	ssettm $0x1  }
0x91: {  	s18 =	sld [smem:$0x3FFB];
	_ =	sdelay $0x3  }
0x92: {  	_ =	strace s18  }
0x93: {  	s3 =	sld [smem:$0x3FFC];
	_ =	sdelay $0x3  }
0x94: {  	_ =	strace s3  }
0x95: {  	s3 =	sld [smem:$0x3FFD];
	_ =	sdelay $0x3  }
0x96: {  	_ =	strace s3  }
0x97: {  	_ =	strace $0x8FFFFFFF  }
0x98: {  	s19 =	sld [smem:$0x3FDB];
	_ =	sdelay $0x1  }
0x99: {  	s4 =	simm.s32 $_scs_section_size  }
0x9a: {  	s5 =	simm.s32 $_size__tile_overlayer_lowered;
	s6 =	simm.s32 $_tile_overlayer_lowered  }
0x9b: {  	s22 =	simm.s32 $0x1BFF;
	s21 =	sshll.u32 s6, $0x1;
	s3 =	sadd.s32 s4, s19  }
0x9c: {  	s7 =	simm.s32 $0x0;
	s20 =	sshll.u32 s5, $0x1;
	s5 =	sadd.s32 s21, s3  }
0x9d: {  	[timem:s7], [sflag:s22] =	dma.local [hbm:s5], s20  }
0x9e: {  	_ =	swait.ge [sflag:s22], s20  }
0x9f: {  	s4 =	ssub.s32 $0x0, s20;
	[sflag:s22] =	ssyncset.done $0x0  }
0xa0: {  	[sflag:s22] =	ssyncadd.s32 s4;
	_ =	sdelay $0x1  }
0xa1: {  	s23 =	simm.s32 $0x1B8B  }
0xa2: {  	_ =	swait.ge [sflag:s23], $0x1  }
0xa3: {  	[sflag:s23] =	ssyncset.done $0x0  }
0xa4: {  	s25 =	simm.s32 $0x1B8E;
	s24 =	sld [smem:$0x3FFE];
	[sflag:s23] =	ssyncadd.s32 $0xFFFFFFFF  }
0xa5: {  	s26 =	simm.s32 $execute0_lowered;
	[smem:$0x3FD2] =	sst s25  }
0xa6: {  	s5 =	sshll.u32 s26, $0x1;
	_ =	strace $0x8000004C;
	[dreg:$0x1] =	wrdreg $0xFFFFFFFF  }
0xa7: {  	s28 =	simm.s32 $_size_execute0_lowered;
	s3 =	sadd.s32 s3, s5;
	[dreg:$0x0] =	wrdreg $0x0  }
0xa8: {  	s5 =	sshll.u32 s28, $0x1;
	[dreg:$0x2] =	wrdreg s3  }
0xa9: {  	[dreg:$0x3] =	wrdreg s5  }
0xaa: {  	[dreg:$0x4] =	wrdreg $0xC0  }
0xab: {  	_ =	task [dreg:s7], $0x5FFFF  }
0xac: {  	[dreg:$0x1] =	wrdreg $0xFFFFFFFF  }
0xad: {  	[dreg:$0x0] =	wrdreg $0x60  }
0xae: {  	[dreg:$0x2] =	wrdreg s24  }
0xaf: {  	[dreg:$0x3] =	wrdreg s2  }
0xb0: {  	[dreg:$0x4] =	wrdreg $0x0  }
0xb1: {  	[dreg:$0x5] =	wrdreg $0x9  }
0xb2: {  	_ =	task.clear_ibuf [dreg:s7], $0x6FFFF;
	_ =	strace $0x9000004C  }
0xb3: {  	s29 =	simm.s32 $0x9;
	_ =	strace $0x8000004E  }
0xb4: {  	_ =	swait.ge [sflag:s29], $0x1  }
0xb5: {  	[sflag:s29] =	ssyncadd.s32 $0xFFFFFFFF  }
0xb6: {  	_ =	strace $0x9000004E  }
0xb7: {  	_ =	sfence  }
0xb8: {  	s30 =	sld [smem:$0x0];
	_ =	sdelay $0x2  }
0xb9: {  	s31 =	sshll.u32 s1, $0xD;
	s1 =	sshrl.u32 s1, $0x2  }
0xba: {  	s3 =	sand.u32 $0x4000, s31;
	s1 =	sadd.s32 s1, s30  }
0xbb: {  	s0 =	sor.u32 s3, s0;
	s1 =	sshll.u32 s1, $0x11  }
0xbc: {  	s0 =	sor.u32 s1, s0  }
0xbd: {  	s0 =	sadd.s32 $0x8F2B, s0  }
0xbe: {  	[sflag:s0] =	ssyncadd.remote.s32 $0x1  }
0xbf: {  	_ =	sfence.sel $0xFFFF  }
0xc0: {  	[dreg:$0x0] =	wrdreg $0xFFFFFFFF;
	(pc) =	sbr.abs _section_cstart, $3  }
0xc1: {  	[dreg:$0x1] =	wrdreg $0xFFFFFFFF  }
0xc2: {  	_ =	task.clear_ibuf [dreg:s7], $0x2FFFF;
	_ =	strace $0x9FFFFFFF  }
0xc3: {  	(tm) =	ssettm $0x7FFFFFFF  }
tec
execute0_lowered:
.L_overlay_start_1:
0x0: {  	(tag) =	ssettag $0x1  }
0x1: {  	s6 =	rddreg [dreg:$0x0]  }
0x2: {  	s1 =	rddreg [dreg:$0x1];
	s0 =	srdreg.scid  }
0x3: {  	s2 =	rddreg [dreg:$0x2];
	s25 =	stileid.u32  }
0x4: {  	s29 =	simm.s32 $0x0;
	s16 =	simm.s32 $0x14000;
	s17 =	simm.s32 $0x3  }
0x5: {  	s19 =	simm.s32 $0x7D;
	s20 =	simm.s32 $0x16000;
	s21 =	simm.s32 $0x1A000  }
0x6: {  	s23 =	simm.s32 $0x1;
	s24 =	simm.s32 $0x2;
	s7 =	sand.u32 $0x1, s0  }
0x7: {  	[smem:$0x7FF] =	sst s29;
	s5 =	sadd.s32 $0x2800, s6;
	s9 =	smul.u32 $0x50000, s25  }
0x8: {  	p0 =	sne.s32 s25, $0x0;
	s4 =	sshll.u32 s7, $0x4;
	s8 =	smul.u32 $0x28000, s7  }
0x9: {  	_ =	strace $0x8000004D;
	s7 =	ssub.s32 $0x2, s7;
	s4 =	sor.u32 s25, s4  }
0xa: {  	s31 =	sshrl.u32 s7, $0x1;
	s9 =	sshrl.u32 s9, $0x2;
	s4 =	smul.u32 $0x2800, s4  }
.Ltmp0:
0xb: {  	s14 =	sadd.s32 s8, s6;
	s8 =	sadd.s32 s9, s2;
	(pc) =	sbr.rel .LBB2_1-.Ltmp0, $4  }
0xc: {  	s25 =	simm.s32 $0x0;
	s15 =	ssub.s32 s7, s31;
	s9 =	sadd.s32 $0x3E80, s8  }
0xd: {  	s10 =	sadd.s32 $0x7D00, s8;
	s11 =	sadd.s32 $0xBB80, s8;
	s30 =	sshrl.u32 s4, $0x3  }
0xe: {  	s12 =	sadd.s32 $0xFA00, s8;
	s13 =	sadd.s32 $0x13880, s8;
	s6 =	sadd.s32 s1, s30  }
0xf: {  	v0 =	vimm.f32 $0.0e+00;
	s14 =	sadd.s32 $0x2A800, s14;
	s15 =	smax.u32 s15, $0x1;
	s7 =	sadd.s32 $0xA000, s6  }
.LBB2_6:
0x10: {  	[bflag:$0x0] =	sbarrier.arrive $0xFFFF  }
0x11: {  	s0 =	sshrl.u32 @!p0 s2, $0x3;
	s3 =	simm.s32 @!p0 $0x1C03;
	s25 =	sadd.s32 $0x1, s25  }
0x12: {  	[hbm:s14], [sflag:s3] =	dma.local @!p0 [spmem:s0], $0x28000  }
0x13: {  	p1 =	sne.s32 s25, s15  }
.Ltmp1:
0x14: {  	_ = 	snop;
	(pc) =	sbr.rel @!p1 .LBB2_7-.Ltmp1, $4  }
0x15: {  	s0 =	simm.s32 @!p0 $0x3  }
0x16: {  	_ =	swait.ge @!p0 [sflag:s0], $0x28000  }
0x17: {  	[sflag:s0] =	ssyncset.done @!p0 $0x0  }
0x18: {  	[sflag:s0] =	ssyncadd.s32 @!p0 $0xFFFD8000  }
.LBB2_1:
0x19: {  	s0 =	simm.s32 $0x0  }
0x1a: {  	[tilespmem:s16], [sflag:$0x3] =	stream.linear.gather [hbm4b:s6+s0], $0x800, $0x38;
	[tilespmem:$0x1E000] =	vst v63  }
0x1b: {  	_ =	swait.ge [sflag:s17], $0x800  }
0x1c: {  	[sflag:s17] =	ssyncset.done $0x0  }
0x1d: {  	s3 =	simm.s32 $0x15000;
	[sflag:s17] =	ssyncadd.s32 $0xFFFFF800  }
0x1e: {  	[tilespmem:s3], [sflag:$0x3] =	stream.linear.gather [hbm4b:s7+s0], $0x800, $0x38;
	[tilespmem:$0x1E000] =	vst v63  }
0x1f: {  	_ =	swait.ge [sflag:s17], $0x800  }
0x20: {  	[sflag:s17] =	ssyncset.done $0x0  }
0x21: {  	s26 =	simm.s32 $0x0;
	s28 =	simm.s32 $0x200;
	[sflag:s17] =	ssyncadd.s32 $0xFFFFF800  }
0x22: {  	[tilespmem:s20], [sflag:$0x1] =	stream.indirect.gather [hbm4b:s5+s19], $0x80, s16, s19, $0xb8;
	[tilespmem:$0x1E000] =	vst v63  }
.LBB2_2:
0x23: {  	p1 =	sne.s32 s28, $0xF800;
	[tilespmem:s26+$0x1A070] =	vst v0  }
0x24: {  	[tilespmem:s26+$0x1A000] =	vst v0  }
0x25: {  	[tilespmem:s26+$0x1A010] =	vst v0  }
.Ltmp2:
0x26: {  	[tilespmem:s26+$0x1A020] =	vst v0;
	(pc) =	sbr.rel @p1 .LBB2_2-.Ltmp2, $4  }
0x27: {  	[tilespmem:s26+$0x1A030] =	vst v0  }
0x28: {  	[tilespmem:s26+$0x1A040] =	vst v0  }
0x29: {  	[tilespmem:s26+$0x1A050] =	vst v0  }
0x2a: {  	[tilespmem:s26+$0x1A060] =	vst v0;
	s26 =	sshra.s32 s28, $0x2;
	s28 =	sadd.s32 $0x200, s28  }
0x2b: {  	[tilespmem:s26+$0x1A070] =	vst v0  }
0x2c: {  	[tilespmem:s26+$0x1A000] =	vst v0  }
0x2d: {  	[tilespmem:s26+$0x1A010] =	vst v0  }
0x2e: {  	[tilespmem:s26+$0x1A020] =	vst v0  }
0x2f: {  	[tilespmem:s26+$0x1A030] =	vst v0  }
0x30: {  	[tilespmem:s26+$0x1A040] =	vst v0  }
0x31: {  	[tilespmem:s26+$0x1A050] =	vst v0  }
0x32: {  	[tilespmem:s26+$0x1A060] =	vst v0  }
0x33: {  	[spmem:s8] =	stream.linear.scatter [tilespmem:s21], [sflag:$0x3], $0x3E80, $0x38;
	[tilespmem:$0x1E000] =	vst v63  }
0x34: {  	_ =	swait.ge [sflag:s17], $0x3E80  }
0x35: {  	[sflag:s17] =	ssyncset.done $0x0  }
0x36: {  	[sflag:s17] =	ssyncadd.s32 $0xFFFFC180  }
0x37: {  	[spmem:s9] =	stream.linear.scatter [tilespmem:s21], [sflag:$0x3], $0x3E80, $0x38;
	[tilespmem:$0x1E000] =	vst v63  }
0x38: {  	_ =	swait.ge [sflag:s17], $0x3E80  }
0x39: {  	[sflag:s17] =	ssyncset.done $0x0  }
0x3a: {  	[sflag:s17] =	ssyncadd.s32 $0xFFFFC180  }
0x3b: {  	[spmem:s10] =	stream.linear.scatter [tilespmem:s21], [sflag:$0x3], $0x3E80, $0x38;
	[tilespmem:$0x1E000] =	vst v63  }
0x3c: {  	_ =	swait.ge [sflag:s17], $0x3E80  }
0x3d: {  	[sflag:s17] =	ssyncset.done $0x0  }
0x3e: {  	[sflag:s17] =	ssyncadd.s32 $0xFFFFC180  }
0x3f: {  	[spmem:s11] =	stream.linear.scatter [tilespmem:s21], [sflag:$0x3], $0x3E80, $0x38;
	[tilespmem:$0x1E000] =	vst v63  }
0x40: {  	_ =	swait.ge [sflag:s17], $0x3E80  }
0x41: {  	[sflag:s17] =	ssyncset.done $0x0  }
0x42: {  	[sflag:s17] =	ssyncadd.s32 $0xFFFFC180  }
0x43: {  	[spmem:s12] =	stream.linear.scatter [tilespmem:s21], [sflag:$0x3], $0x3E80, $0x38;
	[tilespmem:$0x1E000] =	vst v63  }
0x44: {  	_ =	swait.ge [sflag:s17], $0x3E80  }
0x45: {  	[sflag:s17] =	ssyncset.done $0x0  }
0x46: {  	[sflag:s17] =	ssyncadd.s32 $0xFFFFC180  }
0x47: {  	[spmem:s13] =	stream.linear.scatter [tilespmem:s21], [sflag:$0x3], $0x780, $0x38;
	[tilespmem:$0x1E000] =	vst v63  }
0x48: {  	_ =	swait.ge [sflag:s17], $0x780  }
0x49: {  	[sflag:s17] =	ssyncset.done $0x0  }
0x4a: {  	s0 =	simm.s32 $0x14080;
	s26 =	simm.s32 $0x100;
	[sflag:s17] =	ssyncadd.s32 $0xFFFFF880  }
0x4b: {  	[tilespmem:s21], [sflag:$0x2] =	stream.indirect.gather [hbm4b:s5+s19], $0x80, s0, s19, $0xb8;
	[tilespmem:$0x1E000] =	vst v63  }
0x4c: {  	s28 =	simm.s32 $0x0;
	s29 =	simm.s32 $0x0;
	[bflag:$0x0] =	sbarrier.arrive $0xFFFF  }
.LBB2_4:
0x4d: {  	s31 =	sand.u32 $0xE, s28;
	p1 =	sgt.u32 s29, $0x1F  }
0x4e: {  	p2 =	sne.s32 @!p1 s31, $0x0  }
0x4f: {  	s30 =	sadd.s32 $0xFFFFFF00, s26;
	p1 =	por p2, p1  }
0x50: {  	s0 =	sand.u32 @!p1 $0x1800, s30  }
0x51: {  	s0 =	sadd.s32 @!p1 $0x800, s0  }
0x52: {  	s18 =	sadd.s32 @!p1 s4, s0  }
0x53: {  	s0 =	sand.u32 @!p1 $0x800, s0;
	s18 =	sshrl.u32 @!p1 s18, $0x3  }
0x54: {  	s3 =	simm.s32 @!p1 $0x0;
	s22 =	sor.u32 @!p1 $0x14000, s0;
	s18 =	sadd.s32 @!p1 s1, s18  }
0x55: {  	[tilespmem:s22], [sflag:$0x3] =	stream.linear.gather @!p1 [hbm4b:s18+s3], $0x800, $0x38;
	[tilespmem:$0x1E000] =	vst v63  }
0x56: {  	s22 =	simm.s32 @!p1 $0x3  }
0x57: {  	_ =	swait.ge @!p1 [sflag:s22], $0x800  }
0x58: {  	[sflag:s22] =	ssyncset.done @!p1 $0x0  }
0x59: {  	s0 =	sor.u32 @!p1 $0x15000, s0;
	s18 =	sadd.s32 @!p1 $0xA000, s18;
	[sflag:s22] =	ssyncadd.s32 @!p1 $0xFFFFF800  }
0x5a: {  	[tilespmem:s0], [sflag:$0x3] =	stream.linear.gather @!p1 [hbm4b:s18+s3], $0x800, $0x38;
	[tilespmem:$0x1E000] =	vst v63  }
0x5b: {  	_ =	swait.ge @!p1 [sflag:s22], $0x800  }
0x5c: {  	[sflag:s22] =	ssyncset.done @!p1 $0x0  }
0x5d: {  	[sflag:s22] =	ssyncadd.s32 @!p1 $0xFFFFF800  }
0x5e: {  	s18 =	sand.u32 $0x800, s30;
	s22 =	sshll.u32 s31, $0x7;
	_ =	swait.ge [sflag:s23], $0x3E80  }
0x5f: {  	s0 =	sor.u32 s22, s18;
	[sflag:s23] =	ssyncset.done $0x0  }
0x60: {  	s0 =	sor.u32 $0x15000, s0;
	[sflag:s23] =	ssyncadd.s32 $0xFFFFC180  }
0x61: {  	[spmem:s2] =	stream.indirect.scatter.add.f32 [tilespmem:s20], [sflag:$0x3], $0x80, s0, s19, $0xb8;
	[tilespmem:$0x1E000] =	vst v63  }
0x62: {  	p1 =	seq.s32 s29, $0x27;
	_ =	swait.ge [sflag:s17], $0x3E80  }
0x63: {  	s3 =	simm.s32 @!p1 $0x7D;
	s0 =	sand.u32 @!p1 $0xF00, s26;
	[sflag:s17] =	ssyncset.done $0x0  }
0x64: {  	s18 =	simm.s32 @!p1 $0x16000;
	s0 =	sor.u32 @!p1 $0x14000, s0;
	[sflag:s17] =	ssyncadd.s32 $0xFFFFC180  }
0x65: {  	[tilespmem:s18], [sflag:$0x1] =	stream.indirect.gather @!p1 [hbm4b:s5+s3], $0x80, s0, s3, $0xb8;
	[tilespmem:$0x1E000] =	vst v63  }
0x66: {  	s30 =	simm.s32 @p1 $0x2700;
	_ =	swait.ge [sflag:s24], $0x3E80  }
0x67: {  	s31 =	sand.u32 $0xF00, s30;
	[sflag:s24] =	ssyncset.done $0x0  }
.Ltmp3:
0x68: {  	s0 =	sor.u32 $0x15080, s31;
	[sflag:s24] =	ssyncadd.s32 $0xFFFFC180;
	(pc) =	sbr.rel @p1 .LBB2_6-.Ltmp3, $4  }
0x69: {  	[spmem:s2] =	stream.indirect.scatter.add.f32 [tilespmem:s21], [sflag:$0x3], $0x80, s0, s19, $0xb8;
	[tilespmem:$0x1E000] =	vst v63  }
0x6a: {  	_ =	swait.ge [sflag:s17], $0x3E80  }
0x6b: {  	[sflag:s17] =	ssyncset.done $0x0  }
0x6c: {  	[sflag:s17] =	ssyncadd.s32 $0xFFFFC180  }
.Ltmp4:
0x6d: {  	(pc) =	sbr.rel .LBB2_4-.Ltmp4, $4  }
0x6e: {  	s0 =	sadd.s32 $0x180, s30  }
0x6f: {  	s29 =	sadd.s32 $0x1, s29;
	s0 =	sand.u32 $0xF80, s0  }
0x70: {  	s26 =	sadd.s32 $0x100, s26;
	s28 =	sadd.s32 $0x2, s28;
	s0 =	sor.u32 $0x14000, s0  }
0x71: {  	[tilespmem:s21], [sflag:$0x2] =	stream.indirect.gather [hbm4b:s5+s19], $0x80, s0, s19, $0xb8;
	[tilespmem:$0x1E000] =	vst v63  }
.LBB2_7:
0x72: {  	_ =	sfence.sel $0x180000  }
0x73: {  	[bflag:$0x0] =	sbarrier.arrive $0xFFFF  }
0x74: {  	_ =	strace $0x9000004D  }
0x75: {  	[bflag:$0x2] =	sbarrier.arrive $0xFFFF  }
0x76: {  	s0 =	rddreg [dreg:$0x3]  }
0x77: {  	s0 =	sadd.s32 @!p0 $0x100000, s0  }
0x78: {  	[sflag:s0] =	ssyncadd.tile.s32 @!p0 $0x1;
	_ =	shalt  }
.Lfunc_end2:
_tile_overlayer_lowered:
.L_overlay_start_2:
0x79: {  	(tag) =	ssettag $0x2  }
0x7a: {  	s0 =	rddreg [dreg:$0x0];
	s2 =	stileid.u32  }
0x7b: {  	s1 =	rddreg [dreg:$0x1];
	p0 =	sne.s32 s2, $0x0  }
0x7c: {  	s3 =	rddreg [dreg:$0x2];
	[bflag:$0x3] =	sbarrier.arrive $0xFFFF;
	s2 =	simm.s32 @!p0 $0x1C03  }
0x7d: {  	[timem:s3], [sflag:s2] =	dma.local @!p0 [hbm:s0], s1  }
0x7e: {  	s0 =	simm.s32 @!p0 $0x3  }
0x7f: {  	_ =	swait.ge @!p0 [sflag:s0], s1  }
0x80: {  	s1 =	ssub.s32 @!p0 $0x0, s1;
	[sflag:s0] =	ssyncset.done @!p0 $0x0  }
0x81: {  	[sflag:s0] =	ssyncadd.s32 @!p0 s1  }
0x82: {  	[bflag:$0x3] =	sbarrier.arrive $0xFFFF  }
0x83: {  	_ =	shalt  }

// kernel: kernel.8.cloned.1.call-start
scs
__scs_entry_jumppad:
0x0: {  	(pc) =	sbr.rel $0x88, $3  }
0x1: {  	(tag) =	ssettag $0x0;
	lr =	simm.s32 $0x1  }
0x2: {  	[smem:$0x3F9B] =	sst lr;
	_ =	strace $0xD0000000  }
0x3: {  	_ = 	snop  }
0x4: {  	_ = 	snop  }
0x5: {  	_ = 	snop  }
0x6: {  	_ = 	snop  }
0x7: {  	_ = 	snop  }
__scs_overlays_trampoline_lowered:
0x8: {  	[smem:$0x3FAA] =	sst s0  }
0x9: {  	[smem:$0x3FAB] =	sst s1  }
0xa: {  	[smem:$0x3FAC] =	sst s2  }
0xb: {  	[smem:$0x3FAD] =	sst s3  }
0xc: {  	[smem:$0x3FAE] =	sst s4  }
0xd: {  	[smem:$0x3FAF] =	sst s5  }
0xe: {  	[smem:$0x3FB0] =	sst s6  }
0xf: {  	[smem:$0x3FB1] =	sst s7  }
0x10: {  	[smem:$0x3FB2] =	sst s8  }
0x11: {  	[smem:$0x3FB3] =	sst s9;
	s0 =	simm.s32 @!p0 $0x0  }
0x12: {  	s1 =	sld [smem:$0x3F99];
	s0 =	simm.s32 @p0 $0x1  }
0x13: {  	[smem:$0x3FB4] =	sst s0;
	s0 =	simm.s32 @!p1 $0x0  }
0x14: {  	s2 =	sld [smem:$0x3F98];
	s0 =	simm.s32 @p1 $0x1  }
0x15: {  	[smem:$0x3FB5] =	sst s0;
	s0 =	simm.s32 @!p2 $0x0  }
0x16: {  	s3 =	sld [smem:$0x3FDB];
	s0 =	simm.s32 @p2 $0x1  }
0x17: {  	s4 =	simm.s32 $0x1BF5;
	[smem:$0x3FB7] =	sst s0  }
0x18: {  	s0 =	sld [smem:$0x3F9A];
	_ =	swait.ge [sflag:s4], $0x0  }
0x19: {  	s7 =	sld [smem:$0x3F9B]  }
0x1a: {  	s8 =	sadd.s32 $0xFFFFE003, lr  }
0x1b: {  	s9 =	sadd.s32 $0xFFFFFEF7, lr;
	s5 =	simm.s32 $0xFFFFFFFF;
	p2 =	slt.u32 s8, $0xFFFFF086  }
0x1c: {  	p1 =	slt.u32 s9, $0xF7A;
	s5 =	simm.s32 @!p2 $0x0  }
0x1d: {  	s5 =	simm.s32 @p1 $0x1;
	p0 =	seq.s32 s7, s2  }
0x1e: {  	s7 =	smul.u32 @!p0 $0xF7A, s2;
	p2 =	seq.s32 @!p0 s5, $0x0  }
0x1f: {  	s9 =	smul.u32 $0xF7A, s1;
	s8 =	simm.s32 @!p0 $0x1BF5;
	p2 =	por !p2, p0  }
0x20: {  	[sflag:s8] =	ssyncset.s32 @!p0 $0xFFFFF086;
	s6 =	sadd.s32 @!p0 s3, s7;
	s7 =	simm.s32 @!p0 $0x108  }
0x21: {  	s3 =	sadd.s32 s3, s9;
	s6 =	sadd.s32 @!p0 $0x88, s6;
	s7 =	simm.s32 @p2 $0x1082  }
0x22: {  	[simem:s7], [sflag:s8] =	dma.local @!p0 [hbm:s6], $0xF7A  }
0x23: {  	s9 =	sor.u32 $0xD0000000, s2;
	s6 =	simm.s32 $0x108;
	_ =	swait.ge @!p0 [sflag:s8], $0x0  }
0x24: {  	s3 =	sadd.s32 $0x88, s3;
	s6 =	simm.s32 @!p1 $0x1082;
	[sflag:s4] =	ssyncset.s32 $0xFFFFF086  }
0x25: {  	[simem:s6], [sflag:s4] =	dma.local [hbm:s3], $0xF7A  }
0x26: {  	[smem:$0x3F9B] =	sst s1;
	(tag) =	ssettag s2;
	_ =	strace s9  }
0x27: {  	s1 =	sld [smem:$0x3FAB]  }
0x28: {  	s2 =	sld [smem:$0x3FAC]  }
0x29: {  	s4 =	sld [smem:$0x3FAE]  }
0x2a: {  	p0 =	seq.s32 s5, $0x0;
	s5 =	sld [smem:$0x3FAF]  }
0x2b: {  	s6 =	sld [smem:$0x3FB0]  }
0x2c: {  	s7 =	sld [smem:$0x3FB1]  }
0x2d: {  	s3 =	simm.s32 $0x108;
	s8 =	sld [smem:$0x3FB2]  }
0x2e: {  	s3 =	simm.s32 @!p0 $0x1082;
	s9 =	sld [smem:$0x3FB3]  }
0x2f: {  	lr =	sadd.s32 s0, s3;
	s0 =	sld [smem:$0x3FAA]  }
0x30: {  	s3 =	sld [smem:$0x3FAD]  }
0x31: {  	[smem:$0x3FB6] =	sst s10  }
0x32: {  	s10 =	sld [smem:$0x3FB4];
	_ =	sdelay $0x3  }
0x33: {  	p0 =	seq.s32 s10, $0x1;
	s10 =	sld [smem:$0x3FB6];
	_ =	sdelay $0x3  }
0x34: {  	[smem:$0x3FB6] =	sst s10  }
0x35: {  	s10 =	sld [smem:$0x3FB5];
	_ =	sdelay $0x3  }
0x36: {  	p1 =	seq.s32 s10, $0x1;
	s10 =	sld [smem:$0x3FB6];
	_ =	sdelay $0x3  }
0x37: {  	[smem:$0x3FB6] =	sst s10  }
0x38: {  	s10 =	sld [smem:$0x3FB7]  }
0x39: {  	_ = 	snop;
	(pc) =	sbr.ind lr, $3  }
0x3a: {  	_ = 	snop  }
0x3b: {  	_ = 	snop  }
0x3c: {  	p2 =	seq.s32 s10, $0x1;
	s10 =	sld [smem:$0x3FB6]  }
0x3d: {  	_ =	shalt  }
0x3e: {  	_ =	shalt  }
0x3f: {  	_ =	shalt  }
0x40: {  	_ =	shalt  }
0x41: {  	_ =	shalt  }
0x42: {  	_ =	shalt  }
0x43: {  	_ =	shalt  }
0x44: {  	_ =	shalt  }
0x45: {  	_ =	shalt  }
0x46: {  	_ =	shalt  }
0x47: {  	_ =	shalt  }
0x48: {  	_ =	shalt  }
0x49: {  	_ =	shalt  }
0x4a: {  	_ =	shalt  }
0x4b: {  	_ =	shalt  }
0x4c: {  	_ =	shalt  }
0x4d: {  	_ =	shalt  }
0x4e: {  	_ =	shalt  }
0x4f: {  	_ =	shalt  }
0x50: {  	_ =	shalt  }
0x51: {  	_ =	shalt  }
0x52: {  	_ =	shalt  }
0x53: {  	_ =	shalt  }
0x54: {  	_ =	shalt  }
0x55: {  	_ =	shalt  }
0x56: {  	_ =	shalt  }
0x57: {  	_ =	shalt  }
0x58: {  	_ =	shalt  }
0x59: {  	_ =	shalt  }
0x5a: {  	_ =	shalt  }
0x5b: {  	_ =	shalt  }
0x5c: {  	_ =	shalt  }
0x5d: {  	_ =	shalt  }
0x5e: {  	_ =	shalt  }
0x5f: {  	_ =	shalt  }
0x60: {  	_ =	shalt  }
0x61: {  	_ =	shalt  }
0x62: {  	_ =	shalt  }
0x63: {  	_ =	shalt  }
0x64: {  	_ =	shalt  }
0x65: {  	_ =	shalt  }
0x66: {  	_ =	shalt  }
0x67: {  	_ =	shalt  }
0x68: {  	_ =	shalt  }
0x69: {  	_ =	shalt  }
0x6a: {  	_ =	shalt  }
0x6b: {  	_ =	shalt  }
0x6c: {  	_ =	shalt  }
0x6d: {  	_ =	shalt  }
0x6e: {  	_ =	shalt  }
0x6f: {  	_ =	shalt  }
0x70: {  	_ =	shalt  }
0x71: {  	_ =	shalt  }
0x72: {  	_ =	shalt  }
0x73: {  	_ =	shalt  }
0x74: {  	_ =	shalt  }
0x75: {  	_ =	shalt  }
0x76: {  	_ =	shalt  }
0x77: {  	_ =	shalt  }
0x78: {  	_ =	shalt  }
0x79: {  	_ =	shalt  }
0x7a: {  	_ =	shalt  }
0x7b: {  	_ =	shalt  }
0x7c: {  	_ =	shalt  }
0x7d: {  	_ =	shalt  }
0x7e: {  	_ =	shalt  }
0x7f: {  	_ =	shalt  }
0x80: {  	_ =	shalt  }
0x81: {  	_ =	shalt  }
0x82: {  	_ =	shalt  }
0x83: {  	_ =	shalt  }
0x84: {  	_ =	shalt  }
0x85: {  	_ =	shalt  }
0x86: {  	_ =	shalt  }
0x87: {  	_ =	shalt  }
.Lfunc_end0:
.L_simem_size_0:
called_computation_lowered:
.L_overlay_start_0:
0x88: {  	s2 =	sld [smem:$0x3FD9]  }
0x89: {  	s3 =	sld [smem:$0x3FFE];
	_ =	sdelay $0x1  }
0x8a: {  	s1 =	srdreg.scid  }
0x8b: {  	s0 =	sand.u32 $0x1, s1  }
0x8c: {  	s17 =	sshll.u32 s0, $0xA;
	s2 =	sadd.s32 s3, s2  }
0x8d: {  	s2 =	sadd.s32 s2, s17  }
0x8e: {  	[smem:$0x3FC2] =	sst s2  }
0x8f: {  	_ = 	snop  }
0x90: {  	s2 =	sld [smem:$0x3FD0];
	(tm) =	ssettm $0x1  }
0x91: {  	s18 =	sld [smem:$0x3FFB];
	_ =	sdelay $0x3  }
0x92: {  	_ =	strace s18  }
0x93: {  	s3 =	sld [smem:$0x3FFC];
	_ =	sdelay $0x3  }
0x94: {  	_ =	strace s3  }
0x95: {  	s3 =	sld [smem:$0x3FFD];
	_ =	sdelay $0x3  }
0x96: {  	_ =	strace s3  }
0x97: {  	_ =	strace $0x8FFFFFFF  }
0x98: {  	s19 =	sld [smem:$0x3FDB];
	_ =	sdelay $0x1  }
0x99: {  	s4 =	simm.s32 $_scs_section_size  }
0x9a: {  	s5 =	simm.s32 $_size__tile_overlayer_lowered;
	s6 =	simm.s32 $_tile_overlayer_lowered  }
0x9b: {  	s22 =	simm.s32 $0x1BFF;
	s21 =	sshll.u32 s6, $0x1;
	s3 =	sadd.s32 s4, s19  }
0x9c: {  	s7 =	simm.s32 $0x0;
	s20 =	sshll.u32 s5, $0x1;
	s5 =	sadd.s32 s21, s3  }
0x9d: {  	[timem:s7], [sflag:s22] =	dma.local [hbm:s5], s20  }
0x9e: {  	_ =	swait.ge [sflag:s22], s20  }
0x9f: {  	s4 =	ssub.s32 $0x0, s20;
	[sflag:s22] =	ssyncset.done $0x0  }
0xa0: {  	[sflag:s22] =	ssyncadd.s32 s4;
	_ =	sdelay $0x1  }
0xa1: {  	s23 =	simm.s32 $0x1B8B  }
0xa2: {  	_ =	swait.ge [sflag:s23], $0x1  }
0xa3: {  	[sflag:s23] =	ssyncset.done $0x0  }
0xa4: {  	s25 =	simm.s32 $0x1B8E;
	s24 =	sld [smem:$0x3FFE];
	[sflag:s23] =	ssyncadd.s32 $0xFFFFFFFF  }
0xa5: {  	s26 =	simm.s32 $execute0_lowered;
	[smem:$0x3FD2] =	sst s25  }
0xa6: {  	s5 =	sshll.u32 s26, $0x1;
	_ =	strace $0x80000046;
	[dreg:$0x1] =	wrdreg $0xFFFFFFFF  }
0xa7: {  	s28 =	simm.s32 $_size_execute0_lowered;
	s3 =	sadd.s32 s3, s5;
	[dreg:$0x0] =	wrdreg $0x0  }
0xa8: {  	s5 =	sshll.u32 s28, $0x1;
	[dreg:$0x2] =	wrdreg s3  }
0xa9: {  	[dreg:$0x3] =	wrdreg s5  }
0xaa: {  	[dreg:$0x4] =	wrdreg $0xC0  }
0xab: {  	_ =	task [dreg:s7], $0x5FFFF  }
0xac: {  	[dreg:$0x1] =	wrdreg $0xFFFFFFFF  }
0xad: {  	[dreg:$0x0] =	wrdreg $0x60  }
0xae: {  	[dreg:$0x2] =	wrdreg s2  }
0xaf: {  	[dreg:$0x3] =	wrdreg s24  }
0xb0: {  	[dreg:$0x4] =	wrdreg $0x0  }
0xb1: {  	[dreg:$0x5] =	wrdreg $0x9  }
0xb2: {  	_ =	task.clear_ibuf [dreg:s7], $0x6FFFF;
	_ =	strace $0x90000046  }
0xb3: {  	s29 =	simm.s32 $0x9;
	_ =	strace $0x80000048  }
0xb4: {  	_ =	swait.ge [sflag:s29], $0x1  }
0xb5: {  	[sflag:s29] =	ssyncadd.s32 $0xFFFFFFFF  }
0xb6: {  	_ =	strace $0x90000048  }
0xb7: {  	_ =	sfence  }
0xb8: {  	s30 =	sld [smem:$0x0];
	_ =	sdelay $0x2  }
0xb9: {  	s31 =	sshll.u32 s1, $0xD;
	s1 =	sshrl.u32 s1, $0x2  }
0xba: {  	s3 =	sand.u32 $0x4000, s31;
	s1 =	sadd.s32 s1, s30  }
0xbb: {  	s0 =	sor.u32 s3, s0;
	s1 =	sshll.u32 s1, $0x11  }
0xbc: {  	s0 =	sor.u32 s1, s0  }
0xbd: {  	s0 =	sadd.s32 $0x8F2B, s0  }
0xbe: {  	[sflag:s0] =	ssyncadd.remote.s32 $0x1  }
0xbf: {  	_ =	sfence.sel $0xFFFF  }
0xc0: {  	[dreg:$0x0] =	wrdreg $0xFFFFFFFF;
	(pc) =	sbr.abs _section_cstart, $3  }
0xc1: {  	[dreg:$0x1] =	wrdreg $0xFFFFFFFF  }
0xc2: {  	_ =	task.clear_ibuf [dreg:s7], $0x2FFFF;
	_ =	strace $0x9FFFFFFF  }
0xc3: {  	(tm) =	ssettm $0x7FFFFFFF  }
tec
execute0_lowered:
.L_overlay_start_1:
0x0: {  	(tag) =	ssettag $0x1  }
0x1: {  	s3 =	rddreg [dreg:$0x0]  }
0x2: {  	s0 =	srdreg.scid;
	s4 =	rddreg [dreg:$0x1]  }
0x3: {  	s1 =	rddreg [dreg:$0x2];
	s11 =	stileid.u32;
	s2 =	simm.s32 $0x0  }
0x4: {  	s10 =	simm.s32 $0x7D;
	s5 =	sand.u32 $0x1, s0;
	s0 =	rddreg [dreg:$0x3]  }
0x5: {  	s13 =	simm.s32 $0x0;
	[smem:$0x7FF] =	sst s2;
	s8 =	smul.u32 $0xA00, s11  }
0x6: {  	p0 =	sne.s32 s11, $0x0;
	s6 =	sshll.u32 s5, $0x4;
	_ =	strace $0x80000047  }
0x7: {  	s5 =	ssub.s32 $0x2, s5;
	s12 =	sshrl.u32 @!p0 s1, $0x3;
	s7 =	sor.u32 s11, s6  }
0x8: {  	s6 =	sadd.s32 s6, s4;
	s29 =	sshrl.u32 s5, $0x1;
	s7 =	smul.u32 $0x2800, s7  }
0x9: {  	s30 =	sshrl.u32 s8, $0x2;
	s8 =	simm.s32 $0x1;
	s11 =	simm.s32 $0x2A80  }
0xa: {  	s9 =	ssub.s32 s5, s29;
	s5 =	sadd.s32 $0x2800, s6;
	s7 =	sshrl.u32 s7, $0x3  }
0xb: {  	s6 =	smax.u32 s9, $0x1;
	s9 =	simm.s32 $0x280;
	s31 =	sadd.s32 s3, s7  }
0xc: {  	v0 =	vimm.f32 $0.0e+00;
	v1 =	vimm.f32 $1.000000000e+00;
	s3 =	sadd.s32 s30, s1;
	s7 =	simm.s32 $0x2B00;
	s4 =	sadd.s32 $0xA000, s31  }
.LBB2_1:
0xd: {  	[tilespmem:$0x2B00] =	vst v0  }
0xe: {  	[tilespmem:$0x2B10] =	vst v0  }
0xf: {  	[tilespmem:$0x2B20] =	vst v0  }
0x10: {  	[tilespmem:$0x2B30] =	vst v0  }
0x11: {  	[tilespmem:$0x2B40] =	vst v0  }
0x12: {  	[tilespmem:$0x2B50] =	vst v0  }
0x13: {  	[tilespmem:$0x2B60] =	vst v0  }
0x14: {  	[tilespmem:$0x2B70] =	vst v0  }
0x15: {  	[tilespmem:$0x2B80] =	vst v0  }
0x16: {  	[tilespmem:$0x2B90] =	vst v0  }
0x17: {  	[tilespmem:$0x2BA0] =	vst v0  }
0x18: {  	[tilespmem:$0x2BB0] =	vst v0  }
0x19: {  	[tilespmem:$0x2BC0] =	vst v0  }
0x1a: {  	[tilespmem:$0x2BD0] =	vst v0  }
0x1b: {  	[tilespmem:$0x2BE0] =	vst v0  }
0x1c: {  	[tilespmem:$0x2BF0] =	vst v0  }
0x1d: {  	[tilespmem:$0x2C00] =	vst v0  }
0x1e: {  	[tilespmem:$0x2C10] =	vst v0  }
0x1f: {  	[tilespmem:$0x2C20] =	vst v0  }
0x20: {  	[tilespmem:$0x2C30] =	vst v0  }
0x21: {  	[tilespmem:$0x2C40] =	vst v0  }
0x22: {  	[tilespmem:$0x2C50] =	vst v0  }
0x23: {  	[tilespmem:$0x2C60] =	vst v0  }
0x24: {  	[tilespmem:$0x2C70] =	vst v0  }
0x25: {  	[tilespmem:$0x2C80] =	vst v0  }
0x26: {  	[tilespmem:$0x2C90] =	vst v0  }
0x27: {  	[tilespmem:$0x2CA0] =	vst v0  }
0x28: {  	[tilespmem:$0x2CB0] =	vst v0  }
0x29: {  	[tilespmem:$0x2CC0] =	vst v0  }
0x2a: {  	[tilespmem:$0x2CD0] =	vst v0  }
0x2b: {  	[tilespmem:$0x2CE0] =	vst v0  }
0x2c: {  	[tilespmem:$0x2CF0] =	vst v0  }
0x2d: {  	[tilespmem:$0x2D00] =	vst v0  }
0x2e: {  	[tilespmem:$0x2D10] =	vst v0  }
0x2f: {  	[tilespmem:$0x2D20] =	vst v0  }
0x30: {  	[tilespmem:$0x2D30] =	vst v0  }
0x31: {  	[tilespmem:$0x2D40] =	vst v0  }
0x32: {  	[tilespmem:$0x2D50] =	vst v0  }
0x33: {  	[tilespmem:$0x2D60] =	vst v0  }
0x34: {  	[tilespmem:$0x2D70] =	vst v0  }
0x35: {  	[tilespmem:$0x2A80] =	vst v1  }
0x36: {  	[tilespmem:$0x2A90] =	vst v1  }
0x37: {  	[tilespmem:$0x2AA0] =	vst v1  }
0x38: {  	[tilespmem:$0x2AB0] =	vst v1  }
0x39: {  	[tilespmem:$0x2AC0] =	vst v1  }
0x3a: {  	[tilespmem:$0x2AD0] =	vst v1  }
0x3b: {  	[tilespmem:$0x2AE0] =	vst v1  }
0x3c: {  	[tilespmem:$0x2AED] =	vst v1  }
0x3d: {  	[spmem:s3] =	stream.linear.scatter [tilespmem:s7], [sflag:$0x1], $0x280, $0x38;
	[tilespmem:$0x2D80] =	vst v63  }
0x3e: {  	_ =	swait.ge [sflag:s8], $0x280  }
0x3f: {  	[sflag:s8] =	ssyncset.done $0x0  }
0x40: {  	[sflag:s8] =	ssyncadd.s32 $0xFFFFFD80  }
0x41: {  	[tilespmem:s9], [sflag:$0x1] =	stream.linear.gather [hbm4b:s4+s2], $0x2800, $0x38;
	[tilespmem:$0x2D80] =	vst v63  }
0x42: {  	_ =	swait.ge [sflag:s8], $0x2800  }
0x43: {  	[sflag:s8] =	ssyncset.done $0x0  }
0x44: {  	[sflag:s8] =	ssyncadd.s32 $0xFFFFD800  }
0x45: {  	s14 =	simm.s32 $0x280;
	[bflag:$0x0] =	sbarrier.arrive $0xFFFF  }
0x46: {  	[spmem:s1] =	stream.indirect.scatter.add.f32 [tilespmem:s11], [sflag:$0x1], $0x1, s14, s10, $0xb8;
	[tilespmem:$0x2D80] =	vst v63  }
0x47: {  	s14 =	simm.s32 $0x200;
	_ =	swait.ge [sflag:s8], $0x7D  }
.LBB2_2:
0x48: {  	s15 =	sshra.s32 s14, $0x2;
	[sflag:s8] =	ssyncset.done $0x0;
	p1 =	sne.s32 s14, $0x9E00  }
.Ltmp0:
0x49: {  	s15 =	sadd.s32 $0x280, s15;
	[sflag:s8] =	ssyncadd.s32 $0xFFFFFF83;
	(pc) =	sbr.rel @p1 .LBB2_2-.Ltmp0, $3  }
0x4a: {  	[spmem:s1] =	stream.indirect.scatter.add.f32 [tilespmem:s11], [sflag:$0x1], $0x1, s15, s10, $0xb8;
	[tilespmem:$0x2D80] =	vst v63  }
0x4b: {  	s14 =	sadd.s32 $0x200, s14;
	_ =	sdelay $0x1  }
0x4c: {  	_ =	swait.ge [sflag:s8], $0x7D  }
0x4d: {  	[sflag:s8] =	ssyncset.done $0x0  }
0x4e: {  	s14 =	simm.s32 @!p0 $0x1;
	s15 =	simm.s32 @!p0 $0x20;
	s13 =	sadd.s32 $0x1, s13  }
0x4f: {  	s16 =	simm.s32 @!p0 $0x10;
	[sflag:s8] =	ssyncadd.s32 $0xFFFFFF83;
	p1 =	sne.s32 s13, s6  }
.Ltmp1:
0x50: {  	s17 =	simm.s32 @!p0 $0x1C01;
	[bflag:$0x0] =	sbarrier.arrive $0xFFFF;
	(pc) =	sbr.rel @p1 .LBB2_1-.Ltmp1, $4  }
0x51: {  	[hbm:s5@s15], [sflag:s17] =	dma.strided @!p0 [spmem:s12@s16], $0x500, s14, $0x10   }
0x52: {  	_ =	swait.ge @!p0 [sflag:s14], $0x500  }
0x53: {  	[sflag:s14] =	ssyncset.done @!p0 $0x0  }
0x54: {  	[sflag:s14] =	ssyncadd.s32 @!p0 $0xFFFFFB00  }
0x55: {  	_ =	sfence.sel $0x180000  }
0x56: {  	[bflag:$0x0] =	sbarrier.arrive $0xFFFF  }
0x57: {  	_ =	strace $0x90000047  }
0x58: {  	s0 =	sadd.s32 @!p0 $0x100000, s0;
	[bflag:$0x2] =	sbarrier.arrive $0xFFFF  }
0x59: {  	[sflag:s0] =	ssyncadd.tile.s32 @!p0 $0x1;
	_ =	shalt  }
.Lfunc_end2:
_tile_overlayer_lowered:
.L_overlay_start_2:
0x5a: {  	(tag) =	ssettag $0x2  }
0x5b: {  	s0 =	rddreg [dreg:$0x0];
	s2 =	stileid.u32  }
0x5c: {  	s1 =	rddreg [dreg:$0x1];
	p0 =	sne.s32 s2, $0x0  }
0x5d: {  	s3 =	rddreg [dreg:$0x2];
	[bflag:$0x3] =	sbarrier.arrive $0xFFFF;
	s2 =	simm.s32 @!p0 $0x1C01  }
0x5e: {  	[timem:s3], [sflag:s2] =	dma.local @!p0 [hbm:s0], s1  }
0x5f: {  	s0 =	simm.s32 @!p0 $0x1  }
0x60: {  	_ =	swait.ge @!p0 [sflag:s0], s1  }
0x61: {  	s1 =	ssub.s32 @!p0 $0x0, s1;
	[sflag:s0] =	ssyncset.done @!p0 $0x0  }
0x62: {  	[sflag:s0] =	ssyncadd.s32 @!p0 s1  }
0x63: {  	[bflag:$0x3] =	sbarrier.arrive $0xFFFF  }
0x64: {  	_ =	shalt  }

</sc_bundles>
